<compile_context>
chip_gen: v7x
topology: tpu7x:2x2x1
jax: 0.10.2.dev20260603
libtpu: 0.0.44.dev20260713+nightly
codegen_flags: <defaults>
</compile_context>

<pallas_src>
import functools

import jax
import jax.numpy as jnp
from jax import lax
from jax.experimental import pallas as pl
from jax.experimental.pallas import tpu as pltpu
from jax.experimental.pallas import tpu_sc as plsc

NUM_REL = 1000000
K = 16
BATCH = 16384

_NUM_CORES = 2
_NUM_SUBCORES = 16
_NW = _NUM_CORES * _NUM_SUBCORES
_B_PER_W = BATCH // _NW
_G = _B_PER_W // 16
_LINE = 128

_mesh = plsc.VectorSubcoreMesh(core_axis_name="c", subcore_axis_name="s")


@functools.partial(
    pl.kernel,
    mesh=_mesh,
    out_type=jax.ShapeDtypeStruct((K, BATCH), jnp.float32),
    scratch_types=[
        pltpu.VMEM((_B_PER_W,), jnp.int32),
        pltpu.VMEM((2, 16, K, _LINE), jnp.float32),
        pltpu.VMEM((K, _B_PER_W), jnp.float32),
        pltpu.SemaphoreType.DMA,
    ],
    compiler_params=pltpu.CompilerParams(needs_layout_passes=False),
)
def _gather(idx_hbm, table_hbm, out_hbm, idx_v, blk_v, stage_v, sem):
    wid = lax.axis_index("s") * _NUM_CORES + lax.axis_index("c")
    base = wid * _B_PER_W
    iota = lax.iota(jnp.int32, 16)
    pltpu.sync_copy(idx_hbm.at[pl.ds(base, _B_PER_W)], idx_v)

    def copies(g, ring):
        v16 = idx_v[pl.ds(g * 16, 16)]
        out = []
        for j in range(16):
            col_al = pl.multiple_of(((v16[j] >> 7) << 7), _LINE)
            out.append(
                pltpu.make_async_copy(
                    table_hbm.at[:, pl.ds(col_al, _LINE)],
                    blk_v.at[ring, j],
                    sem,
                )
            )
        return v16, out

    def issue_group(g, ring):
        _, cps = copies(g, ring)
        for cp in cps:
            cp.start()

    def extract_group(g, ring):
        v16, cps = copies(g, ring)
        for cp in cps:
            cp.wait()
        for j in range(16):
            rem = jnp.full((16,), v16[j] & (_LINE - 1), jnp.int32)
            vals = plsc.load_gather(blk_v.at[ring, j], [iota, rem])
            plsc.store_scatter(
                stage_v, [iota, jnp.full((16,), g * 16 + j, jnp.int32)], vals
            )

    issue_group(0, 0)

    def body(g, carry):
        issue_group(g + 1, (g + 1) & 1)
        extract_group(g, g & 1)
        return carry

    lax.fori_loop(0, _G - 1, body, 0)
    extract_group(_G - 1, (_G - 1) & 1)

    pltpu.sync_copy(stage_v, out_hbm.at[:, pl.ds(base, _B_PER_W)])


def kernel(batch_relation, rel_attention):
    out_phys = _gather(batch_relation.astype(jnp.int32), rel_attention.T)
    return out_phys.T

# --- scband reference (transcript-rebuilt; emitter-appended) ---
"""Pipeline reference for scband-rel-attention-73065983639793 (READ-ONLY COPY).

The authoritative reference and input builder live on the scoring server;
editing this copy changes nothing except your own understanding.
"""

import jax, jax.numpy as jnp
import numpy as np

NUM_REL = 1000000
K = 16
BATCH = 16384


def setup_inputs(seed: int = 0) -> dict:
    key = jax.random.key(seed)
    k_idx, k_tab = jax.random.split(key)
    batch_relation = jax.random.randint(k_idx, (BATCH,), 0, NUM_REL, dtype=jnp.int64 if jax.config.jax_enable_x64 else jnp.int32)
    # xavier_normal_ with gain=1.414 on a (num_rel, K) parameter:
    # std = gain * sqrt(2 / (fan_in + fan_out)) = 1.414 * sqrt(2 / (num_rel + K))
    std = 1.414 * np.sqrt(2.0 / (NUM_REL + K))
    rel_attention = jax.random.normal(k_tab, (NUM_REL, K), dtype=jnp.float32) * std
    return {"batch_relation": batch_relation, "rel_attention": rel_attention}


def reference(batch_relation, rel_attention):
    # self.rel_attention[batch_relation, :]
    return jnp.take(rel_attention, batch_relation, axis=0)

if __name__ == "__main__":
    import jax
    _d = setup_inputs()
    print(jax.jit(kernel)(*tuple(_d.values())))

</pallas_src>

<mosaic_0001>
#map = affine_map<(d0, d1) -> (0)>
#map1 = affine_map<(d0, d1) -> (0, 0)>
module attributes {stable_mosaic.version = 14 : i64} {
  func.func @_gather(%arg0: i32, %arg1: i32, %arg2: memref<16384xi32, #tpu.memory_space<hbm>>, %arg3: memref<16x1000000xf32, #tpu.memory_space<hbm>>, %arg4: memref<16x16384xf32, #tpu.memory_space<hbm>>, %arg5: memref<512xi32, #tpu.memory_space<vmem>>, %arg6: memref<2x16x16x128xf32, #tpu.memory_space<vmem>>, %arg7: memref<16x512xf32, #tpu.memory_space<vmem>>, %arg8: memref<!tpu.dma_semaphore, #tpu.memory_space<semaphore_mem>>) attributes {dimension_semantics = [#tpu.dimension_semantics<core_parallel>, #tpu.dimension_semantics<subcore_parallel>], iteration_bounds = array<i64: 2, 16>, scalar_prefetch = 0 : i64, scratch_operands = 4 : i64, tpu.core_type = #tpu.core_type<sc_vector_subcore>, window_params = [{transform_indices = #map}, {transform_indices = #map1}, {transform_indices = #map1}]} {
    %mul3A = arith.constant 2 : i32
    %mul3A_0 = arith.muli %arg1, %mul3A : i32
    %add3A = arith.addi %mul3A_0, %arg0 : i32
    %mul3A_1 = arith.constant 512 : i32
    %mul3A_2 = arith.muli %add3A, %mul3A_1 : i32
    %iota3A = tpu.iota {dimensions = array<i32: 0>} : vector<16xi32>
    "tpu.region"() ({
      %run_scoped3A = tpu.sem_alloc : memref<!tpu.dma_semaphore, #tpu.memory_space<semaphore_mem>>
      %dma_start3A_897 = tpu.memref_slice %arg2[%mul3A_2] : memref<16384xi32, #tpu.memory_space<hbm>> -> memref<512xi32, #tpu.memory_space<hbm>>
      %dma_start3A_898 = tpu.memref_slice %arg2[%mul3A_2] : memref<16384xi32, #tpu.memory_space<hbm>> -> memref<512xi32, #tpu.memory_space<hbm>>
      tpu.enqueue_dma source(%dma_start3A_898 : memref<512xi32, #tpu.memory_space<hbm>>) target(%arg5 : memref<512xi32, #tpu.memory_space<vmem>>) target_semaphore(%run_scoped3A : memref<!tpu.dma_semaphore, #tpu.memory_space<semaphore_mem>>)
      %dma_wait3A_899 = tpu.memref_slice %arg2[%mul3A_2] : memref<16384xi32, #tpu.memory_space<hbm>> -> memref<512xi32, #tpu.memory_space<hbm>>
      %dma_wait3A_900 = tpu.memref_slice %arg2[%mul3A_2] : memref<16384xi32, #tpu.memory_space<hbm>> -> memref<512xi32, #tpu.memory_space<hbm>>
      tpu.wait_dma2 semaphore(%run_scoped3A : memref<!tpu.dma_semaphore, #tpu.memory_space<semaphore_mem>>) src(%dma_wait3A_900 : memref<512xi32, #tpu.memory_space<hbm>>) dst(%arg5 : memref<512xi32, #tpu.memory_space<vmem>>)
      tpu.yield
    }) : () -> ()
    %get3A = arith.constant 0 : index
    %get3A_3 = tpu.vector_load %arg5[%get3A] {strides = array<i32>} : memref<512xi32, #tpu.memory_space<vmem>>, vector<16xi32>,
    %slice3A = vector.extract_strided_slice %get3A_3 {offsets = [0], sizes = [1], strides = [1]} : vector<16xi32> to vector<1xi32>
    %squeeze3A = vector.extract %slice3A[0] : i32 from vector<1xi32>
    %shift_right_arithmetic3A = arith.constant 7 : i32
    %shift_right_arithmetic3A_4 = arith.shrsi %squeeze3A, %shift_right_arithmetic3A : i32
    %shift_left3A = arith.constant 7 : i32
    %shift_left3A_5 = arith.shli %shift_right_arithmetic3A_4, %shift_left3A : i32
    %multiple_of3A = tpu.assume_multiple %shift_left3A_5, 128 : i32
    %slice3A_6 = vector.extract_strided_slice %get3A_3 {offsets = [1], sizes = [1], strides = [1]} : vector<16xi32> to vector<1xi32>
    %squeeze3A_7 = vector.extract %slice3A_6[0] : i32 from vector<1xi32>
    %shift_right_arithmetic3A_8 = arith.constant 7 : i32
    %shift_right_arithmetic3A_9 = arith.shrsi %squeeze3A_7, %shift_right_arithmetic3A_8 : i32
    %shift_left3A_10 = arith.constant 7 : i32
    %shift_left3A_11 = arith.shli %shift_right_arithmetic3A_9, %shift_left3A_10 : i32
    %multiple_of3A_12 = tpu.assume_multiple %shift_left3A_11, 128 : i32
    %slice3A_13 = vector.extract_strided_slice %get3A_3 {offsets = [2], sizes = [1], strides = [1]} : vector<16xi32> to vector<1xi32>
    %squeeze3A_14 = vector.extract %slice3A_13[0] : i32 from vector<1xi32>
    %shift_right_arithmetic3A_15 = arith.constant 7 : i32
    %shift_right_arithmetic3A_16 = arith.shrsi %squeeze3A_14, %shift_right_arithmetic3A_15 : i32
    %shift_left3A_17 = arith.constant 7 : i32
    %shift_left3A_18 = arith.shli %shift_right_arithmetic3A_16, %shift_left3A_17 : i32
    %multiple_of3A_19 = tpu.assume_multiple %shift_left3A_18, 128 : i32
    %slice3A_20 = vector.extract_strided_slice %get3A_3 {offsets = [3], sizes = [1], strides = [1]} : vector<16xi32> to vector<1xi32>
    %squeeze3A_21 = vector.extract %slice3A_20[0] : i32 from vector<1xi32>
    %shift_right_arithmetic3A_22 = arith.constant 7 : i32
    %shift_right_arithmetic3A_23 = arith.shrsi %squeeze3A_21, %shift_right_arithmetic3A_22 : i32
    %shift_left3A_24 = arith.constant 7 : i32
    %shift_left3A_25 = arith.shli %shift_right_arithmetic3A_23, %shift_left3A_24 : i32
    %multiple_of3A_26 = tpu.assume_multiple %shift_left3A_25, 128 : i32
    %slice3A_27 = vector.extract_strided_slice %get3A_3 {offsets = [4], sizes = [1], strides = [1]} : vector<16xi32> to vector<1xi32>
    %squeeze3A_28 = vector.extract %slice3A_27[0] : i32 from vector<1xi32>
    %shift_right_arithmetic3A_29 = arith.constant 7 : i32
    %shift_right_arithmetic3A_30 = arith.shrsi %squeeze3A_28, %shift_right_arithmetic3A_29 : i32
    %shift_left3A_31 = arith.constant 7 : i32
    %shift_left3A_32 = arith.shli %shift_right_arithmetic3A_30, %shift_left3A_31 : i32
    %multiple_of3A_33 = tpu.assume_multiple %shift_left3A_32, 128 : i32
    %slice3A_34 = vector.extract_strided_slice %get3A_3 {offsets = [5], sizes = [1], strides = [1]} : vector<16xi32> to vector<1xi32>
    %squeeze3A_35 = vector.extract %slice3A_34[0] : i32 from vector<1xi32>
    %shift_right_arithmetic3A_36 = arith.constant 7 : i32
    %shift_right_arithmetic3A_37 = arith.shrsi %squeeze3A_35, %shift_right_arithmetic3A_36 : i32
    %shift_left3A_38 = arith.constant 7 : i32
    %shift_left3A_39 = arith.shli %shift_right_arithmetic3A_37, %shift_left3A_38 : i32
    %multiple_of3A_40 = tpu.assume_multiple %shift_left3A_39, 128 : i32
    %slice3A_41 = vector.extract_strided_slice %get3A_3 {offsets = [6], sizes = [1], strides = [1]} : vector<16xi32> to vector<1xi32>
    %squeeze3A_42 = vector.extract %slice3A_41[0] : i32 from vector<1xi32>
    %shift_right_arithmetic3A_43 = arith.constant 7 : i32
    %shift_right_arithmetic3A_44 = arith.shrsi %squeeze3A_42, %shift_right_arithmetic3A_43 : i32
    %shift_left3A_45 = arith.constant 7 : i32
    %shift_left3A_46 = arith.shli %shift_right_arithmetic3A_44, %shift_left3A_45 : i32
    %multiple_of3A_47 = tpu.assume_multiple %shift_left3A_46, 128 : i32
    %slice3A_48 = vector.extract_strided_slice %get3A_3 {offsets = [7], sizes = [1], strides = [1]} : vector<16xi32> to vector<1xi32>
    %squeeze3A_49 = vector.extract %slice3A_48[0] : i32 from vector<1xi32>
    %shift_right_arithmetic3A_50 = arith.constant 7 : i32
    %shift_right_arithmetic3A_51 = arith.shrsi %squeeze3A_49, %shift_right_arithmetic3A_50 : i32
    %shift_left3A_52 = arith.constant 7 : i32
    %shift_left3A_53 = arith.shli %shift_right_arithmetic3A_51, %shift_left3A_52 : i32
    %multiple_of3A_54 = tpu.assume_multiple %shift_left3A_53, 128 : i32
    %slice3A_55 = vector.extract_strided_slice %get3A_3 {offsets = [8], sizes = [1], strides = [1]} : vector<16xi32> to vector<1xi32>
    %squeeze3A_56 = vector.extract %slice3A_55[0] : i32 from vector<1xi32>
    %shift_right_arithmetic3A_57 = arith.constant 7 : i32
    %shift_right_arithmetic3A_58 = arith.shrsi %squeeze3A_56, %shift_right_arithmetic3A_57 : i32
    %shift_left3A_59 = arith.constant 7 : i32
    %shift_left3A_60 = arith.shli %shift_right_arithmetic3A_58, %shift_left3A_59 : i32
    %multiple_of3A_61 = tpu.assume_multiple %shift_left3A_60, 128 : i32
    %slice3A_62 = vector.extract_strided_slice %get3A_3 {offsets = [9], sizes = [1], strides = [1]} : vector<16xi32> to vector<1xi32>
    %squeeze3A_63 = vector.extract %slice3A_62[0] : i32 from vector<1xi32>
    %shift_right_arithmetic3A_64 = arith.constant 7 : i32
    %shift_right_arithmetic3A_65 = arith.shrsi %squeeze3A_63, %shift_right_arithmetic3A_64 : i32
    %shift_left3A_66 = arith.constant 7 : i32
    %shift_left3A_67 = arith.shli %shift_right_arithmetic3A_65, %shift_left3A_66 : i32
    %multiple_of3A_68 = tpu.assume_multiple %shift_left3A_67, 128 : i32
    %slice3A_69 = vector.extract_strided_slice %get3A_3 {offsets = [10], sizes = [1], strides = [1]} : vector<16xi32> to vector<1xi32>
    %squeeze3A_70 = vector.extract %slice3A_69[0] : i32 from vector<1xi32>
    %shift_right_arithmetic3A_71 = arith.constant 7 : i32
    %shift_right_arithmetic3A_72 = arith.shrsi %squeeze3A_70, %shift_right_arithmetic3A_71 : i32
    %shift_left3A_73 = arith.constant 7 : i32
    %shift_left3A_74 = arith.shli %shift_right_arithmetic3A_72, %shift_left3A_73 : i32
    %multiple_of3A_75 = tpu.assume_multiple %shift_left3A_74, 128 : i32
    %slice3A_76 = vector.extract_strided_slice %get3A_3 {offsets = [11], sizes = [1], strides = [1]} : vector<16xi32> to vector<1xi32>
    %squeeze3A_77 = vector.extract %slice3A_76[0] : i32 from vector<1xi32>
    %shift_right_arithmetic3A_78 = arith.constant 7 : i32
    %shift_right_arithmetic3A_79 = arith.shrsi %squeeze3A_77, %shift_right_arithmetic3A_78 : i32
    %shift_left3A_80 = arith.constant 7 : i32
    %shift_left3A_81 = arith.shli %shift_right_arithmetic3A_79, %shift_left3A_80 : i32
    %multiple_of3A_82 = tpu.assume_multiple %shift_left3A_81, 128 : i32
    %slice3A_83 = vector.extract_strided_slice %get3A_3 {offsets = [12], sizes = [1], strides = [1]} : vector<16xi32> to vector<1xi32>
    %squeeze3A_84 = vector.extract %slice3A_83[0] : i32 from vector<1xi32>
    %shift_right_arithmetic3A_85 = arith.constant 7 : i32
    %shift_right_arithmetic3A_86 = arith.shrsi %squeeze3A_84, %shift_right_arithmetic3A_85 : i32
    %shift_left3A_87 = arith.constant 7 : i32
    %shift_left3A_88 = arith.shli %shift_right_arithmetic3A_86, %shift_left3A_87 : i32
    %multiple_of3A_89 = tpu.assume_multiple %shift_left3A_88, 128 : i32
    %slice3A_90 = vector.extract_strided_slice %get3A_3 {offsets = [13], sizes = [1], strides = [1]} : vector<16xi32> to vector<1xi32>
    %squeeze3A_91 = vector.extract %slice3A_90[0] : i32 from vector<1xi32>
    %shift_right_arithmetic3A_92 = arith.constant 7 : i32
    %shift_right_arithmetic3A_93 = arith.shrsi %squeeze3A_91, %shift_right_arithmetic3A_92 : i32
    %shift_left3A_94 = arith.constant 7 : i32
    %shift_left3A_95 = arith.shli %shift_right_arithmetic3A_93, %shift_left3A_94 : i32
    %multiple_of3A_96 = tpu.assume_multiple %shift_left3A_95, 128 : i32
    %slice3A_97 = vector.extract_strided_slice %get3A_3 {offsets = [14], sizes = [1], strides = [1]} : vector<16xi32> to vector<1xi32>
    %squeeze3A_98 = vector.extract %slice3A_97[0] : i32 from vector<1xi32>
    %shift_right_arithmetic3A_99 = arith.constant 7 : i32
    %shift_right_arithmetic3A_100 = arith.shrsi %squeeze3A_98, %shift_right_arithmetic3A_99 : i32
    %shift_left3A_101 = arith.constant 7 : i32
    %shift_left3A_102 = arith.shli %shift_right_arithmetic3A_100, %shift_left3A_101 : i32
    %multiple_of3A_103 = tpu.assume_multiple %shift_left3A_102, 128 : i32
    %slice3A_104 = vector.extract_strided_slice %get3A_3 {offsets = [15], sizes = [1], strides = [1]} : vector<16xi32> to vector<1xi32>
    %squeeze3A_105 = vector.extract %slice3A_104[0] : i32 from vector<1xi32>
    %shift_right_arithmetic3A_106 = arith.constant 7 : i32
    %shift_right_arithmetic3A_107 = arith.shrsi %squeeze3A_105, %shift_right_arithmetic3A_106 : i32
    %shift_left3A_108 = arith.constant 7 : i32
    %shift_left3A_109 = arith.shli %shift_right_arithmetic3A_107, %shift_left3A_108 : i32
    %multiple_of3A_110 = tpu.assume_multiple %shift_left3A_109, 128 : i32
    %dma_start3A = arith.constant 0 : i32
    %dma_start3A_111 = arith.constant 0 : i32
    %dma_start3A_112 = arith.constant 0 : i32
    %dma_start3A_113 = arith.constant 0 : i32
    %dma_start3A_114 = tpu.memref_slice %arg6[%dma_start3A, %dma_start3A_111, %dma_start3A_112, %dma_start3A_113] : memref<2x16x16x128xf32, #tpu.memory_space<vmem>> -> memref<1x1x16x128xf32, #tpu.memory_space<vmem>>
    %dma_start3A_115 = tpu.memref_squeeze %dma_start3A_114 : memref<1x1x16x128xf32, #tpu.memory_space<vmem>> -> memref<16x128xf32, #tpu.memory_space<vmem>>
    %dma_start3A_116 = arith.constant 0 : i32
    %dma_start3A_117 = tpu.memref_slice %arg3[%dma_start3A_116, %multiple_of3A] : memref<16x1000000xf32, #tpu.memory_space<hbm>> -> memref<16x128xf32, #tpu.memory_space<hbm>>
    %dma_start3A_118 = arith.constant 0 : i32
    %dma_start3A_119 = arith.constant 0 : i32
    %dma_start3A_120 = tpu.memref_slice %arg6[%dma_start3A, %dma_start3A_111, %dma_start3A_118, %dma_start3A_119] : memref<2x16x16x128xf32, #tpu.memory_space<vmem>> -> memref<1x1x16x128xf32, #tpu.memory_space<vmem>>
    %dma_start3A_121 = tpu.memref_squeeze %dma_start3A_120 : memref<1x1x16x128xf32, #tpu.memory_space<vmem>> -> memref<16x128xf32, #tpu.memory_space<vmem>>
    %dma_start3A_122 = arith.constant 0 : i32
    %dma_start3A_123 = tpu.memref_slice %arg3[%dma_start3A_122, %multiple_of3A] : memref<16x1000000xf32, #tpu.memory_space<hbm>> -> memref<16x128xf32, #tpu.memory_space<hbm>>
    tpu.enqueue_dma source(%dma_start3A_123 : memref<16x128xf32, #tpu.memory_space<hbm>>) target(%dma_start3A_121 : memref<16x128xf32, #tpu.memory_space<vmem>>) target_semaphore(%arg8 : memref<!tpu.dma_semaphore, #tpu.memory_space<semaphore_mem>>)
    %dma_start3A_124 = arith.constant 0 : i32
    %dma_start3A_125 = arith.constant 1 : i32
    %dma_start3A_126 = arith.constant 0 : i32
    %dma_start3A_127 = arith.constant 0 : i32
    %dma_start3A_128 = tpu.memref_slice %arg6[%dma_start3A_124, %dma_start3A_125, %dma_start3A_126, %dma_start3A_127] : memref<2x16x16x128xf32, #tpu.memory_space<vmem>> -> memref<1x1x16x128xf32, #tpu.memory_space<vmem>>
    %dma_start3A_129 = tpu.memref_squeeze %dma_start3A_128 : memref<1x1x16x128xf32, #tpu.memory_space<vmem>> -> memref<16x128xf32, #tpu.memory_space<vmem>>
    %dma_start3A_130 = arith.constant 0 : i32
    %dma_start3A_131 = tpu.memref_slice %arg3[%dma_start3A_130, %multiple_of3A_12] : memref<16x1000000xf32, #tpu.memory_space<hbm>> -> memref<16x128xf32, #tpu.memory_space<hbm>>
    %dma_start3A_132 = arith.constant 0 : i32
    %dma_start3A_133 = arith.constant 0 : i32
    %dma_start3A_134 = tpu.memref_slice %arg6[%dma_start3A_124, %dma_start3A_125, %dma_start3A_132, %dma_start3A_133] : memref<2x16x16x128xf32, #tpu.memory_space<vmem>> -> memref<1x1x16x128xf32, #tpu.memory_space<vmem>>
    %dma_start3A_135 = tpu.memref_squeeze %dma_start3A_134 : memref<1x1x16x128xf32, #tpu.memory_space<vmem>> -> memref<16x128xf32, #tpu.memory_space<vmem>>
    %dma_start3A_136 = arith.constant 0 : i32
    %dma_start3A_137 = tpu.memref_slice %arg3[%dma_start3A_136, %multiple_of3A_12] : memref<16x1000000xf32, #tpu.memory_space<hbm>> -> memref<16x128xf32, #tpu.memory_space<hbm>>
    tpu.enqueue_dma source(%dma_start3A_137 : memref<16x128xf32, #tpu.memory_space<hbm>>) target(%dma_start3A_135 : memref<16x128xf32, #tpu.memory_space<vmem>>) target_semaphore(%arg8 : memref<!tpu.dma_semaphore, #tpu.memory_space<semaphore_mem>>)
    %dma_start3A_138 = arith.constant 0 : i32
    %dma_start3A_139 = arith.constant 2 : i32
    %dma_start3A_140 = arith.constant 0 : i32
    %dma_start3A_141 = arith.constant 0 : i32
    %dma_start3A_142 = tpu.memref_slice %arg6[%dma_start3A_138, %dma_start3A_139, %dma_start3A_140, %dma_start3A_141] : memref<2x16x16x128xf32, #tpu.memory_space<vmem>> -> memref<1x1x16x128xf32, #tpu.memory_space<vmem>>
    %dma_start3A_143 = tpu.memref_squeeze %dma_start3A_142 : memref<1x1x16x128xf32, #tpu.memory_space<vmem>> -> memref<16x128xf32, #tpu.memory_space<vmem>>
    %dma_start3A_144 = arith.constant 0 : i32
    %dma_start3A_145 = tpu.memref_slice %arg3[%dma_start3A_144, %multiple_of3A_19] : memref<16x1000000xf32, #tpu.memory_space<hbm>> -> memref<16x128xf32, #tpu.memory_space<hbm>>
    %dma_start3A_146 = arith.constant 0 : i32
    %dma_start3A_147 = arith.constant 0 : i32
    %dma_start3A_148 = tpu.memref_slice %arg6[%dma_start3A_138, %dma_start3A_139, %dma_start3A_146, %dma_start3A_147] : memref<2x16x16x128xf32, #tpu.memory_space<vmem>> -> memref<1x1x16x128xf32, #tpu.memory_space<vmem>>
    %dma_start3A_149 = tpu.memref_squeeze %dma_start3A_148 : memref<1x1x16x128xf32, #tpu.memory_space<vmem>> -> memref<16x128xf32, #tpu.memory_space<vmem>>
    %dma_start3A_150 = arith.constant 0 : i32
    %dma_start3A_151 = tpu.memref_slice %arg3[%dma_start3A_150, %multiple_of3A_19] : memref<16x1000000xf32, #tpu.memory_space<hbm>> -> memref<16x128xf32, #tpu.memory_space<hbm>>
    tpu.enqueue_dma source(%dma_start3A_151 : memref<16x128xf32, #tpu.memory_space<hbm>>) target(%dma_start3A_149 : memref<16x128xf32, #tpu.memory_space<vmem>>) target_semaphore(%arg8 : memref<!tpu.dma_semaphore, #tpu.memory_space<semaphore_mem>>)
    %dma_start3A_152 = arith.constant 0 : i32
    %dma_start3A_153 = arith.constant 3 : i32
    %dma_start3A_154 = arith.constant 0 : i32
    %dma_start3A_155 = arith.constant 0 : i32
    %dma_start3A_156 = tpu.memref_slice %arg6[%dma_start3A_152, %dma_start3A_153, %dma_start3A_154, %dma_start3A_155] : memref<2x16x16x128xf32, #tpu.memory_space<vmem>> -> memref<1x1x16x128xf32, #tpu.memory_space<vmem>>
    %dma_start3A_157 = tpu.memref_squeeze %dma_start3A_156 : memref<1x1x16x128xf32, #tpu.memory_space<vmem>> -> memref<16x128xf32, #tpu.memory_space<vmem>>
    %dma_start3A_158 = arith.constant 0 : i32
    %dma_start3A_159 = tpu.memref_slice %arg3[%dma_start3A_158, %multiple_of3A_26] : memref<16x1000000xf32, #tpu.memory_space<hbm>> -> memref<16x128xf32, #tpu.memory_space<hbm>>
    %dma_start3A_160 = arith.constant 0 : i32
    %dma_start3A_161 = arith.constant 0 : i32
    %dma_start3A_162 = tpu.memref_slice %arg6[%dma_start3A_152, %dma_start3A_153, %dma_start3A_160, %dma_start3A_161] : memref<2x16x16x128xf32, #tpu.memory_space<vmem>> -> memref<1x1x16x128xf32, #tpu.memory_space<vmem>>
    %dma_start3A_163 = tpu.memref_squeeze %dma_start3A_162 : memref<1x1x16x128xf32, #tpu.memory_space<vmem>> -> memref<16x128xf32, #tpu.memory_space<vmem>>
    %dma_start3A_164 = arith.constant 0 : i32
    %dma_start3A_165 = tpu.memref_slice %arg3[%dma_start3A_164, %multiple_of3A_26] : memref<16x1000000xf32, #tpu.memory_space<hbm>> -> memref<16x128xf32, #tpu.memory_space<hbm>>
    tpu.enqueue_dma source(%dma_start3A_165 : memref<16x128xf32, #tpu.memory_space<hbm>>) target(%dma_start3A_163 : memref<16x128xf32, #tpu.memory_space<vmem>>) target_semaphore(%arg8 : memref<!tpu.dma_semaphore, #tpu.memory_space<semaphore_mem>>)
    %dma_start3A_166 = arith.constant 0 : i32
    %dma_start3A_167 = arith.constant 4 : i32
    %dma_start3A_168 = arith.constant 0 : i32
    %dma_start3A_169 = arith.constant 0 : i32
    %dma_start3A_170 = tpu.memref_slice %arg6[%dma_start3A_166, %dma_start3A_167, %dma_start3A_168, %dma_start3A_169] : memref<2x16x16x128xf32, #tpu.memory_space<vmem>> -> memref<1x1x16x128xf32, #tpu.memory_space<vmem>>
    %dma_start3A_171 = tpu.memref_squeeze %dma_start3A_170 : memref<1x1x16x128xf32, #tpu.memory_space<vmem>> -> memref<16x128xf32, #tpu.memory_space<vmem>>
    %dma_start3A_172 = arith.constant 0 : i32
    %dma_start3A_173 = tpu.memref_slice %arg3[%dma_start3A_172, %multiple_of3A_33] : memref<16x1000000xf32, #tpu.memory_space<hbm>> -> memref<16x128xf32, #tpu.memory_space<hbm>>
    %dma_start3A_174 = arith.constant 0 : i32
    %dma_start3A_175 = arith.constant 0 : i32
    %dma_start3A_176 = tpu.memref_slice %arg6[%dma_start3A_166, %dma_start3A_167, %dma_start3A_174, %dma_start3A_175] : memref<2x16x16x128xf32, #tpu.memory_space<vmem>> -> memref<1x1x16x128xf32, #tpu.memory_space<vmem>>
    %dma_start3A_177 = tpu.memref_squeeze %dma_start3A_176 : memref<1x1x16x128xf32, #tpu.memory_space<vmem>> -> memref<16x128xf32, #tpu.memory_space<vmem>>
    %dma_start3A_178 = arith.constant 0 : i32
    %dma_start3A_179 = tpu.memref_slice %arg3[%dma_start3A_178, %multiple_of3A_33] : memref<16x1000000xf32, #tpu.memory_space<hbm>> -> memref<16x128xf32, #tpu.memory_space<hbm>>
    tpu.enqueue_dma source(%dma_start3A_179 : memref<16x128xf32, #tpu.memory_space<hbm>>) target(%dma_start3A_177 : memref<16x128xf32, #tpu.memory_space<vmem>>) target_semaphore(%arg8 : memref<!tpu.dma_semaphore, #tpu.memory_space<semaphore_mem>>)
    %dma_start3A_180 = arith.constant 0 : i32
    %dma_start3A_181 = arith.constant 5 : i32
    %dma_start3A_182 = arith.constant 0 : i32
    %dma_start3A_183 = arith.constant 0 : i32
    %dma_start3A_184 = tpu.memref_slice %arg6[%dma_start3A_180, %dma_start3A_181, %dma_start3A_182, %dma_start3A_183] : memref<2x16x16x128xf32, #tpu.memory_space<vmem>> -> memref<1x1x16x128xf32, #tpu.memory_space<vmem>>
    %dma_start3A_185 = tpu.memref_squeeze %dma_start3A_184 : memref<1x1x16x128xf32, #tpu.memory_space<vmem>> -> memref<16x128xf32, #tpu.memory_space<vmem>>
    %dma_start3A_186 = arith.constant 0 : i32
    %dma_start3A_187 = tpu.memref_slice %arg3[%dma_start3A_186, %multiple_of3A_40] : memref<16x1000000xf32, #tpu.memory_space<hbm>> -> memref<16x128xf32, #tpu.memory_space<hbm>>
    %dma_start3A_188 = arith.constant 0 : i32
    %dma_start3A_189 = arith.constant 0 : i32
    %dma_start3A_190 = tpu.memref_slice %arg6[%dma_start3A_180, %dma_start3A_181, %dma_start3A_188, %dma_start3A_189] : memref<2x16x16x128xf32, #tpu.memory_space<vmem>> -> memref<1x1x16x128xf32, #tpu.memory_space<vmem>>
    %dma_start3A_191 = tpu.memref_squeeze %dma_start3A_190 : memref<1x1x16x128xf32, #tpu.memory_space<vmem>> -> memref<16x128xf32, #tpu.memory_space<vmem>>
    %dma_start3A_192 = arith.constant 0 : i32
    %dma_start3A_193 = tpu.memref_slice %arg3[%dma_start3A_192, %multiple_of3A_40] : memref<16x1000000xf32, #tpu.memory_space<hbm>> -> memref<16x128xf32, #tpu.memory_space<hbm>>
    tpu.enqueue_dma source(%dma_start3A_193 : memref<16x128xf32, #tpu.memory_space<hbm>>) target(%dma_start3A_191 : memref<16x128xf32, #tpu.memory_space<vmem>>) target_semaphore(%arg8 : memref<!tpu.dma_semaphore, #tpu.memory_space<semaphore_mem>>)
    %dma_start3A_194 = arith.constant 0 : i32
    %dma_start3A_195 = arith.constant 6 : i32
    %dma_start3A_196 = arith.constant 0 : i32
    %dma_start3A_197 = arith.constant 0 : i32
    %dma_start3A_198 = tpu.memref_slice %arg6[%dma_start3A_194, %dma_start3A_195, %dma_start3A_196, %dma_start3A_197] : memref<2x16x16x128xf32, #tpu.memory_space<vmem>> -> memref<1x1x16x128xf32, #tpu.memory_space<vmem>>
    %dma_start3A_199 = tpu.memref_squeeze %dma_start3A_198 : memref<1x1x16x128xf32, #tpu.memory_space<vmem>> -> memref<16x128xf32, #tpu.memory_space<vmem>>
    %dma_start3A_200 = arith.constant 0 : i32
    %dma_start3A_201 = tpu.memref_slice %arg3[%dma_start3A_200, %multiple_of3A_47] : memref<16x1000000xf32, #tpu.memory_space<hbm>> -> memref<16x128xf32, #tpu.memory_space<hbm>>
    %dma_start3A_202 = arith.constant 0 : i32
    %dma_start3A_203 = arith.constant 0 : i32
    %dma_start3A_204 = tpu.memref_slice %arg6[%dma_start3A_194, %dma_start3A_195, %dma_start3A_202, %dma_start3A_203] : memref<2x16x16x128xf32, #tpu.memory_space<vmem>> -> memref<1x1x16x128xf32, #tpu.memory_space<vmem>>
    %dma_start3A_205 = tpu.memref_squeeze %dma_start3A_204 : memref<1x1x16x128xf32, #tpu.memory_space<vmem>> -> memref<16x128xf32, #tpu.memory_space<vmem>>
    %dma_start3A_206 = arith.constant 0 : i32
    %dma_start3A_207 = tpu.memref_slice %arg3[%dma_start3A_206, %multiple_of3A_47] : memref<16x1000000xf32, #tpu.memory_space<hbm>> -> memref<16x128xf32, #tpu.memory_space<hbm>>
    tpu.enqueue_dma source(%dma_start3A_207 : memref<16x128xf32, #tpu.memory_space<hbm>>) target(%dma_start3A_205 : memref<16x128xf32, #tpu.memory_space<vmem>>) target_semaphore(%arg8 : memref<!tpu.dma_semaphore, #tpu.memory_space<semaphore_mem>>)
    %dma_start3A_208 = arith.constant 0 : i32
    %dma_start3A_209 = arith.constant 7 : i32
    %dma_start3A_210 = arith.constant 0 : i32
    %dma_start3A_211 = arith.constant 0 : i32
    %dma_start3A_212 = tpu.memref_slice %arg6[%dma_start3A_208, %dma_start3A_209, %dma_start3A_210, %dma_start3A_211] : memref<2x16x16x128xf32, #tpu.memory_space<vmem>> -> memref<1x1x16x128xf32, #tpu.memory_space<vmem>>
    %dma_start3A_213 = tpu.memref_squeeze %dma_start3A_212 : memref<1x1x16x128xf32, #tpu.memory_space<vmem>> -> memref<16x128xf32, #tpu.memory_space<vmem>>
    %dma_start3A_214 = arith.constant 0 : i32
    %dma_start3A_215 = tpu.memref_slice %arg3[%dma_start3A_214, %multiple_of3A_54] : memref<16x1000000xf32, #tpu.memory_space<hbm>> -> memref<16x128xf32, #tpu.memory_space<hbm>>
    %dma_start3A_216 = arith.constant 0 : i32
    %dma_start3A_217 = arith.constant 0 : i32
    %dma_start3A_218 = tpu.memref_slice %arg6[%dma_start3A_208, %dma_start3A_209, %dma_start3A_216, %dma_start3A_217] : memref<2x16x16x128xf32, #tpu.memory_space<vmem>> -> memref<1x1x16x128xf32, #tpu.memory_space<vmem>>
    %dma_start3A_219 = tpu.memref_squeeze %dma_start3A_218 : memref<1x1x16x128xf32, #tpu.memory_space<vmem>> -> memref<16x128xf32, #tpu.memory_space<vmem>>
    %dma_start3A_220 = arith.constant 0 : i32
    %dma_start3A_221 = tpu.memref_slice %arg3[%dma_start3A_220, %multiple_of3A_54] : memref<16x1000000xf32, #tpu.memory_space<hbm>> -> memref<16x128xf32, #tpu.memory_space<hbm>>
    tpu.enqueue_dma source(%dma_start3A_221 : memref<16x128xf32, #tpu.memory_space<hbm>>) target(%dma_start3A_219 : memref<16x128xf32, #tpu.memory_space<vmem>>) target_semaphore(%arg8 : memref<!tpu.dma_semaphore, #tpu.memory_space<semaphore_mem>>)
    %dma_start3A_222 = arith.constant 0 : i32
    %dma_start3A_223 = arith.constant 8 : i32
    %dma_start3A_224 = arith.constant 0 : i32
    %dma_start3A_225 = arith.constant 0 : i32
    %dma_start3A_226 = tpu.memref_slice %arg6[%dma_start3A_222, %dma_start3A_223, %dma_start3A_224, %dma_start3A_225] : memref<2x16x16x128xf32, #tpu.memory_space<vmem>> -> memref<1x1x16x128xf32, #tpu.memory_space<vmem>>
    %dma_start3A_227 = tpu.memref_squeeze %dma_start3A_226 : memref<1x1x16x128xf32, #tpu.memory_space<vmem>> -> memref<16x128xf32, #tpu.memory_space<vmem>>
    %dma_start3A_228 = arith.constant 0 : i32
    %dma_start3A_229 = tpu.memref_slice %arg3[%dma_start3A_228, %multiple_of3A_61] : memref<16x1000000xf32, #tpu.memory_space<hbm>> -> memref<16x128xf32, #tpu.memory_space<hbm>>
    %dma_start3A_230 = arith.constant 0 : i32
    %dma_start3A_231 = arith.constant 0 : i32
    %dma_start3A_232 = tpu.memref_slice %arg6[%dma_start3A_222, %dma_start3A_223, %dma_start3A_230, %dma_start3A_231] : memref<2x16x16x128xf32, #tpu.memory_space<vmem>> -> memref<1x1x16x128xf32, #tpu.memory_space<vmem>>
    %dma_start3A_233 = tpu.memref_squeeze %dma_start3A_232 : memref<1x1x16x128xf32, #tpu.memory_space<vmem>> -> memref<16x128xf32, #tpu.memory_space<vmem>>
    %dma_start3A_234 = arith.constant 0 : i32
    %dma_start3A_235 = tpu.memref_slice %arg3[%dma_start3A_234, %multiple_of3A_61] : memref<16x1000000xf32, #tpu.memory_space<hbm>> -> memref<16x128xf32, #tpu.memory_space<hbm>>
    tpu.enqueue_dma source(%dma_start3A_235 : memref<16x128xf32, #tpu.memory_space<hbm>>) target(%dma_start3A_233 : memref<16x128xf32, #tpu.memory_space<vmem>>) target_semaphore(%arg8 : memref<!tpu.dma_semaphore, #tpu.memory_space<semaphore_mem>>)
    %dma_start3A_236 = arith.constant 0 : i32
    %dma_start3A_237 = arith.constant 9 : i32
    %dma_start3A_238 = arith.constant 0 : i32
    %dma_start3A_239 = arith.constant 0 : i32
    %dma_start3A_240 = tpu.memref_slice %arg6[%dma_start3A_236, %dma_start3A_237, %dma_start3A_238, %dma_start3A_239] : memref<2x16x16x128xf32, #tpu.memory_space<vmem>> -> memref<1x1x16x128xf32, #tpu.memory_space<vmem>>
    %dma_start3A_241 = tpu.memref_squeeze %dma_start3A_240 : memref<1x1x16x128xf32, #tpu.memory_space<vmem>> -> memref<16x128xf32, #tpu.memory_space<vmem>>
    %dma_start3A_242 = arith.constant 0 : i32
    %dma_start3A_243 = tpu.memref_slice %arg3[%dma_start3A_242, %multiple_of3A_68] : memref<16x1000000xf32, #tpu.memory_space<hbm>> -> memref<16x128xf32, #tpu.memory_space<hbm>>
    %dma_start3A_244 = arith.constant 0 : i32
    %dma_start3A_245 = arith.constant 0 : i32
    %dma_start3A_246 = tpu.memref_slice %arg6[%dma_start3A_236, %dma_start3A_237, %dma_start3A_244, %dma_start3A_245] : memref<2x16x16x128xf32, #tpu.memory_space<vmem>> -> memref<1x1x16x128xf32, #tpu.memory_space<vmem>>
    %dma_start3A_247 = tpu.memref_squeeze %dma_start3A_246 : memref<1x1x16x128xf32, #tpu.memory_space<vmem>> -> memref<16x128xf32, #tpu.memory_space<vmem>>
    %dma_start3A_248 = arith.constant 0 : i32
    %dma_start3A_249 = tpu.memref_slice %arg3[%dma_start3A_248, %multiple_of3A_68] : memref<16x1000000xf32, #tpu.memory_space<hbm>> -> memref<16x128xf32, #tpu.memory_space<hbm>>
    tpu.enqueue_dma source(%dma_start3A_249 : memref<16x128xf32, #tpu.memory_space<hbm>>) target(%dma_start3A_247 : memref<16x128xf32, #tpu.memory_space<vmem>>) target_semaphore(%arg8 : memref<!tpu.dma_semaphore, #tpu.memory_space<semaphore_mem>>)
    %dma_start3A_250 = arith.constant 0 : i32
    %dma_start3A_251 = arith.constant 10 : i32
    %dma_start3A_252 = arith.constant 0 : i32
    %dma_start3A_253 = arith.constant 0 : i32
    %dma_start3A_254 = tpu.memref_slice %arg6[%dma_start3A_250, %dma_start3A_251, %dma_start3A_252, %dma_start3A_253] : memref<2x16x16x128xf32, #tpu.memory_space<vmem>> -> memref<1x1x16x128xf32, #tpu.memory_space<vmem>>
    %dma_start3A_255 = tpu.memref_squeeze %dma_start3A_254 : memref<1x1x16x128xf32, #tpu.memory_space<vmem>> -> memref<16x128xf32, #tpu.memory_space<vmem>>
    %dma_start3A_256 = arith.constant 0 : i32
    %dma_start3A_257 = tpu.memref_slice %arg3[%dma_start3A_256, %multiple_of3A_75] : memref<16x1000000xf32, #tpu.memory_space<hbm>> -> memref<16x128xf32, #tpu.memory_space<hbm>>
    %dma_start3A_258 = arith.constant 0 : i32
    %dma_start3A_259 = arith.constant 0 : i32
    %dma_start3A_260 = tpu.memref_slice %arg6[%dma_start3A_250, %dma_start3A_251, %dma_start3A_258, %dma_start3A_259] : memref<2x16x16x128xf32, #tpu.memory_space<vmem>> -> memref<1x1x16x128xf32, #tpu.memory_space<vmem>>
    %dma_start3A_261 = tpu.memref_squeeze %dma_start3A_260 : memref<1x1x16x128xf32, #tpu.memory_space<vmem>> -> memref<16x128xf32, #tpu.memory_space<vmem>>
    %dma_start3A_262 = arith.constant 0 : i32
    %dma_start3A_263 = tpu.memref_slice %arg3[%dma_start3A_262, %multiple_of3A_75] : memref<16x1000000xf32, #tpu.memory_space<hbm>> -> memref<16x128xf32, #tpu.memory_space<hbm>>
    tpu.enqueue_dma source(%dma_start3A_263 : memref<16x128xf32, #tpu.memory_space<hbm>>) target(%dma_start3A_261 : memref<16x128xf32, #tpu.memory_space<vmem>>) target_semaphore(%arg8 : memref<!tpu.dma_semaphore, #tpu.memory_space<semaphore_mem>>)
    %dma_start3A_264 = arith.constant 0 : i32
    %dma_start3A_265 = arith.constant 11 : i32
    %dma_start3A_266 = arith.constant 0 : i32
    %dma_start3A_267 = arith.constant 0 : i32
    %dma_start3A_268 = tpu.memref_slice %arg6[%dma_start3A_264, %dma_start3A_265, %dma_start3A_266, %dma_start3A_267] : memref<2x16x16x128xf32, #tpu.memory_space<vmem>> -> memref<1x1x16x128xf32, #tpu.memory_space<vmem>>
    %dma_start3A_269 = tpu.memref_squeeze %dma_start3A_268 : memref<1x1x16x128xf32, #tpu.memory_space<vmem>> -> memref<16x128xf32, #tpu.memory_space<vmem>>
    %dma_start3A_270 = arith.constant 0 : i32
    %dma_start3A_271 = tpu.memref_slice %arg3[%dma_start3A_270, %multiple_of3A_82] : memref<16x1000000xf32, #tpu.memory_space<hbm>> -> memref<16x128xf32, #tpu.memory_space<hbm>>
    %dma_start3A_272 = arith.constant 0 : i32
    %dma_start3A_273 = arith.constant 0 : i32
    %dma_start3A_274 = tpu.memref_slice %arg6[%dma_start3A_264, %dma_start3A_265, %dma_start3A_272, %dma_start3A_273] : memref<2x16x16x128xf32, #tpu.memory_space<vmem>> -> memref<1x1x16x128xf32, #tpu.memory_space<vmem>>
    %dma_start3A_275 = tpu.memref_squeeze %dma_start3A_274 : memref<1x1x16x128xf32, #tpu.memory_space<vmem>> -> memref<16x128xf32, #tpu.memory_space<vmem>>
    %dma_start3A_276 = arith.constant 0 : i32
    %dma_start3A_277 = tpu.memref_slice %arg3[%dma_start3A_276, %multiple_of3A_82] : memref<16x1000000xf32, #tpu.memory_space<hbm>> -> memref<16x128xf32, #tpu.memory_space<hbm>>
    tpu.enqueue_dma source(%dma_start3A_277 : memref<16x128xf32, #tpu.memory_space<hbm>>) target(%dma_start3A_275 : memref<16x128xf32, #tpu.memory_space<vmem>>) target_semaphore(%arg8 : memref<!tpu.dma_semaphore, #tpu.memory_space<semaphore_mem>>)
    %dma_start3A_278 = arith.constant 0 : i32
    %dma_start3A_279 = arith.constant 12 : i32
    %dma_start3A_280 = arith.constant 0 : i32
    %dma_start3A_281 = arith.constant 0 : i32
    %dma_start3A_282 = tpu.memref_slice %arg6[%dma_start3A_278, %dma_start3A_279, %dma_start3A_280, %dma_start3A_281] : memref<2x16x16x128xf32, #tpu.memory_space<vmem>> -> memref<1x1x16x128xf32, #tpu.memory_space<vmem>>
    %dma_start3A_283 = tpu.memref_squeeze %dma_start3A_282 : memref<1x1x16x128xf32, #tpu.memory_space<vmem>> -> memref<16x128xf32, #tpu.memory_space<vmem>>
    %dma_start3A_284 = arith.constant 0 : i32
    %dma_start3A_285 = tpu.memref_slice %arg3[%dma_start3A_284, %multiple_of3A_89] : memref<16x1000000xf32, #tpu.memory_space<hbm>> -> memref<16x128xf32, #tpu.memory_space<hbm>>
    %dma_start3A_286 = arith.constant 0 : i32
    %dma_start3A_287 = arith.constant 0 : i32
    %dma_start3A_288 = tpu.memref_slice %arg6[%dma_start3A_278, %dma_start3A_279, %dma_start3A_286, %dma_start3A_287] : memref<2x16x16x128xf32, #tpu.memory_space<vmem>> -> memref<1x1x16x128xf32, #tpu.memory_space<vmem>>
    %dma_start3A_289 = tpu.memref_squeeze %dma_start3A_288 : memref<1x1x16x128xf32, #tpu.memory_space<vmem>> -> memref<16x128xf32, #tpu.memory_space<vmem>>
    %dma_start3A_290 = arith.constant 0 : i32
    %dma_start3A_291 = tpu.memref_slice %arg3[%dma_start3A_290, %multiple_of3A_89] : memref<16x1000000xf32, #tpu.memory_space<hbm>> -> memref<16x128xf32, #tpu.memory_space<hbm>>
    tpu.enqueue_dma source(%dma_start3A_291 : memref<16x128xf32, #tpu.memory_space<hbm>>) target(%dma_start3A_289 : memref<16x128xf32, #tpu.memory_space<vmem>>) target_semaphore(%arg8 : memref<!tpu.dma_semaphore, #tpu.memory_space<semaphore_mem>>)
    %dma_start3A_292 = arith.constant 0 : i32
    %dma_start3A_293 = arith.constant 13 : i32
    %dma_start3A_294 = arith.constant 0 : i32
    %dma_start3A_295 = arith.constant 0 : i32
    %dma_start3A_296 = tpu.memref_slice %arg6[%dma_start3A_292, %dma_start3A_293, %dma_start3A_294, %dma_start3A_295] : memref<2x16x16x128xf32, #tpu.memory_space<vmem>> -> memref<1x1x16x128xf32, #tpu.memory_space<vmem>>
    %dma_start3A_297 = tpu.memref_squeeze %dma_start3A_296 : memref<1x1x16x128xf32, #tpu.memory_space<vmem>> -> memref<16x128xf32, #tpu.memory_space<vmem>>
    %dma_start3A_298 = arith.constant 0 : i32
    %dma_start3A_299 = tpu.memref_slice %arg3[%dma_start3A_298, %multiple_of3A_96] : memref<16x1000000xf32, #tpu.memory_space<hbm>> -> memref<16x128xf32, #tpu.memory_space<hbm>>
    %dma_start3A_300 = arith.constant 0 : i32
    %dma_start3A_301 = arith.constant 0 : i32
    %dma_start3A_302 = tpu.memref_slice %arg6[%dma_start3A_292, %dma_start3A_293, %dma_start3A_300, %dma_start3A_301] : memref<2x16x16x128xf32, #tpu.memory_space<vmem>> -> memref<1x1x16x128xf32, #tpu.memory_space<vmem>>
    %dma_start3A_303 = tpu.memref_squeeze %dma_start3A_302 : memref<1x1x16x128xf32, #tpu.memory_space<vmem>> -> memref<16x128xf32, #tpu.memory_space<vmem>>
    %dma_start3A_304 = arith.constant 0 : i32
    %dma_start3A_305 = tpu.memref_slice %arg3[%dma_start3A_304, %multiple_of3A_96] : memref<16x1000000xf32, #tpu.memory_space<hbm>> -> memref<16x128xf32, #tpu.memory_space<hbm>>
    tpu.enqueue_dma source(%dma_start3A_305 : memref<16x128xf32, #tpu.memory_space<hbm>>) target(%dma_start3A_303 : memref<16x128xf32, #tpu.memory_space<vmem>>) target_semaphore(%arg8 : memref<!tpu.dma_semaphore, #tpu.memory_space<semaphore_mem>>)
    %dma_start3A_306 = arith.constant 0 : i32
    %dma_start3A_307 = arith.constant 14 : i32
    %dma_start3A_308 = arith.constant 0 : i32
    %dma_start3A_309 = arith.constant 0 : i32
    %dma_start3A_310 = tpu.memref_slice %arg6[%dma_start3A_306, %dma_start3A_307, %dma_start3A_308, %dma_start3A_309] : memref<2x16x16x128xf32, #tpu.memory_space<vmem>> -> memref<1x1x16x128xf32, #tpu.memory_space<vmem>>
    %dma_start3A_311 = tpu.memref_squeeze %dma_start3A_310 : memref<1x1x16x128xf32, #tpu.memory_space<vmem>> -> memref<16x128xf32, #tpu.memory_space<vmem>>
    %dma_start3A_312 = arith.constant 0 : i32
    %dma_start3A_313 = tpu.memref_slice %arg3[%dma_start3A_312, %multiple_of3A_103] : memref<16x1000000xf32, #tpu.memory_space<hbm>> -> memref<16x128xf32, #tpu.memory_space<hbm>>
    %dma_start3A_314 = arith.constant 0 : i32
    %dma_start3A_315 = arith.constant 0 : i32
    %dma_start3A_316 = tpu.memref_slice %arg6[%dma_start3A_306, %dma_start3A_307, %dma_start3A_314, %dma_start3A_315] : memref<2x16x16x128xf32, #tpu.memory_space<vmem>> -> memref<1x1x16x128xf32, #tpu.memory_space<vmem>>
    %dma_start3A_317 = tpu.memref_squeeze %dma_start3A_316 : memref<1x1x16x128xf32, #tpu.memory_space<vmem>> -> memref<16x128xf32, #tpu.memory_space<vmem>>
    %dma_start3A_318 = arith.constant 0 : i32
    %dma_start3A_319 = tpu.memref_slice %arg3[%dma_start3A_318, %multiple_of3A_103] : memref<16x1000000xf32, #tpu.memory_space<hbm>> -> memref<16x128xf32, #tpu.memory_space<hbm>>
    tpu.enqueue_dma source(%dma_start3A_319 : memref<16x128xf32, #tpu.memory_space<hbm>>) target(%dma_start3A_317 : memref<16x128xf32, #tpu.memory_space<vmem>>) target_semaphore(%arg8 : memref<!tpu.dma_semaphore, #tpu.memory_space<semaphore_mem>>)
    %dma_start3A_320 = arith.constant 0 : i32
    %dma_start3A_321 = arith.constant 15 : i32
    %dma_start3A_322 = arith.constant 0 : i32
    %dma_start3A_323 = arith.constant 0 : i32
    %dma_start3A_324 = tpu.memref_slice %arg6[%dma_start3A_320, %dma_start3A_321, %dma_start3A_322, %dma_start3A_323] : memref<2x16x16x128xf32, #tpu.memory_space<vmem>> -> memref<1x1x16x128xf32, #tpu.memory_space<vmem>>
    %dma_start3A_325 = tpu.memref_squeeze %dma_start3A_324 : memref<1x1x16x128xf32, #tpu.memory_space<vmem>> -> memref<16x128xf32, #tpu.memory_space<vmem>>
    %dma_start3A_326 = arith.constant 0 : i32
    %dma_start3A_327 = tpu.memref_slice %arg3[%dma_start3A_326, %multiple_of3A_110] : memref<16x1000000xf32, #tpu.memory_space<hbm>> -> memref<16x128xf32, #tpu.memory_space<hbm>>
    %dma_start3A_328 = arith.constant 0 : i32
    %dma_start3A_329 = arith.constant 0 : i32
    %dma_start3A_330 = tpu.memref_slice %arg6[%dma_start3A_320, %dma_start3A_321, %dma_start3A_328, %dma_start3A_329] : memref<2x16x16x128xf32, #tpu.memory_space<vmem>> -> memref<1x1x16x128xf32, #tpu.memory_space<vmem>>
    %dma_start3A_331 = tpu.memref_squeeze %dma_start3A_330 : memref<1x1x16x128xf32, #tpu.memory_space<vmem>> -> memref<16x128xf32, #tpu.memory_space<vmem>>
    %dma_start3A_332 = arith.constant 0 : i32
    %dma_start3A_333 = tpu.memref_slice %arg3[%dma_start3A_332, %multiple_of3A_110] : memref<16x1000000xf32, #tpu.memory_space<hbm>> -> memref<16x128xf32, #tpu.memory_space<hbm>>
    tpu.enqueue_dma source(%dma_start3A_333 : memref<16x128xf32, #tpu.memory_space<hbm>>) target(%dma_start3A_331 : memref<16x128xf32, #tpu.memory_space<vmem>>) target_semaphore(%arg8 : memref<!tpu.dma_semaphore, #tpu.memory_space<semaphore_mem>>)
    %scan3A = arith.constant 0 : i32
    %scan3A_334 = arith.constant 0 : i32
    %scan3A_335 = arith.constant 31 : i32
    %scan3A_336 = arith.addi %scan3A_334, %scan3A_335 : i32
    %scan3A_337 = arith.constant 1 : i32
    scf.for %scan3A_897 = %scan3A_334 to %scan3A_336 step %scan3A_337  : i32 {
      %add3A_898 = arith.constant 1 : i32
      %add3A_899 = arith.addi %scan3A_897, %add3A_898 : i32
      %add3A_900 = arith.constant 1 : i32
      %add3A_901 = arith.addi %scan3A_897, %add3A_900 : i32
      %and3A_902 = arith.constant 1 : i32
      %and3A_903 = arith.andi %add3A_901, %and3A_902 : i32
      %mul3A_904 = arith.constant 16 : i32
      %mul3A_905 = arith.muli %add3A_899, %mul3A_904 : i32
      %get3A_906 = arith.index_cast %mul3A_905 : i32 to index
      %get3A_907 = tpu.vector_load %arg5[%get3A_906] {strides = array<i32>} : memref<512xi32, #tpu.memory_space<vmem>>, vector<16xi32>,
      %slice3A_908 = vector.extract_strided_slice %get3A_907 {offsets = [0], sizes = [1], strides = [1]} : vector<16xi32> to vector<1xi32>
      %squeeze3A_909 = vector.extract %slice3A_908[0] : i32 from vector<1xi32>
      %shift_right_arithmetic3A_910 = arith.constant 7 : i32
      %shift_right_arithmetic3A_911 = arith.shrsi %squeeze3A_909, %shift_right_arithmetic3A_910 : i32
      %shift_left3A_912 = arith.constant 7 : i32
      %shift_left3A_913 = arith.shli %shift_right_arithmetic3A_911, %shift_left3A_912 : i32
      %multiple_of3A_914 = tpu.assume_multiple %shift_left3A_913, 128 : i32
      %slice3A_915 = vector.extract_strided_slice %get3A_907 {offsets = [1], sizes = [1], strides = [1]} : vector<16xi32> to vector<1xi32>
      %squeeze3A_916 = vector.extract %slice3A_915[0] : i32 from vector<1xi32>
      %shift_right_arithmetic3A_917 = arith.constant 7 : i32
      %shift_right_arithmetic3A_918 = arith.shrsi %squeeze3A_916, %shift_right_arithmetic3A_917 : i32
      %shift_left3A_919 = arith.constant 7 : i32
      %shift_left3A_920 = arith.shli %shift_right_arithmetic3A_918, %shift_left3A_919 : i32
      %multiple_of3A_921 = tpu.assume_multiple %shift_left3A_920, 128 : i32
      %slice3A_922 = vector.extract_strided_slice %get3A_907 {offsets = [2], sizes = [1], strides = [1]} : vector<16xi32> to vector<1xi32>
      %squeeze3A_923 = vector.extract %slice3A_922[0] : i32 from vector<1xi32>
      %shift_right_arithmetic3A_924 = arith.constant 7 : i32
      %shift_right_arithmetic3A_925 = arith.shrsi %squeeze3A_923, %shift_right_arithmetic3A_924 : i32
      %shift_left3A_926 = arith.constant 7 : i32
      %shift_left3A_927 = arith.shli %shift_right_arithmetic3A_925, %shift_left3A_926 : i32
      %multiple_of3A_928 = tpu.assume_multiple %shift_left3A_927, 128 : i32
      %slice3A_929 = vector.extract_strided_slice %get3A_907 {offsets = [3], sizes = [1], strides = [1]} : vector<16xi32> to vector<1xi32>
      %squeeze3A_930 = vector.extract %slice3A_929[0] : i32 from vector<1xi32>
      %shift_right_arithmetic3A_931 = arith.constant 7 : i32
      %shift_right_arithmetic3A_932 = arith.shrsi %squeeze3A_930, %shift_right_arithmetic3A_931 : i32
      %shift_left3A_933 = arith.constant 7 : i32
      %shift_left3A_934 = arith.shli %shift_right_arithmetic3A_932, %shift_left3A_933 : i32
      %multiple_of3A_935 = tpu.assume_multiple %shift_left3A_934, 128 : i32
      %slice3A_936 = vector.extract_strided_slice %get3A_907 {offsets = [4], sizes = [1], strides = [1]} : vector<16xi32> to vector<1xi32>
      %squeeze3A_937 = vector.extract %slice3A_936[0] : i32 from vector<1xi32>
      %shift_right_arithmetic3A_938 = arith.constant 7 : i32
      %shift_right_arithmetic3A_939 = arith.shrsi %squeeze3A_937, %shift_right_arithmetic3A_938 : i32
      %shift_left3A_940 = arith.constant 7 : i32
      %shift_left3A_941 = arith.shli %shift_right_arithmetic3A_939, %shift_left3A_940 : i32
      %multiple_of3A_942 = tpu.assume_multiple %shift_left3A_941, 128 : i32
      %slice3A_943 = vector.extract_strided_slice %get3A_907 {offsets = [5], sizes = [1], strides = [1]} : vector<16xi32> to vector<1xi32>
      %squeeze3A_944 = vector.extract %slice3A_943[0] : i32 from vector<1xi32>
      %shift_right_arithmetic3A_945 = arith.constant 7 : i32
      %shift_right_arithmetic3A_946 = arith.shrsi %squeeze3A_944, %shift_right_arithmetic3A_945 : i32
      %shift_left3A_947 = arith.constant 7 : i32
      %shift_left3A_948 = arith.shli %shift_right_arithmetic3A_946, %shift_left3A_947 : i32
      %multiple_of3A_949 = tpu.assume_multiple %shift_left3A_948, 128 : i32
      %slice3A_950 = vector.extract_strided_slice %get3A_907 {offsets = [6], sizes = [1], strides = [1]} : vector<16xi32> to vector<1xi32>
      %squeeze3A_951 = vector.extract %slice3A_950[0] : i32 from vector<1xi32>
      %shift_right_arithmetic3A_952 = arith.constant 7 : i32
      %shift_right_arithmetic3A_953 = arith.shrsi %squeeze3A_951, %shift_right_arithmetic3A_952 : i32
      %shift_left3A_954 = arith.constant 7 : i32
      %shift_left3A_955 = arith.shli %shift_right_arithmetic3A_953, %shift_left3A_954 : i32
      %multiple_of3A_956 = tpu.assume_multiple %shift_left3A_955, 128 : i32
      %slice3A_957 = vector.extract_strided_slice %get3A_907 {offsets = [7], sizes = [1], strides = [1]} : vector<16xi32> to vector<1xi32>
      %squeeze3A_958 = vector.extract %slice3A_957[0] : i32 from vector<1xi32>
      %shift_right_arithmetic3A_959 = arith.constant 7 : i32
      %shift_right_arithmetic3A_960 = arith.shrsi %squeeze3A_958, %shift_right_arithmetic3A_959 : i32
      %shift_left3A_961 = arith.constant 7 : i32
      %shift_left3A_962 = arith.shli %shift_right_arithmetic3A_960, %shift_left3A_961 : i32
      %multiple_of3A_963 = tpu.assume_multiple %shift_left3A_962, 128 : i32
      %slice3A_964 = vector.extract_strided_slice %get3A_907 {offsets = [8], sizes = [1], strides = [1]} : vector<16xi32> to vector<1xi32>
      %squeeze3A_965 = vector.extract %slice3A_964[0] : i32 from vector<1xi32>
      %shift_right_arithmetic3A_966 = arith.constant 7 : i32
      %shift_right_arithmetic3A_967 = arith.shrsi %squeeze3A_965, %shift_right_arithmetic3A_966 : i32
      %shift_left3A_968 = arith.constant 7 : i32
      %shift_left3A_969 = arith.shli %shift_right_arithmetic3A_967, %shift_left3A_968 : i32
      %multiple_of3A_970 = tpu.assume_multiple %shift_left3A_969, 128 : i32
      %slice3A_971 = vector.extract_strided_slice %get3A_907 {offsets = [9], sizes = [1], strides = [1]} : vector<16xi32> to vector<1xi32>
      %squeeze3A_972 = vector.extract %slice3A_971[0] : i32 from vector<1xi32>
      %shift_right_arithmetic3A_973 = arith.constant 7 : i32
      %shift_right_arithmetic3A_974 = arith.shrsi %squeeze3A_972, %shift_right_arithmetic3A_973 : i32
      %shift_left3A_975 = arith.constant 7 : i32
      %shift_left3A_976 = arith.shli %shift_right_arithmetic3A_974, %shift_left3A_975 : i32
      %multiple_of3A_977 = tpu.assume_multiple %shift_left3A_976, 128 : i32
      %slice3A_978 = vector.extract_strided_slice %get3A_907 {offsets = [10], sizes = [1], strides = [1]} : vector<16xi32> to vector<1xi32>
      %squeeze3A_979 = vector.extract %slice3A_978[0] : i32 from vector<1xi32>
      %shift_right_arithmetic3A_980 = arith.constant 7 : i32
      %shift_right_arithmetic3A_981 = arith.shrsi %squeeze3A_979, %shift_right_arithmetic3A_980 : i32
      %shift_left3A_982 = arith.constant 7 : i32
      %shift_left3A_983 = arith.shli %shift_right_arithmetic3A_981, %shift_left3A_982 : i32
      %multiple_of3A_984 = tpu.assume_multiple %shift_left3A_983, 128 : i32
      %slice3A_985 = vector.extract_strided_slice %get3A_907 {offsets = [11], sizes = [1], strides = [1]} : vector<16xi32> to vector<1xi32>
      %squeeze3A_986 = vector.extract %slice3A_985[0] : i32 from vector<1xi32>
      %shift_right_arithmetic3A_987 = arith.constant 7 : i32
      %shift_right_arithmetic3A_988 = arith.shrsi %squeeze3A_986, %shift_right_arithmetic3A_987 : i32
      %shift_left3A_989 = arith.constant 7 : i32
      %shift_left3A_990 = arith.shli %shift_right_arithmetic3A_988, %shift_left3A_989 : i32
      %multiple_of3A_991 = tpu.assume_multiple %shift_left3A_990, 128 : i32
      %slice3A_992 = vector.extract_strided_slice %get3A_907 {offsets = [12], sizes = [1], strides = [1]} : vector<16xi32> to vector<1xi32>
      %squeeze3A_993 = vector.extract %slice3A_992[0] : i32 from vector<1xi32>
      %shift_right_arithmetic3A_994 = arith.constant 7 : i32
      %shift_right_arithmetic3A_995 = arith.shrsi %squeeze3A_993, %shift_right_arithmetic3A_994 : i32
      %shift_left3A_996 = arith.constant 7 : i32
      %shift_left3A_997 = arith.shli %shift_right_arithmetic3A_995, %shift_left3A_996 : i32
      %multiple_of3A_998 = tpu.assume_multiple %shift_left3A_997, 128 : i32
      %slice3A_999 = vector.extract_strided_slice %get3A_907 {offsets = [13], sizes = [1], strides = [1]} : vector<16xi32> to vector<1xi32>
      %squeeze3A_1000 = vector.extract %slice3A_999[0] : i32 from vector<1xi32>
      %shift_right_arithmetic3A_1001 = arith.constant 7 : i32
      %shift_right_arithmetic3A_1002 = arith.shrsi %squeeze3A_1000, %shift_right_arithmetic3A_1001 : i32
      %shift_left3A_1003 = arith.constant 7 : i32
      %shift_left3A_1004 = arith.shli %shift_right_arithmetic3A_1002, %shift_left3A_1003 : i32
      %multiple_of3A_1005 = tpu.assume_multiple %shift_left3A_1004, 128 : i32
      %slice3A_1006 = vector.extract_strided_slice %get3A_907 {offsets = [14], sizes = [1], strides = [1]} : vector<16xi32> to vector<1xi32>
      %squeeze3A_1007 = vector.extract %slice3A_1006[0] : i32 from vector<1xi32>
      %shift_right_arithmetic3A_1008 = arith.constant 7 : i32
      %shift_right_arithmetic3A_1009 = arith.shrsi %squeeze3A_1007, %shift_right_arithmetic3A_1008 : i32
      %shift_left3A_1010 = arith.constant 7 : i32
      %shift_left3A_1011 = arith.shli %shift_right_arithmetic3A_1009, %shift_left3A_1010 : i32
      %multiple_of3A_1012 = tpu.assume_multiple %shift_left3A_1011, 128 : i32
      %slice3A_1013 = vector.extract_strided_slice %get3A_907 {offsets = [15], sizes = [1], strides = [1]} : vector<16xi32> to vector<1xi32>
      %squeeze3A_1014 = vector.extract %slice3A_1013[0] : i32 from vector<1xi32>
      %shift_right_arithmetic3A_1015 = arith.constant 7 : i32
      %shift_right_arithmetic3A_1016 = arith.shrsi %squeeze3A_1014, %shift_right_arithmetic3A_1015 : i32
      %shift_left3A_1017 = arith.constant 7 : i32
      %shift_left3A_1018 = arith.shli %shift_right_arithmetic3A_1016, %shift_left3A_1017 : i32
      %multiple_of3A_1019 = tpu.assume_multiple %shift_left3A_1018, 128 : i32
      %dma_start3A_1020 = arith.constant 0 : i32
      %dma_start3A_1021 = arith.constant 0 : i32
      %dma_start3A_1022 = arith.constant 0 : i32
      %dma_start3A_1023 = tpu.memref_slice %arg6[%and3A_903, %dma_start3A_1020, %dma_start3A_1021, %dma_start3A_1022] : memref<2x16x16x128xf32, #tpu.memory_space<vmem>> -> memref<1x1x16x128xf32, #tpu.memory_space<vmem>>
      %dma_start3A_1024 = tpu.memref_squeeze %dma_start3A_1023 : memref<1x1x16x128xf32, #tpu.memory_space<vmem>> -> memref<16x128xf32, #tpu.memory_space<vmem>>
      %dma_start3A_1025 = arith.constant 0 : i32
      %dma_start3A_1026 = tpu.memref_slice %arg3[%dma_start3A_1025, %multiple_of3A_914] : memref<16x1000000xf32, #tpu.memory_space<hbm>> -> memref<16x128xf32, #tpu.memory_space<hbm>>
      %dma_start3A_1027 = arith.constant 0 : i32
      %dma_start3A_1028 = arith.constant 0 : i32
      %dma_start3A_1029 = tpu.memref_slice %arg6[%and3A_903, %dma_start3A_1020, %dma_start3A_1027, %dma_start3A_1028] : memref<2x16x16x128xf32, #tpu.memory_space<vmem>> -> memref<1x1x16x128xf32, #tpu.memory_space<vmem>>
      %dma_start3A_1030 = tpu.memref_squeeze %dma_start3A_1029 : memref<1x1x16x128xf32, #tpu.memory_space<vmem>> -> memref<16x128xf32, #tpu.memory_space<vmem>>
      %dma_start3A_1031 = arith.constant 0 : i32
      %dma_start3A_1032 = tpu.memref_slice %arg3[%dma_start3A_1031, %multiple_of3A_914] : memref<16x1000000xf32, #tpu.memory_space<hbm>> -> memref<16x128xf32, #tpu.memory_space<hbm>>
      tpu.enqueue_dma source(%dma_start3A_1032 : memref<16x128xf32, #tpu.memory_space<hbm>>) target(%dma_start3A_1030 : memref<16x128xf32, #tpu.memory_space<vmem>>) target_semaphore(%arg8 : memref<!tpu.dma_semaphore, #tpu.memory_space<semaphore_mem>>)
      %dma_start3A_1033 = arith.constant 1 : i32
      %dma_start3A_1034 = arith.constant 0 : i32
      %dma_start3A_1035 = arith.constant 0 : i32
      %dma_start3A_1036 = tpu.memref_slice %arg6[%and3A_903, %dma_start3A_1033, %dma_start3A_1034, %dma_start3A_1035] : memref<2x16x16x128xf32, #tpu.memory_space<vmem>> -> memref<1x1x16x128xf32, #tpu.memory_space<vmem>>
      %dma_start3A_1037 = tpu.memref_squeeze %dma_start3A_1036 : memref<1x1x16x128xf32, #tpu.memory_space<vmem>> -> memref<16x128xf32, #tpu.memory_space<vmem>>
      %dma_start3A_1038 = arith.constant 0 : i32
      %dma_start3A_1039 = tpu.memref_slice %arg3[%dma_start3A_1038, %multiple_of3A_921] : memref<16x1000000xf32, #tpu.memory_space<hbm>> -> memref<16x128xf32, #tpu.memory_space<hbm>>
      %dma_start3A_1040 = arith.constant 0 : i32
      %dma_start3A_1041 = arith.constant 0 : i32
      %dma_start3A_1042 = tpu.memref_slice %arg6[%and3A_903, %dma_start3A_1033, %dma_start3A_1040, %dma_start3A_1041] : memref<2x16x16x128xf32, #tpu.memory_space<vmem>> -> memref<1x1x16x128xf32, #tpu.memory_space<vmem>>
      %dma_start3A_1043 = tpu.memref_squeeze %dma_start3A_1042 : memref<1x1x16x128xf32, #tpu.memory_space<vmem>> -> memref<16x128xf32, #tpu.memory_space<vmem>>
      %dma_start3A_1044 = arith.constant 0 : i32
      %dma_start3A_1045 = tpu.memref_slice %arg3[%dma_start3A_1044, %multiple_of3A_921] : memref<16x1000000xf32, #tpu.memory_space<hbm>> -> memref<16x128xf32, #tpu.memory_space<hbm>>
      tpu.enqueue_dma source(%dma_start3A_1045 : memref<16x128xf32, #tpu.memory_space<hbm>>) target(%dma_start3A_1043 : memref<16x128xf32, #tpu.memory_space<vmem>>) target_semaphore(%arg8 : memref<!tpu.dma_semaphore, #tpu.memory_space<semaphore_mem>>)
      %dma_start3A_1046 = arith.constant 2 : i32
      %dma_start3A_1047 = arith.constant 0 : i32
      %dma_start3A_1048 = arith.constant 0 : i32
      %dma_start3A_1049 = tpu.memref_slice %arg6[%and3A_903, %dma_start3A_1046, %dma_start3A_1047, %dma_start3A_1048] : memref<2x16x16x128xf32, #tpu.memory_space<vmem>> -> memref<1x1x16x128xf32, #tpu.memory_space<vmem>>
      %dma_start3A_1050 = tpu.memref_squeeze %dma_start3A_1049 : memref<1x1x16x128xf32, #tpu.memory_space<vmem>> -> memref<16x128xf32, #tpu.memory_space<vmem>>
      %dma_start3A_1051 = arith.constant 0 : i32
      %dma_start3A_1052 = tpu.memref_slice %arg3[%dma_start3A_1051, %multiple_of3A_928] : memref<16x1000000xf32, #tpu.memory_space<hbm>> -> memref<16x128xf32, #tpu.memory_space<hbm>>
      %dma_start3A_1053 = arith.constant 0 : i32
      %dma_start3A_1054 = arith.constant 0 : i32
      %dma_start3A_1055 = tpu.memref_slice %arg6[%and3A_903, %dma_start3A_1046, %dma_start3A_1053, %dma_start3A_1054] : memref<2x16x16x128xf32, #tpu.memory_space<vmem>> -> memref<1x1x16x128xf32, #tpu.memory_space<vmem>>
      %dma_start3A_1056 = tpu.memref_squeeze %dma_start3A_1055 : memref<1x1x16x128xf32, #tpu.memory_space<vmem>> -> memref<16x128xf32, #tpu.memory_space<vmem>>
      %dma_start3A_1057 = arith.constant 0 : i32
      %dma_start3A_1058 = tpu.memref_slice %arg3[%dma_start3A_1057, %multiple_of3A_928] : memref<16x1000000xf32, #tpu.memory_space<hbm>> -> memref<16x128xf32, #tpu.memory_space<hbm>>
      tpu.enqueue_dma source(%dma_start3A_1058 : memref<16x128xf32, #tpu.memory_space<hbm>>) target(%dma_start3A_1056 : memref<16x128xf32, #tpu.memory_space<vmem>>) target_semaphore(%arg8 : memref<!tpu.dma_semaphore, #tpu.memory_space<semaphore_mem>>)
      %dma_start3A_1059 = arith.constant 3 : i32
      %dma_start3A_1060 = arith.constant 0 : i32
      %dma_start3A_1061 = arith.constant 0 : i32
      %dma_start3A_1062 = tpu.memref_slice %arg6[%and3A_903, %dma_start3A_1059, %dma_start3A_1060, %dma_start3A_1061] : memref<2x16x16x128xf32, #tpu.memory_space<vmem>> -> memref<1x1x16x128xf32, #tpu.memory_space<vmem>>
      %dma_start3A_1063 = tpu.memref_squeeze %dma_start3A_1062 : memref<1x1x16x128xf32, #tpu.memory_space<vmem>> -> memref<16x128xf32, #tpu.memory_space<vmem>>
      %dma_start3A_1064 = arith.constant 0 : i32
      %dma_start3A_1065 = tpu.memref_slice %arg3[%dma_start3A_1064, %multiple_of3A_935] : memref<16x1000000xf32, #tpu.memory_space<hbm>> -> memref<16x128xf32, #tpu.memory_space<hbm>>
      %dma_start3A_1066 = arith.constant 0 : i32
      %dma_start3A_1067 = arith.constant 0 : i32
      %dma_start3A_1068 = tpu.memref_slice %arg6[%and3A_903, %dma_start3A_1059, %dma_start3A_1066, %dma_start3A_1067] : memref<2x16x16x128xf32, #tpu.memory_space<vmem>> -> memref<1x1x16x128xf32, #tpu.memory_space<vmem>>
      %dma_start3A_1069 = tpu.memref_squeeze %dma_start3A_1068 : memref<1x1x16x128xf32, #tpu.memory_space<vmem>> -> memref<16x128xf32, #tpu.memory_space<vmem>>
      %dma_start3A_1070 = arith.constant 0 : i32
      %dma_start3A_1071 = tpu.memref_slice %arg3[%dma_start3A_1070, %multiple_of3A_935] : memref<16x1000000xf32, #tpu.memory_space<hbm>> -> memref<16x128xf32, #tpu.memory_space<hbm>>
      tpu.enqueue_dma source(%dma_start3A_1071 : memref<16x128xf32, #tpu.memory_space<hbm>>) target(%dma_start3A_1069 : memref<16x128xf32, #tpu.memory_space<vmem>>) target_semaphore(%arg8 : memref<!tpu.dma_semaphore, #tpu.memory_space<semaphore_mem>>)
      %dma_start3A_1072 = arith.constant 4 : i32
      %dma_start3A_1073 = arith.constant 0 : i32
      %dma_start3A_1074 = arith.constant 0 : i32
      %dma_start3A_1075 = tpu.memref_slice %arg6[%and3A_903, %dma_start3A_1072, %dma_start3A_1073, %dma_start3A_1074] : memref<2x16x16x128xf32, #tpu.memory_space<vmem>> -> memref<1x1x16x128xf32, #tpu.memory_space<vmem>>
      %dma_start3A_1076 = tpu.memref_squeeze %dma_start3A_1075 : memref<1x1x16x128xf32, #tpu.memory_space<vmem>> -> memref<16x128xf32, #tpu.memory_space<vmem>>
      %dma_start3A_1077 = arith.constant 0 : i32
      %dma_start3A_1078 = tpu.memref_slice %arg3[%dma_start3A_1077, %multiple_of3A_942] : memref<16x1000000xf32, #tpu.memory_space<hbm>> -> memref<16x128xf32, #tpu.memory_space<hbm>>
      %dma_start3A_1079 = arith.constant 0 : i32
      %dma_start3A_1080 = arith.constant 0 : i32
      %dma_start3A_1081 = tpu.memref_slice %arg6[%and3A_903, %dma_start3A_1072, %dma_start3A_1079, %dma_start3A_1080] : memref<2x16x16x128xf32, #tpu.memory_space<vmem>> -> memref<1x1x16x128xf32, #tpu.memory_space<vmem>>
      %dma_start3A_1082 = tpu.memref_squeeze %dma_start3A_1081 : memref<1x1x16x128xf32, #tpu.memory_space<vmem>> -> memref<16x128xf32, #tpu.memory_space<vmem>>
      %dma_start3A_1083 = arith.constant 0 : i32
      %dma_start3A_1084 = tpu.memref_slice %arg3[%dma_start3A_1083, %multiple_of3A_942] : memref<16x1000000xf32, #tpu.memory_space<hbm>> -> memref<16x128xf32, #tpu.memory_space<hbm>>
      tpu.enqueue_dma source(%dma_start3A_1084 : memref<16x128xf32, #tpu.memory_space<hbm>>) target(%dma_start3A_1082 : memref<16x128xf32, #tpu.memory_space<vmem>>) target_semaphore(%arg8 : memref<!tpu.dma_semaphore, #tpu.memory_space<semaphore_mem>>)
      %dma_start3A_1085 = arith.constant 5 : i32
      %dma_start3A_1086 = arith.constant 0 : i32
      %dma_start3A_1087 = arith.constant 0 : i32
      %dma_start3A_1088 = tpu.memref_slice %arg6[%and3A_903, %dma_start3A_1085, %dma_start3A_1086, %dma_start3A_1087] : memref<2x16x16x128xf32, #tpu.memory_space<vmem>> -> memref<1x1x16x128xf32, #tpu.memory_space<vmem>>
      %dma_start3A_1089 = tpu.memref_squeeze %dma_start3A_1088 : memref<1x1x16x128xf32, #tpu.memory_space<vmem>> -> memref<16x128xf32, #tpu.memory_space<vmem>>
      %dma_start3A_1090 = arith.constant 0 : i32
      %dma_start3A_1091 = tpu.memref_slice %arg3[%dma_start3A_1090, %multiple_of3A_949] : memref<16x1000000xf32, #tpu.memory_space<hbm>> -> memref<16x128xf32, #tpu.memory_space<hbm>>
      %dma_start3A_1092 = arith.constant 0 : i32
      %dma_start3A_1093 = arith.constant 0 : i32
      %dma_start3A_1094 = tpu.memref_slice %arg6[%and3A_903, %dma_start3A_1085, %dma_start3A_1092, %dma_start3A_1093] : memref<2x16x16x128xf32, #tpu.memory_space<vmem>> -> memref<1x1x16x128xf32, #tpu.memory_space<vmem>>
      %dma_start3A_1095 = tpu.memref_squeeze %dma_start3A_1094 : memref<1x1x16x128xf32, #tpu.memory_space<vmem>> -> memref<16x128xf32, #tpu.memory_space<vmem>>
      %dma_start3A_1096 = arith.constant 0 : i32
      %dma_start3A_1097 = tpu.memref_slice %arg3[%dma_start3A_1096, %multiple_of3A_949] : memref<16x1000000xf32, #tpu.memory_space<hbm>> -> memref<16x128xf32, #tpu.memory_space<hbm>>
      tpu.enqueue_dma source(%dma_start3A_1097 : memref<16x128xf32, #tpu.memory_space<hbm>>) target(%dma_start3A_1095 : memref<16x128xf32, #tpu.memory_space<vmem>>) target_semaphore(%arg8 : memref<!tpu.dma_semaphore, #tpu.memory_space<semaphore_mem>>)
      %dma_start3A_1098 = arith.constant 6 : i32
      %dma_start3A_1099 = arith.constant 0 : i32
      %dma_start3A_1100 = arith.constant 0 : i32
      %dma_start3A_1101 = tpu.memref_slice %arg6[%and3A_903, %dma_start3A_1098, %dma_start3A_1099, %dma_start3A_1100] : memref<2x16x16x128xf32, #tpu.memory_space<vmem>> -> memref<1x1x16x128xf32, #tpu.memory_space<vmem>>
      %dma_start3A_1102 = tpu.memref_squeeze %dma_start3A_1101 : memref<1x1x16x128xf32, #tpu.memory_space<vmem>> -> memref<16x128xf32, #tpu.memory_space<vmem>>
      %dma_start3A_1103 = arith.constant 0 : i32
      %dma_start3A_1104 = tpu.memref_slice %arg3[%dma_start3A_1103, %multiple_of3A_956] : memref<16x1000000xf32, #tpu.memory_space<hbm>> -> memref<16x128xf32, #tpu.memory_space<hbm>>
      %dma_start3A_1105 = arith.constant 0 : i32
      %dma_start3A_1106 = arith.constant 0 : i32
      %dma_start3A_1107 = tpu.memref_slice %arg6[%and3A_903, %dma_start3A_1098, %dma_start3A_1105, %dma_start3A_1106] : memref<2x16x16x128xf32, #tpu.memory_space<vmem>> -> memref<1x1x16x128xf32, #tpu.memory_space<vmem>>
      %dma_start3A_1108 = tpu.memref_squeeze %dma_start3A_1107 : memref<1x1x16x128xf32, #tpu.memory_space<vmem>> -> memref<16x128xf32, #tpu.memory_space<vmem>>
      %dma_start3A_1109 = arith.constant 0 : i32
      %dma_start3A_1110 = tpu.memref_slice %arg3[%dma_start3A_1109, %multiple_of3A_956] : memref<16x1000000xf32, #tpu.memory_space<hbm>> -> memref<16x128xf32, #tpu.memory_space<hbm>>
      tpu.enqueue_dma source(%dma_start3A_1110 : memref<16x128xf32, #tpu.memory_space<hbm>>) target(%dma_start3A_1108 : memref<16x128xf32, #tpu.memory_space<vmem>>) target_semaphore(%arg8 : memref<!tpu.dma_semaphore, #tpu.memory_space<semaphore_mem>>)
      %dma_start3A_1111 = arith.constant 7 : i32
      %dma_start3A_1112 = arith.constant 0 : i32
      %dma_start3A_1113 = arith.constant 0 : i32
      %dma_start3A_1114 = tpu.memref_slice %arg6[%and3A_903, %dma_start3A_1111, %dma_start3A_1112, %dma_start3A_1113] : memref<2x16x16x128xf32, #tpu.memory_space<vmem>> -> memref<1x1x16x128xf32, #tpu.memory_space<vmem>>
      %dma_start3A_1115 = tpu.memref_squeeze %dma_start3A_1114 : memref<1x1x16x128xf32, #tpu.memory_space<vmem>> -> memref<16x128xf32, #tpu.memory_space<vmem>>
      %dma_start3A_1116 = arith.constant 0 : i32
      %dma_start3A_1117 = tpu.memref_slice %arg3[%dma_start3A_1116, %multiple_of3A_963] : memref<16x1000000xf32, #tpu.memory_space<hbm>> -> memref<16x128xf32, #tpu.memory_space<hbm>>
      %dma_start3A_1118 = arith.constant 0 : i32
      %dma_start3A_1119 = arith.constant 0 : i32
      %dma_start3A_1120 = tpu.memref_slice %arg6[%and3A_903, %dma_start3A_1111, %dma_start3A_1118, %dma_start3A_1119] : memref<2x16x16x128xf32, #tpu.memory_space<vmem>> -> memref<1x1x16x128xf32, #tpu.memory_space<vmem>>
      %dma_start3A_1121 = tpu.memref_squeeze %dma_start3A_1120 : memref<1x1x16x128xf32, #tpu.memory_space<vmem>> -> memref<16x128xf32, #tpu.memory_space<vmem>>
      %dma_start3A_1122 = arith.constant 0 : i32
      %dma_start3A_1123 = tpu.memref_slice %arg3[%dma_start3A_1122, %multiple_of3A_963] : memref<16x1000000xf32, #tpu.memory_space<hbm>> -> memref<16x128xf32, #tpu.memory_space<hbm>>
      tpu.enqueue_dma source(%dma_start3A_1123 : memref<16x128xf32, #tpu.memory_space<hbm>>) target(%dma_start3A_1121 : memref<16x128xf32, #tpu.memory_space<vmem>>) target_semaphore(%arg8 : memref<!tpu.dma_semaphore, #tpu.memory_space<semaphore_mem>>)
      %dma_start3A_1124 = arith.constant 8 : i32
      %dma_start3A_1125 = arith.constant 0 : i32
      %dma_start3A_1126 = arith.constant 0 : i32
      %dma_start3A_1127 = tpu.memref_slice %arg6[%and3A_903, %dma_start3A_1124, %dma_start3A_1125, %dma_start3A_1126] : memref<2x16x16x128xf32, #tpu.memory_space<vmem>> -> memref<1x1x16x128xf32, #tpu.memory_space<vmem>>
      %dma_start3A_1128 = tpu.memref_squeeze %dma_start3A_1127 : memref<1x1x16x128xf32, #tpu.memory_space<vmem>> -> memref<16x128xf32, #tpu.memory_space<vmem>>
      %dma_start3A_1129 = arith.constant 0 : i32
      %dma_start3A_1130 = tpu.memref_slice %arg3[%dma_start3A_1129, %multiple_of3A_970] : memref<16x1000000xf32, #tpu.memory_space<hbm>> -> memref<16x128xf32, #tpu.memory_space<hbm>>
      %dma_start3A_1131 = arith.constant 0 : i32
      %dma_start3A_1132 = arith.constant 0 : i32
      %dma_start3A_1133 = tpu.memref_slice %arg6[%and3A_903, %dma_start3A_1124, %dma_start3A_1131, %dma_start3A_1132] : memref<2x16x16x128xf32, #tpu.memory_space<vmem>> -> memref<1x1x16x128xf32, #tpu.memory_space<vmem>>
      %dma_start3A_1134 = tpu.memref_squeeze %dma_start3A_1133 : memref<1x1x16x128xf32, #tpu.memory_space<vmem>> -> memref<16x128xf32, #tpu.memory_space<vmem>>
      %dma_start3A_1135 = arith.constant 0 : i32
      %dma_start3A_1136 = tpu.memref_slice %arg3[%dma_start3A_1135, %multiple_of3A_970] : memref<16x1000000xf32, #tpu.memory_space<hbm>> -> memref<16x128xf32, #tpu.memory_space<hbm>>
      tpu.enqueue_dma source(%dma_start3A_1136 : memref<16x128xf32, #tpu.memory_space<hbm>>) target(%dma_start3A_1134 : memref<16x128xf32, #tpu.memory_space<vmem>>) target_semaphore(%arg8 : memref<!tpu.dma_semaphore, #tpu.memory_space<semaphore_mem>>)
      %dma_start3A_1137 = arith.constant 9 : i32
      %dma_start3A_1138 = arith.constant 0 : i32
      %dma_start3A_1139 = arith.constant 0 : i32
      %dma_start3A_1140 = tpu.memref_slice %arg6[%and3A_903, %dma_start3A_1137, %dma_start3A_1138, %dma_start3A_1139] : memref<2x16x16x128xf32, #tpu.memory_space<vmem>> -> memref<1x1x16x128xf32, #tpu.memory_space<vmem>>
      %dma_start3A_1141 = tpu.memref_squeeze %dma_start3A_1140 : memref<1x1x16x128xf32, #tpu.memory_space<vmem>> -> memref<16x128xf32, #tpu.memory_space<vmem>>
      %dma_start3A_1142 = arith.constant 0 : i32
      %dma_start3A_1143 = tpu.memref_slice %arg3[%dma_start3A_1142, %multiple_of3A_977] : memref<16x1000000xf32, #tpu.memory_space<hbm>> -> memref<16x128xf32, #tpu.memory_space<hbm>>
      %dma_start3A_1144 = arith.constant 0 : i32
      %dma_start3A_1145 = arith.constant 0 : i32
      %dma_start3A_1146 = tpu.memref_slice %arg6[%and3A_903, %dma_start3A_1137, %dma_start3A_1144, %dma_start3A_1145] : memref<2x16x16x128xf32, #tpu.memory_space<vmem>> -> memref<1x1x16x128xf32, #tpu.memory_space<vmem>>
      %dma_start3A_1147 = tpu.memref_squeeze %dma_start3A_1146 : memref<1x1x16x128xf32, #tpu.memory_space<vmem>> -> memref<16x128xf32, #tpu.memory_space<vmem>>
      %dma_start3A_1148 = arith.constant 0 : i32
      %dma_start3A_1149 = tpu.memref_slice %arg3[%dma_start3A_1148, %multiple_of3A_977] : memref<16x1000000xf32, #tpu.memory_space<hbm>> -> memref<16x128xf32, #tpu.memory_space<hbm>>
      tpu.enqueue_dma source(%dma_start3A_1149 : memref<16x128xf32, #tpu.memory_space<hbm>>) target(%dma_start3A_1147 : memref<16x128xf32, #tpu.memory_space<vmem>>) target_semaphore(%arg8 : memref<!tpu.dma_semaphore, #tpu.memory_space<semaphore_mem>>)
      %dma_start3A_1150 = arith.constant 10 : i32
      %dma_start3A_1151 = arith.constant 0 : i32
      %dma_start3A_1152 = arith.constant 0 : i32
      %dma_start3A_1153 = tpu.memref_slice %arg6[%and3A_903, %dma_start3A_1150, %dma_start3A_1151, %dma_start3A_1152] : memref<2x16x16x128xf32, #tpu.memory_space<vmem>> -> memref<1x1x16x128xf32, #tpu.memory_space<vmem>>
      %dma_start3A_1154 = tpu.memref_squeeze %dma_start3A_1153 : memref<1x1x16x128xf32, #tpu.memory_space<vmem>> -> memref<16x128xf32, #tpu.memory_space<vmem>>
      %dma_start3A_1155 = arith.constant 0 : i32
      %dma_start3A_1156 = tpu.memref_slice %arg3[%dma_start3A_1155, %multiple_of3A_984] : memref<16x1000000xf32, #tpu.memory_space<hbm>> -> memref<16x128xf32, #tpu.memory_space<hbm>>
      %dma_start3A_1157 = arith.constant 0 : i32
      %dma_start3A_1158 = arith.constant 0 : i32
      %dma_start3A_1159 = tpu.memref_slice %arg6[%and3A_903, %dma_start3A_1150, %dma_start3A_1157, %dma_start3A_1158] : memref<2x16x16x128xf32, #tpu.memory_space<vmem>> -> memref<1x1x16x128xf32, #tpu.memory_space<vmem>>
      %dma_start3A_1160 = tpu.memref_squeeze %dma_start3A_1159 : memref<1x1x16x128xf32, #tpu.memory_space<vmem>> -> memref<16x128xf32, #tpu.memory_space<vmem>>
      %dma_start3A_1161 = arith.constant 0 : i32
      %dma_start3A_1162 = tpu.memref_slice %arg3[%dma_start3A_1161, %multiple_of3A_984] : memref<16x1000000xf32, #tpu.memory_space<hbm>> -> memref<16x128xf32, #tpu.memory_space<hbm>>
      tpu.enqueue_dma source(%dma_start3A_1162 : memref<16x128xf32, #tpu.memory_space<hbm>>) target(%dma_start3A_1160 : memref<16x128xf32, #tpu.memory_space<vmem>>) target_semaphore(%arg8 : memref<!tpu.dma_semaphore, #tpu.memory_space<semaphore_mem>>)
      %dma_start3A_1163 = arith.constant 11 : i32
      %dma_start3A_1164 = arith.constant 0 : i32
      %dma_start3A_1165 = arith.constant 0 : i32
      %dma_start3A_1166 = tpu.memref_slice %arg6[%and3A_903, %dma_start3A_1163, %dma_start3A_1164, %dma_start3A_1165] : memref<2x16x16x128xf32, #tpu.memory_space<vmem>> -> memref<1x1x16x128xf32, #tpu.memory_space<vmem>>
      %dma_start3A_1167 = tpu.memref_squeeze %dma_start3A_1166 : memref<1x1x16x128xf32, #tpu.memory_space<vmem>> -> memref<16x128xf32, #tpu.memory_space<vmem>>
      %dma_start3A_1168 = arith.constant 0 : i32
      %dma_start3A_1169 = tpu.memref_slice %arg3[%dma_start3A_1168, %multiple_of3A_991] : memref<16x1000000xf32, #tpu.memory_space<hbm>> -> memref<16x128xf32, #tpu.memory_space<hbm>>
      %dma_start3A_1170 = arith.constant 0 : i32
      %dma_start3A_1171 = arith.constant 0 : i32
      %dma_start3A_1172 = tpu.memref_slice %arg6[%and3A_903, %dma_start3A_1163, %dma_start3A_1170, %dma_start3A_1171] : memref<2x16x16x128xf32, #tpu.memory_space<vmem>> -> memref<1x1x16x128xf32, #tpu.memory_space<vmem>>
      %dma_start3A_1173 = tpu.memref_squeeze %dma_start3A_1172 : memref<1x1x16x128xf32, #tpu.memory_space<vmem>> -> memref<16x128xf32, #tpu.memory_space<vmem>>
      %dma_start3A_1174 = arith.constant 0 : i32
      %dma_start3A_1175 = tpu.memref_slice %arg3[%dma_start3A_1174, %multiple_of3A_991] : memref<16x1000000xf32, #tpu.memory_space<hbm>> -> memref<16x128xf32, #tpu.memory_space<hbm>>
      tpu.enqueue_dma source(%dma_start3A_1175 : memref<16x128xf32, #tpu.memory_space<hbm>>) target(%dma_start3A_1173 : memref<16x128xf32, #tpu.memory_space<vmem>>) target_semaphore(%arg8 : memref<!tpu.dma_semaphore, #tpu.memory_space<semaphore_mem>>)
      %dma_start3A_1176 = arith.constant 12 : i32
      %dma_start3A_1177 = arith.constant 0 : i32
      %dma_start3A_1178 = arith.constant 0 : i32
      %dma_start3A_1179 = tpu.memref_slice %arg6[%and3A_903, %dma_start3A_1176, %dma_start3A_1177, %dma_start3A_1178] : memref<2x16x16x128xf32, #tpu.memory_space<vmem>> -> memref<1x1x16x128xf32, #tpu.memory_space<vmem>>
      %dma_start3A_1180 = tpu.memref_squeeze %dma_start3A_1179 : memref<1x1x16x128xf32, #tpu.memory_space<vmem>> -> memref<16x128xf32, #tpu.memory_space<vmem>>
      %dma_start3A_1181 = arith.constant 0 : i32
      %dma_start3A_1182 = tpu.memref_slice %arg3[%dma_start3A_1181, %multiple_of3A_998] : memref<16x1000000xf32, #tpu.memory_space<hbm>> -> memref<16x128xf32, #tpu.memory_space<hbm>>
      %dma_start3A_1183 = arith.constant 0 : i32
      %dma_start3A_1184 = arith.constant 0 : i32
      %dma_start3A_1185 = tpu.memref_slice %arg6[%and3A_903, %dma_start3A_1176, %dma_start3A_1183, %dma_start3A_1184] : memref<2x16x16x128xf32, #tpu.memory_space<vmem>> -> memref<1x1x16x128xf32, #tpu.memory_space<vmem>>
      %dma_start3A_1186 = tpu.memref_squeeze %dma_start3A_1185 : memref<1x1x16x128xf32, #tpu.memory_space<vmem>> -> memref<16x128xf32, #tpu.memory_space<vmem>>
      %dma_start3A_1187 = arith.constant 0 : i32
      %dma_start3A_1188 = tpu.memref_slice %arg3[%dma_start3A_1187, %multiple_of3A_998] : memref<16x1000000xf32, #tpu.memory_space<hbm>> -> memref<16x128xf32, #tpu.memory_space<hbm>>
      tpu.enqueue_dma source(%dma_start3A_1188 : memref<16x128xf32, #tpu.memory_space<hbm>>) target(%dma_start3A_1186 : memref<16x128xf32, #tpu.memory_space<vmem>>) target_semaphore(%arg8 : memref<!tpu.dma_semaphore, #tpu.memory_space<semaphore_mem>>)
      %dma_start3A_1189 = arith.constant 13 : i32
      %dma_start3A_1190 = arith.constant 0 : i32
      %dma_start3A_1191 = arith.constant 0 : i32
      %dma_start3A_1192 = tpu.memref_slice %arg6[%and3A_903, %dma_start3A_1189, %dma_start3A_1190, %dma_start3A_1191] : memref<2x16x16x128xf32, #tpu.memory_space<vmem>> -> memref<1x1x16x128xf32, #tpu.memory_space<vmem>>
      %dma_start3A_1193 = tpu.memref_squeeze %dma_start3A_1192 : memref<1x1x16x128xf32, #tpu.memory_space<vmem>> -> memref<16x128xf32, #tpu.memory_space<vmem>>
      %dma_start3A_1194 = arith.constant 0 : i32
      %dma_start3A_1195 = tpu.memref_slice %arg3[%dma_start3A_1194, %multiple_of3A_1005] : memref<16x1000000xf32, #tpu.memory_space<hbm>> -> memref<16x128xf32, #tpu.memory_space<hbm>>
      %dma_start3A_1196 = arith.constant 0 : i32
      %dma_start3A_1197 = arith.constant 0 : i32
      %dma_start3A_1198 = tpu.memref_slice %arg6[%and3A_903, %dma_start3A_1189, %dma_start3A_1196, %dma_start3A_1197] : memref<2x16x16x128xf32, #tpu.memory_space<vmem>> -> memref<1x1x16x128xf32, #tpu.memory_space<vmem>>
      %dma_start3A_1199 = tpu.memref_squeeze %dma_start3A_1198 : memref<1x1x16x128xf32, #tpu.memory_space<vmem>> -> memref<16x128xf32, #tpu.memory_space<vmem>>
      %dma_start3A_1200 = arith.constant 0 : i32
      %dma_start3A_1201 = tpu.memref_slice %arg3[%dma_start3A_1200, %multiple_of3A_1005] : memref<16x1000000xf32, #tpu.memory_space<hbm>> -> memref<16x128xf32, #tpu.memory_space<hbm>>
      tpu.enqueue_dma source(%dma_start3A_1201 : memref<16x128xf32, #tpu.memory_space<hbm>>) target(%dma_start3A_1199 : memref<16x128xf32, #tpu.memory_space<vmem>>) target_semaphore(%arg8 : memref<!tpu.dma_semaphore, #tpu.memory_space<semaphore_mem>>)
      %dma_start3A_1202 = arith.constant 14 : i32
      %dma_start3A_1203 = arith.constant 0 : i32
      %dma_start3A_1204 = arith.constant 0 : i32
      %dma_start3A_1205 = tpu.memref_slice %arg6[%and3A_903, %dma_start3A_1202, %dma_start3A_1203, %dma_start3A_1204] : memref<2x16x16x128xf32, #tpu.memory_space<vmem>> -> memref<1x1x16x128xf32, #tpu.memory_space<vmem>>
      %dma_start3A_1206 = tpu.memref_squeeze %dma_start3A_1205 : memref<1x1x16x128xf32, #tpu.memory_space<vmem>> -> memref<16x128xf32, #tpu.memory_space<vmem>>
      %dma_start3A_1207 = arith.constant 0 : i32
      %dma_start3A_1208 = tpu.memref_slice %arg3[%dma_start3A_1207, %multiple_of3A_1012] : memref<16x1000000xf32, #tpu.memory_space<hbm>> -> memref<16x128xf32, #tpu.memory_space<hbm>>
      %dma_start3A_1209 = arith.constant 0 : i32
      %dma_start3A_1210 = arith.constant 0 : i32
      %dma_start3A_1211 = tpu.memref_slice %arg6[%and3A_903, %dma_start3A_1202, %dma_start3A_1209, %dma_start3A_1210] : memref<2x16x16x128xf32, #tpu.memory_space<vmem>> -> memref<1x1x16x128xf32, #tpu.memory_space<vmem>>
      %dma_start3A_1212 = tpu.memref_squeeze %dma_start3A_1211 : memref<1x1x16x128xf32, #tpu.memory_space<vmem>> -> memref<16x128xf32, #tpu.memory_space<vmem>>
      %dma_start3A_1213 = arith.constant 0 : i32
      %dma_start3A_1214 = tpu.memref_slice %arg3[%dma_start3A_1213, %multiple_of3A_1012] : memref<16x1000000xf32, #tpu.memory_space<hbm>> -> memref<16x128xf32, #tpu.memory_space<hbm>>
      tpu.enqueue_dma source(%dma_start3A_1214 : memref<16x128xf32, #tpu.memory_space<hbm>>) target(%dma_start3A_1212 : memref<16x128xf32, #tpu.memory_space<vmem>>) target_semaphore(%arg8 : memref<!tpu.dma_semaphore, #tpu.memory_space<semaphore_mem>>)
      %dma_start3A_1215 = arith.constant 15 : i32
      %dma_start3A_1216 = arith.constant 0 : i32
      %dma_start3A_1217 = arith.constant 0 : i32
      %dma_start3A_1218 = tpu.memref_slice %arg6[%and3A_903, %dma_start3A_1215, %dma_start3A_1216, %dma_start3A_1217] : memref<2x16x16x128xf32, #tpu.memory_space<vmem>> -> memref<1x1x16x128xf32, #tpu.memory_space<vmem>>
      %dma_start3A_1219 = tpu.memref_squeeze %dma_start3A_1218 : memref<1x1x16x128xf32, #tpu.memory_space<vmem>> -> memref<16x128xf32, #tpu.memory_space<vmem>>
      %dma_start3A_1220 = arith.constant 0 : i32
      %dma_start3A_1221 = tpu.memref_slice %arg3[%dma_start3A_1220, %multiple_of3A_1019] : memref<16x1000000xf32, #tpu.memory_space<hbm>> -> memref<16x128xf32, #tpu.memory_space<hbm>>
      %dma_start3A_1222 = arith.constant 0 : i32
      %dma_start3A_1223 = arith.constant 0 : i32
      %dma_start3A_1224 = tpu.memref_slice %arg6[%and3A_903, %dma_start3A_1215, %dma_start3A_1222, %dma_start3A_1223] : memref<2x16x16x128xf32, #tpu.memory_space<vmem>> -> memref<1x1x16x128xf32, #tpu.memory_space<vmem>>
      %dma_start3A_1225 = tpu.memref_squeeze %dma_start3A_1224 : memref<1x1x16x128xf32, #tpu.memory_space<vmem>> -> memref<16x128xf32, #tpu.memory_space<vmem>>
      %dma_start3A_1226 = arith.constant 0 : i32
      %dma_start3A_1227 = tpu.memref_slice %arg3[%dma_start3A_1226, %multiple_of3A_1019] : memref<16x1000000xf32, #tpu.memory_space<hbm>> -> memref<16x128xf32, #tpu.memory_space<hbm>>
      tpu.enqueue_dma source(%dma_start3A_1227 : memref<16x128xf32, #tpu.memory_space<hbm>>) target(%dma_start3A_1225 : memref<16x128xf32, #tpu.memory_space<vmem>>) target_semaphore(%arg8 : memref<!tpu.dma_semaphore, #tpu.memory_space<semaphore_mem>>)
      %and3A_1228 = arith.constant 1 : i32
      %and3A_1229 = arith.andi %scan3A_897, %and3A_1228 : i32
      %mul3A_1230 = arith.constant 16 : i32
      %mul3A_1231 = arith.muli %scan3A_897, %mul3A_1230 : i32
      %get3A_1232 = arith.index_cast %mul3A_1231 : i32 to index
      %get3A_1233 = tpu.vector_load %arg5[%get3A_1232] {strides = array<i32>} : memref<512xi32, #tpu.memory_space<vmem>>, vector<16xi32>,
      %slice3A_1234 = vector.extract_strided_slice %get3A_1233 {offsets = [0], sizes = [1], strides = [1]} : vector<16xi32> to vector<1xi32>
      %squeeze3A_1235 = vector.extract %slice3A_1234[0] : i32 from vector<1xi32>
      %shift_right_arithmetic3A_1236 = arith.constant 7 : i32
      %shift_right_arithmetic3A_1237 = arith.shrsi %squeeze3A_1235, %shift_right_arithmetic3A_1236 : i32
      %shift_left3A_1238 = arith.constant 7 : i32
      %shift_left3A_1239 = arith.shli %shift_right_arithmetic3A_1237, %shift_left3A_1238 : i32
      %multiple_of3A_1240 = tpu.assume_multiple %shift_left3A_1239, 128 : i32
      %slice3A_1241 = vector.extract_strided_slice %get3A_1233 {offsets = [1], sizes = [1], strides = [1]} : vector<16xi32> to vector<1xi32>
      %squeeze3A_1242 = vector.extract %slice3A_1241[0] : i32 from vector<1xi32>
      %shift_right_arithmetic3A_1243 = arith.constant 7 : i32
      %shift_right_arithmetic3A_1244 = arith.shrsi %squeeze3A_1242, %shift_right_arithmetic3A_1243 : i32
      %shift_left3A_1245 = arith.constant 7 : i32
      %shift_left3A_1246 = arith.shli %shift_right_arithmetic3A_1244, %shift_left3A_1245 : i32
      %multiple_of3A_1247 = tpu.assume_multiple %shift_left3A_1246, 128 : i32
      %slice3A_1248 = vector.extract_strided_slice %get3A_1233 {offsets = [2], sizes = [1], strides = [1]} : vector<16xi32> to vector<1xi32>
      %squeeze3A_1249 = vector.extract %slice3A_1248[0] : i32 from vector<1xi32>
      %shift_right_arithmetic3A_1250 = arith.constant 7 : i32
      %shift_right_arithmetic3A_1251 = arith.shrsi %squeeze3A_1249, %shift_right_arithmetic3A_1250 : i32
      %shift_left3A_1252 = arith.constant 7 : i32
      %shift_left3A_1253 = arith.shli %shift_right_arithmetic3A_1251, %shift_left3A_1252 : i32
      %multiple_of3A_1254 = tpu.assume_multiple %shift_left3A_1253, 128 : i32
      %slice3A_1255 = vector.extract_strided_slice %get3A_1233 {offsets = [3], sizes = [1], strides = [1]} : vector<16xi32> to vector<1xi32>
      %squeeze3A_1256 = vector.extract %slice3A_1255[0] : i32 from vector<1xi32>
      %shift_right_arithmetic3A_1257 = arith.constant 7 : i32
      %shift_right_arithmetic3A_1258 = arith.shrsi %squeeze3A_1256, %shift_right_arithmetic3A_1257 : i32
      %shift_left3A_1259 = arith.constant 7 : i32
      %shift_left3A_1260 = arith.shli %shift_right_arithmetic3A_1258, %shift_left3A_1259 : i32
      %multiple_of3A_1261 = tpu.assume_multiple %shift_left3A_1260, 128 : i32
      %slice3A_1262 = vector.extract_strided_slice %get3A_1233 {offsets = [4], sizes = [1], strides = [1]} : vector<16xi32> to vector<1xi32>
      %squeeze3A_1263 = vector.extract %slice3A_1262[0] : i32 from vector<1xi32>
      %shift_right_arithmetic3A_1264 = arith.constant 7 : i32
      %shift_right_arithmetic3A_1265 = arith.shrsi %squeeze3A_1263, %shift_right_arithmetic3A_1264 : i32
      %shift_left3A_1266 = arith.constant 7 : i32
      %shift_left3A_1267 = arith.shli %shift_right_arithmetic3A_1265, %shift_left3A_1266 : i32
      %multiple_of3A_1268 = tpu.assume_multiple %shift_left3A_1267, 128 : i32
      %slice3A_1269 = vector.extract_strided_slice %get3A_1233 {offsets = [5], sizes = [1], strides = [1]} : vector<16xi32> to vector<1xi32>
      %squeeze3A_1270 = vector.extract %slice3A_1269[0] : i32 from vector<1xi32>
      %shift_right_arithmetic3A_1271 = arith.constant 7 : i32
      %shift_right_arithmetic3A_1272 = arith.shrsi %squeeze3A_1270, %shift_right_arithmetic3A_1271 : i32
      %shift_left3A_1273 = arith.constant 7 : i32
      %shift_left3A_1274 = arith.shli %shift_right_arithmetic3A_1272, %shift_left3A_1273 : i32
      %multiple_of3A_1275 = tpu.assume_multiple %shift_left3A_1274, 128 : i32
      %slice3A_1276 = vector.extract_strided_slice %get3A_1233 {offsets = [6], sizes = [1], strides = [1]} : vector<16xi32> to vector<1xi32>
      %squeeze3A_1277 = vector.extract %slice3A_1276[0] : i32 from vector<1xi32>
      %shift_right_arithmetic3A_1278 = arith.constant 7 : i32
      %shift_right_arithmetic3A_1279 = arith.shrsi %squeeze3A_1277, %shift_right_arithmetic3A_1278 : i32
      %shift_left3A_1280 = arith.constant 7 : i32
      %shift_left3A_1281 = arith.shli %shift_right_arithmetic3A_1279, %shift_left3A_1280 : i32
      %multiple_of3A_1282 = tpu.assume_multiple %shift_left3A_1281, 128 : i32
      %slice3A_1283 = vector.extract_strided_slice %get3A_1233 {offsets = [7], sizes = [1], strides = [1]} : vector<16xi32> to vector<1xi32>
      %squeeze3A_1284 = vector.extract %slice3A_1283[0] : i32 from vector<1xi32>
      %shift_right_arithmetic3A_1285 = arith.constant 7 : i32
      %shift_right_arithmetic3A_1286 = arith.shrsi %squeeze3A_1284, %shift_right_arithmetic3A_1285 : i32
      %shift_left3A_1287 = arith.constant 7 : i32
      %shift_left3A_1288 = arith.shli %shift_right_arithmetic3A_1286, %shift_left3A_1287 : i32
      %multiple_of3A_1289 = tpu.assume_multiple %shift_left3A_1288, 128 : i32
      %slice3A_1290 = vector.extract_strided_slice %get3A_1233 {offsets = [8], sizes = [1], strides = [1]} : vector<16xi32> to vector<1xi32>
      %squeeze3A_1291 = vector.extract %slice3A_1290[0] : i32 from vector<1xi32>
      %shift_right_arithmetic3A_1292 = arith.constant 7 : i32
      %shift_right_arithmetic3A_1293 = arith.shrsi %squeeze3A_1291, %shift_right_arithmetic3A_1292 : i32
      %shift_left3A_1294 = arith.constant 7 : i32
      %shift_left3A_1295 = arith.shli %shift_right_arithmetic3A_1293, %shift_left3A_1294 : i32
      %multiple_of3A_1296 = tpu.assume_multiple %shift_left3A_1295, 128 : i32
      %slice3A_1297 = vector.extract_strided_slice %get3A_1233 {offsets = [9], sizes = [1], strides = [1]} : vector<16xi32> to vector<1xi32>
      %squeeze3A_1298 = vector.extract %slice3A_1297[0] : i32 from vector<1xi32>
      %shift_right_arithmetic3A_1299 = arith.constant 7 : i32
      %shift_right_arithmetic3A_1300 = arith.shrsi %squeeze3A_1298, %shift_right_arithmetic3A_1299 : i32
      %shift_left3A_1301 = arith.constant 7 : i32
      %shift_left3A_1302 = arith.shli %shift_right_arithmetic3A_1300, %shift_left3A_1301 : i32
      %multiple_of3A_1303 = tpu.assume_multiple %shift_left3A_1302, 128 : i32
      %slice3A_1304 = vector.extract_strided_slice %get3A_1233 {offsets = [10], sizes = [1], strides = [1]} : vector<16xi32> to vector<1xi32>
      %squeeze3A_1305 = vector.extract %slice3A_1304[0] : i32 from vector<1xi32>
      %shift_right_arithmetic3A_1306 = arith.constant 7 : i32
      %shift_right_arithmetic3A_1307 = arith.shrsi %squeeze3A_1305, %shift_right_arithmetic3A_1306 : i32
      %shift_left3A_1308 = arith.constant 7 : i32
      %shift_left3A_1309 = arith.shli %shift_right_arithmetic3A_1307, %shift_left3A_1308 : i32
      %multiple_of3A_1310 = tpu.assume_multiple %shift_left3A_1309, 128 : i32
      %slice3A_1311 = vector.extract_strided_slice %get3A_1233 {offsets = [11], sizes = [1], strides = [1]} : vector<16xi32> to vector<1xi32>
      %squeeze3A_1312 = vector.extract %slice3A_1311[0] : i32 from vector<1xi32>
      %shift_right_arithmetic3A_1313 = arith.constant 7 : i32
      %shift_right_arithmetic3A_1314 = arith.shrsi %squeeze3A_1312, %shift_right_arithmetic3A_1313 : i32
      %shift_left3A_1315 = arith.constant 7 : i32
      %shift_left3A_1316 = arith.shli %shift_right_arithmetic3A_1314, %shift_left3A_1315 : i32
      %multiple_of3A_1317 = tpu.assume_multiple %shift_left3A_1316, 128 : i32
      %slice3A_1318 = vector.extract_strided_slice %get3A_1233 {offsets = [12], sizes = [1], strides = [1]} : vector<16xi32> to vector<1xi32>
      %squeeze3A_1319 = vector.extract %slice3A_1318[0] : i32 from vector<1xi32>
      %shift_right_arithmetic3A_1320 = arith.constant 7 : i32
      %shift_right_arithmetic3A_1321 = arith.shrsi %squeeze3A_1319, %shift_right_arithmetic3A_1320 : i32
      %shift_left3A_1322 = arith.constant 7 : i32
      %shift_left3A_1323 = arith.shli %shift_right_arithmetic3A_1321, %shift_left3A_1322 : i32
      %multiple_of3A_1324 = tpu.assume_multiple %shift_left3A_1323, 128 : i32
      %slice3A_1325 = vector.extract_strided_slice %get3A_1233 {offsets = [13], sizes = [1], strides = [1]} : vector<16xi32> to vector<1xi32>
      %squeeze3A_1326 = vector.extract %slice3A_1325[0] : i32 from vector<1xi32>
      %shift_right_arithmetic3A_1327 = arith.constant 7 : i32
      %shift_right_arithmetic3A_1328 = arith.shrsi %squeeze3A_1326, %shift_right_arithmetic3A_1327 : i32
      %shift_left3A_1329 = arith.constant 7 : i32
      %shift_left3A_1330 = arith.shli %shift_right_arithmetic3A_1328, %shift_left3A_1329 : i32
      %multiple_of3A_1331 = tpu.assume_multiple %shift_left3A_1330, 128 : i32
      %slice3A_1332 = vector.extract_strided_slice %get3A_1233 {offsets = [14], sizes = [1], strides = [1]} : vector<16xi32> to vector<1xi32>
      %squeeze3A_1333 = vector.extract %slice3A_1332[0] : i32 from vector<1xi32>
      %shift_right_arithmetic3A_1334 = arith.constant 7 : i32
      %shift_right_arithmetic3A_1335 = arith.shrsi %squeeze3A_1333, %shift_right_arithmetic3A_1334 : i32
      %shift_left3A_1336 = arith.constant 7 : i32
      %shift_left3A_1337 = arith.shli %shift_right_arithmetic3A_1335, %shift_left3A_1336 : i32
      %multiple_of3A_1338 = tpu.assume_multiple %shift_left3A_1337, 128 : i32
      %slice3A_1339 = vector.extract_strided_slice %get3A_1233 {offsets = [15], sizes = [1], strides = [1]} : vector<16xi32> to vector<1xi32>
      %squeeze3A_1340 = vector.extract %slice3A_1339[0] : i32 from vector<1xi32>
      %shift_right_arithmetic3A_1341 = arith.constant 7 : i32
      %shift_right_arithmetic3A_1342 = arith.shrsi %squeeze3A_1340, %shift_right_arithmetic3A_1341 : i32
      %shift_left3A_1343 = arith.constant 7 : i32
      %shift_left3A_1344 = arith.shli %shift_right_arithmetic3A_1342, %shift_left3A_1343 : i32
      %multiple_of3A_1345 = tpu.assume_multiple %shift_left3A_1344, 128 : i32
      %dma_wait3A_1346 = arith.constant 0 : i32
      %dma_wait3A_1347 = arith.constant 0 : i32
      %dma_wait3A_1348 = arith.constant 0 : i32
      %dma_wait3A_1349 = tpu.memref_slice %arg6[%and3A_1229, %dma_wait3A_1346, %dma_wait3A_1347, %dma_wait3A_1348] : memref<2x16x16x128xf32, #tpu.memory_space<vmem>> -> memref<1x1x16x128xf32, #tpu.memory_space<vmem>>
      %dma_wait3A_1350 = tpu.memref_squeeze %dma_wait3A_1349 : memref<1x1x16x128xf32, #tpu.memory_space<vmem>> -> memref<16x128xf32, #tpu.memory_space<vmem>>
      %dma_wait3A_1351 = arith.constant 0 : i32
      %dma_wait3A_1352 = tpu.memref_slice %arg3[%dma_wait3A_1351, %multiple_of3A_1240] : memref<16x1000000xf32, #tpu.memory_space<hbm>> -> memref<16x128xf32, #tpu.memory_space<hbm>>
      %dma_wait3A_1353 = arith.constant 0 : i32
      %dma_wait3A_1354 = arith.constant 0 : i32
      %dma_wait3A_1355 = tpu.memref_slice %arg6[%and3A_1229, %dma_wait3A_1346, %dma_wait3A_1353, %dma_wait3A_1354] : memref<2x16x16x128xf32, #tpu.memory_space<vmem>> -> memref<1x1x16x128xf32, #tpu.memory_space<vmem>>
      %dma_wait3A_1356 = tpu.memref_squeeze %dma_wait3A_1355 : memref<1x1x16x128xf32, #tpu.memory_space<vmem>> -> memref<16x128xf32, #tpu.memory_space<vmem>>
      %dma_wait3A_1357 = arith.constant 0 : i32
      %dma_wait3A_1358 = tpu.memref_slice %arg3[%dma_wait3A_1357, %multiple_of3A_1240] : memref<16x1000000xf32, #tpu.memory_space<hbm>> -> memref<16x128xf32, #tpu.memory_space<hbm>>
      tpu.wait_dma2 semaphore(%arg8 : memref<!tpu.dma_semaphore, #tpu.memory_space<semaphore_mem>>) src(%dma_wait3A_1358 : memref<16x128xf32, #tpu.memory_space<hbm>>) dst(%dma_wait3A_1356 : memref<16x128xf32, #tpu.memory_space<vmem>>)
      %dma_wait3A_1359 = arith.constant 1 : i32
      %dma_wait3A_1360 = arith.constant 0 : i32
      %dma_wait3A_1361 = arith.constant 0 : i32
      %dma_wait3A_1362 = tpu.memref_slice %arg6[%and3A_1229, %dma_wait3A_1359, %dma_wait3A_1360, %dma_wait3A_1361] : memref<2x16x16x128xf32, #tpu.memory_space<vmem>> -> memref<1x1x16x128xf32, #tpu.memory_space<vmem>>
      %dma_wait3A_1363 = tpu.memref_squeeze %dma_wait3A_1362 : memref<1x1x16x128xf32, #tpu.memory_space<vmem>> -> memref<16x128xf32, #tpu.memory_space<vmem>>
      %dma_wait3A_1364 = arith.constant 0 : i32
      %dma_wait3A_1365 = tpu.memref_slice %arg3[%dma_wait3A_1364, %multiple_of3A_1247] : memref<16x1000000xf32, #tpu.memory_space<hbm>> -> memref<16x128xf32, #tpu.memory_space<hbm>>
      %dma_wait3A_1366 = arith.constant 0 : i32
      %dma_wait3A_1367 = arith.constant 0 : i32
      %dma_wait3A_1368 = tpu.memref_slice %arg6[%and3A_1229, %dma_wait3A_1359, %dma_wait3A_1366, %dma_wait3A_1367] : memref<2x16x16x128xf32, #tpu.memory_space<vmem>> -> memref<1x1x16x128xf32, #tpu.memory_space<vmem>>
      %dma_wait3A_1369 = tpu.memref_squeeze %dma_wait3A_1368 : memref<1x1x16x128xf32, #tpu.memory_space<vmem>> -> memref<16x128xf32, #tpu.memory_space<vmem>>
      %dma_wait3A_1370 = arith.constant 0 : i32
      %dma_wait3A_1371 = tpu.memref_slice %arg3[%dma_wait3A_1370, %multiple_of3A_1247] : memref<16x1000000xf32, #tpu.memory_space<hbm>> -> memref<16x128xf32, #tpu.memory_space<hbm>>
      tpu.wait_dma2 semaphore(%arg8 : memref<!tpu.dma_semaphore, #tpu.memory_space<semaphore_mem>>) src(%dma_wait3A_1371 : memref<16x128xf32, #tpu.memory_space<hbm>>) dst(%dma_wait3A_1369 : memref<16x128xf32, #tpu.memory_space<vmem>>)
      %dma_wait3A_1372 = arith.constant 2 : i32
      %dma_wait3A_1373 = arith.constant 0 : i32
      %dma_wait3A_1374 = arith.constant 0 : i32
      %dma_wait3A_1375 = tpu.memref_slice %arg6[%and3A_1229, %dma_wait3A_1372, %dma_wait3A_1373, %dma_wait3A_1374] : memref<2x16x16x128xf32, #tpu.memory_space<vmem>> -> memref<1x1x16x128xf32, #tpu.memory_space<vmem>>
      %dma_wait3A_1376 = tpu.memref_squeeze %dma_wait3A_1375 : memref<1x1x16x128xf32, #tpu.memory_space<vmem>> -> memref<16x128xf32, #tpu.memory_space<vmem>>
      %dma_wait3A_1377 = arith.constant 0 : i32
      %dma_wait3A_1378 = tpu.memref_slice %arg3[%dma_wait3A_1377, %multiple_of3A_1254] : memref<16x1000000xf32, #tpu.memory_space<hbm>> -> memref<16x128xf32, #tpu.memory_space<hbm>>
      %dma_wait3A_1379 = arith.constant 0 : i32
      %dma_wait3A_1380 = arith.constant 0 : i32
      %dma_wait3A_1381 = tpu.memref_slice %arg6[%and3A_1229, %dma_wait3A_1372, %dma_wait3A_1379, %dma_wait3A_1380] : memref<2x16x16x128xf32, #tpu.memory_space<vmem>> -> memref<1x1x16x128xf32, #tpu.memory_space<vmem>>
      %dma_wait3A_1382 = tpu.memref_squeeze %dma_wait3A_1381 : memref<1x1x16x128xf32, #tpu.memory_space<vmem>> -> memref<16x128xf32, #tpu.memory_space<vmem>>
      %dma_wait3A_1383 = arith.constant 0 : i32
      %dma_wait3A_1384 = tpu.memref_slice %arg3[%dma_wait3A_1383, %multiple_of3A_1254] : memref<16x1000000xf32, #tpu.memory_space<hbm>> -> memref<16x128xf32, #tpu.memory_space<hbm>>
      tpu.wait_dma2 semaphore(%arg8 : memref<!tpu.dma_semaphore, #tpu.memory_space<semaphore_mem>>) src(%dma_wait3A_1384 : memref<16x128xf32, #tpu.memory_space<hbm>>) dst(%dma_wait3A_1382 : memref<16x128xf32, #tpu.memory_space<vmem>>)
      %dma_wait3A_1385 = arith.constant 3 : i32
      %dma_wait3A_1386 = arith.constant 0 : i32
      %dma_wait3A_1387 = arith.constant 0 : i32
      %dma_wait3A_1388 = tpu.memref_slice %arg6[%and3A_1229, %dma_wait3A_1385, %dma_wait3A_1386, %dma_wait3A_1387] : memref<2x16x16x128xf32, #tpu.memory_space<vmem>> -> memref<1x1x16x128xf32, #tpu.memory_space<vmem>>
      %dma_wait3A_1389 = tpu.memref_squeeze %dma_wait3A_1388 : memref<1x1x16x128xf32, #tpu.memory_space<vmem>> -> memref<16x128xf32, #tpu.memory_space<vmem>>
      %dma_wait3A_1390 = arith.constant 0 : i32
      %dma_wait3A_1391 = tpu.memref_slice %arg3[%dma_wait3A_1390, %multiple_of3A_1261] : memref<16x1000000xf32, #tpu.memory_space<hbm>> -> memref<16x128xf32, #tpu.memory_space<hbm>>
      %dma_wait3A_1392 = arith.constant 0 : i32
      %dma_wait3A_1393 = arith.constant 0 : i32
      %dma_wait3A_1394 = tpu.memref_slice %arg6[%and3A_1229, %dma_wait3A_1385, %dma_wait3A_1392, %dma_wait3A_1393] : memref<2x16x16x128xf32, #tpu.memory_space<vmem>> -> memref<1x1x16x128xf32, #tpu.memory_space<vmem>>
      %dma_wait3A_1395 = tpu.memref_squeeze %dma_wait3A_1394 : memref<1x1x16x128xf32, #tpu.memory_space<vmem>> -> memref<16x128xf32, #tpu.memory_space<vmem>>
      %dma_wait3A_1396 = arith.constant 0 : i32
      %dma_wait3A_1397 = tpu.memref_slice %arg3[%dma_wait3A_1396, %multiple_of3A_1261] : memref<16x1000000xf32, #tpu.memory_space<hbm>> -> memref<16x128xf32, #tpu.memory_space<hbm>>
      tpu.wait_dma2 semaphore(%arg8 : memref<!tpu.dma_semaphore, #tpu.memory_space<semaphore_mem>>) src(%dma_wait3A_1397 : memref<16x128xf32, #tpu.memory_space<hbm>>) dst(%dma_wait3A_1395 : memref<16x128xf32, #tpu.memory_space<vmem>>)
      %dma_wait3A_1398 = arith.constant 4 : i32
      %dma_wait3A_1399 = arith.constant 0 : i32
      %dma_wait3A_1400 = arith.constant 0 : i32
      %dma_wait3A_1401 = tpu.memref_slice %arg6[%and3A_1229, %dma_wait3A_1398, %dma_wait3A_1399, %dma_wait3A_1400] : memref<2x16x16x128xf32, #tpu.memory_space<vmem>> -> memref<1x1x16x128xf32, #tpu.memory_space<vmem>>
      %dma_wait3A_1402 = tpu.memref_squeeze %dma_wait3A_1401 : memref<1x1x16x128xf32, #tpu.memory_space<vmem>> -> memref<16x128xf32, #tpu.memory_space<vmem>>
      %dma_wait3A_1403 = arith.constant 0 : i32
      %dma_wait3A_1404 = tpu.memref_slice %arg3[%dma_wait3A_1403, %multiple_of3A_1268] : memref<16x1000000xf32, #tpu.memory_space<hbm>> -> memref<16x128xf32, #tpu.memory_space<hbm>>
      %dma_wait3A_1405 = arith.constant 0 : i32
      %dma_wait3A_1406 = arith.constant 0 : i32
      %dma_wait3A_1407 = tpu.memref_slice %arg6[%and3A_1229, %dma_wait3A_1398, %dma_wait3A_1405, %dma_wait3A_1406] : memref<2x16x16x128xf32, #tpu.memory_space<vmem>> -> memref<1x1x16x128xf32, #tpu.memory_space<vmem>>
      %dma_wait3A_1408 = tpu.memref_squeeze %dma_wait3A_1407 : memref<1x1x16x128xf32, #tpu.memory_space<vmem>> -> memref<16x128xf32, #tpu.memory_space<vmem>>
      %dma_wait3A_1409 = arith.constant 0 : i32
      %dma_wait3A_1410 = tpu.memref_slice %arg3[%dma_wait3A_1409, %multiple_of3A_1268] : memref<16x1000000xf32, #tpu.memory_space<hbm>> -> memref<16x128xf32, #tpu.memory_space<hbm>>
      tpu.wait_dma2 semaphore(%arg8 : memref<!tpu.dma_semaphore, #tpu.memory_space<semaphore_mem>>) src(%dma_wait3A_1410 : memref<16x128xf32, #tpu.memory_space<hbm>>) dst(%dma_wait3A_1408 : memref<16x128xf32, #tpu.memory_space<vmem>>)
      %dma_wait3A_1411 = arith.constant 5 : i32
      %dma_wait3A_1412 = arith.constant 0 : i32
      %dma_wait3A_1413 = arith.constant 0 : i32
      %dma_wait3A_1414 = tpu.memref_slice %arg6[%and3A_1229, %dma_wait3A_1411, %dma_wait3A_1412, %dma_wait3A_1413] : memref<2x16x16x128xf32, #tpu.memory_space<vmem>> -> memref<1x1x16x128xf32, #tpu.memory_space<vmem>>
      %dma_wait3A_1415 = tpu.memref_squeeze %dma_wait3A_1414 : memref<1x1x16x128xf32, #tpu.memory_space<vmem>> -> memref<16x128xf32, #tpu.memory_space<vmem>>
      %dma_wait3A_1416 = arith.constant 0 : i32
      %dma_wait3A_1417 = tpu.memref_slice %arg3[%dma_wait3A_1416, %multiple_of3A_1275] : memref<16x1000000xf32, #tpu.memory_space<hbm>> -> memref<16x128xf32, #tpu.memory_space<hbm>>
      %dma_wait3A_1418 = arith.constant 0 : i32
      %dma_wait3A_1419 = arith.constant 0 : i32
      %dma_wait3A_1420 = tpu.memref_slice %arg6[%and3A_1229, %dma_wait3A_1411, %dma_wait3A_1418, %dma_wait3A_1419] : memref<2x16x16x128xf32, #tpu.memory_space<vmem>> -> memref<1x1x16x128xf32, #tpu.memory_space<vmem>>
      %dma_wait3A_1421 = tpu.memref_squeeze %dma_wait3A_1420 : memref<1x1x16x128xf32, #tpu.memory_space<vmem>> -> memref<16x128xf32, #tpu.memory_space<vmem>>
      %dma_wait3A_1422 = arith.constant 0 : i32
      %dma_wait3A_1423 = tpu.memref_slice %arg3[%dma_wait3A_1422, %multiple_of3A_1275] : memref<16x1000000xf32, #tpu.memory_space<hbm>> -> memref<16x128xf32, #tpu.memory_space<hbm>>
      tpu.wait_dma2 semaphore(%arg8 : memref<!tpu.dma_semaphore, #tpu.memory_space<semaphore_mem>>) src(%dma_wait3A_1423 : memref<16x128xf32, #tpu.memory_space<hbm>>) dst(%dma_wait3A_1421 : memref<16x128xf32, #tpu.memory_space<vmem>>)
      %dma_wait3A_1424 = arith.constant 6 : i32
      %dma_wait3A_1425 = arith.constant 0 : i32
      %dma_wait3A_1426 = arith.constant 0 : i32
      %dma_wait3A_1427 = tpu.memref_slice %arg6[%and3A_1229, %dma_wait3A_1424, %dma_wait3A_1425, %dma_wait3A_1426] : memref<2x16x16x128xf32, #tpu.memory_space<vmem>> -> memref<1x1x16x128xf32, #tpu.memory_space<vmem>>
      %dma_wait3A_1428 = tpu.memref_squeeze %dma_wait3A_1427 : memref<1x1x16x128xf32, #tpu.memory_space<vmem>> -> memref<16x128xf32, #tpu.memory_space<vmem>>
      %dma_wait3A_1429 = arith.constant 0 : i32
      %dma_wait3A_1430 = tpu.memref_slice %arg3[%dma_wait3A_1429, %multiple_of3A_1282] : memref<16x1000000xf32, #tpu.memory_space<hbm>> -> memref<16x128xf32, #tpu.memory_space<hbm>>
      %dma_wait3A_1431 = arith.constant 0 : i32
      %dma_wait3A_1432 = arith.constant 0 : i32
      %dma_wait3A_1433 = tpu.memref_slice %arg6[%and3A_1229, %dma_wait3A_1424, %dma_wait3A_1431, %dma_wait3A_1432] : memref<2x16x16x128xf32, #tpu.memory_space<vmem>> -> memref<1x1x16x128xf32, #tpu.memory_space<vmem>>
      %dma_wait3A_1434 = tpu.memref_squeeze %dma_wait3A_1433 : memref<1x1x16x128xf32, #tpu.memory_space<vmem>> -> memref<16x128xf32, #tpu.memory_space<vmem>>
      %dma_wait3A_1435 = arith.constant 0 : i32
      %dma_wait3A_1436 = tpu.memref_slice %arg3[%dma_wait3A_1435, %multiple_of3A_1282] : memref<16x1000000xf32, #tpu.memory_space<hbm>> -> memref<16x128xf32, #tpu.memory_space<hbm>>
      tpu.wait_dma2 semaphore(%arg8 : memref<!tpu.dma_semaphore, #tpu.memory_space<semaphore_mem>>) src(%dma_wait3A_1436 : memref<16x128xf32, #tpu.memory_space<hbm>>) dst(%dma_wait3A_1434 : memref<16x128xf32, #tpu.memory_space<vmem>>)
      %dma_wait3A_1437 = arith.constant 7 : i32
      %dma_wait3A_1438 = arith.constant 0 : i32
      %dma_wait3A_1439 = arith.constant 0 : i32
      %dma_wait3A_1440 = tpu.memref_slice %arg6[%and3A_1229, %dma_wait3A_1437, %dma_wait3A_1438, %dma_wait3A_1439] : memref<2x16x16x128xf32, #tpu.memory_space<vmem>> -> memref<1x1x16x128xf32, #tpu.memory_space<vmem>>
      %dma_wait3A_1441 = tpu.memref_squeeze %dma_wait3A_1440 : memref<1x1x16x128xf32, #tpu.memory_space<vmem>> -> memref<16x128xf32, #tpu.memory_space<vmem>>
      %dma_wait3A_1442 = arith.constant 0 : i32
      %dma_wait3A_1443 = tpu.memref_slice %arg3[%dma_wait3A_1442, %multiple_of3A_1289] : memref<16x1000000xf32, #tpu.memory_space<hbm>> -> memref<16x128xf32, #tpu.memory_space<hbm>>
      %dma_wait3A_1444 = arith.constant 0 : i32
      %dma_wait3A_1445 = arith.constant 0 : i32
      %dma_wait3A_1446 = tpu.memref_slice %arg6[%and3A_1229, %dma_wait3A_1437, %dma_wait3A_1444, %dma_wait3A_1445] : memref<2x16x16x128xf32, #tpu.memory_space<vmem>> -> memref<1x1x16x128xf32, #tpu.memory_space<vmem>>
      %dma_wait3A_1447 = tpu.memref_squeeze %dma_wait3A_1446 : memref<1x1x16x128xf32, #tpu.memory_space<vmem>> -> memref<16x128xf32, #tpu.memory_space<vmem>>
      %dma_wait3A_1448 = arith.constant 0 : i32
      %dma_wait3A_1449 = tpu.memref_slice %arg3[%dma_wait3A_1448, %multiple_of3A_1289] : memref<16x1000000xf32, #tpu.memory_space<hbm>> -> memref<16x128xf32, #tpu.memory_space<hbm>>
      tpu.wait_dma2 semaphore(%arg8 : memref<!tpu.dma_semaphore, #tpu.memory_space<semaphore_mem>>) src(%dma_wait3A_1449 : memref<16x128xf32, #tpu.memory_space<hbm>>) dst(%dma_wait3A_1447 : memref<16x128xf32, #tpu.memory_space<vmem>>)
      %dma_wait3A_1450 = arith.constant 8 : i32
      %dma_wait3A_1451 = arith.constant 0 : i32
      %dma_wait3A_1452 = arith.constant 0 : i32
      %dma_wait3A_1453 = tpu.memref_slice %arg6[%and3A_1229, %dma_wait3A_1450, %dma_wait3A_1451, %dma_wait3A_1452] : memref<2x16x16x128xf32, #tpu.memory_space<vmem>> -> memref<1x1x16x128xf32, #tpu.memory_space<vmem>>
      %dma_wait3A_1454 = tpu.memref_squeeze %dma_wait3A_1453 : memref<1x1x16x128xf32, #tpu.memory_space<vmem>> -> memref<16x128xf32, #tpu.memory_space<vmem>>
      %dma_wait3A_1455 = arith.constant 0 : i32
      %dma_wait3A_1456 = tpu.memref_slice %arg3[%dma_wait3A_1455, %multiple_of3A_1296] : memref<16x1000000xf32, #tpu.memory_space<hbm>> -> memref<16x128xf32, #tpu.memory_space<hbm>>
      %dma_wait3A_1457 = arith.constant 0 : i32
      %dma_wait3A_1458 = arith.constant 0 : i32
      %dma_wait3A_1459 = tpu.memref_slice %arg6[%and3A_1229, %dma_wait3A_1450, %dma_wait3A_1457, %dma_wait3A_1458] : memref<2x16x16x128xf32, #tpu.memory_space<vmem>> -> memref<1x1x16x128xf32, #tpu.memory_space<vmem>>
      %dma_wait3A_1460 = tpu.memref_squeeze %dma_wait3A_1459 : memref<1x1x16x128xf32, #tpu.memory_space<vmem>> -> memref<16x128xf32, #tpu.memory_space<vmem>>
      %dma_wait3A_1461 = arith.constant 0 : i32
      %dma_wait3A_1462 = tpu.memref_slice %arg3[%dma_wait3A_1461, %multiple_of3A_1296] : memref<16x1000000xf32, #tpu.memory_space<hbm>> -> memref<16x128xf32, #tpu.memory_space<hbm>>
      tpu.wait_dma2 semaphore(%arg8 : memref<!tpu.dma_semaphore, #tpu.memory_space<semaphore_mem>>) src(%dma_wait3A_1462 : memref<16x128xf32, #tpu.memory_space<hbm>>) dst(%dma_wait3A_1460 : memref<16x128xf32, #tpu.memory_space<vmem>>)
      %dma_wait3A_1463 = arith.constant 9 : i32
      %dma_wait3A_1464 = arith.constant 0 : i32
      %dma_wait3A_1465 = arith.constant 0 : i32
      %dma_wait3A_1466 = tpu.memref_slice %arg6[%and3A_1229, %dma_wait3A_1463, %dma_wait3A_1464, %dma_wait3A_1465] : memref<2x16x16x128xf32, #tpu.memory_space<vmem>> -> memref<1x1x16x128xf32, #tpu.memory_space<vmem>>
      %dma_wait3A_1467 = tpu.memref_squeeze %dma_wait3A_1466 : memref<1x1x16x128xf32, #tpu.memory_space<vmem>> -> memref<16x128xf32, #tpu.memory_space<vmem>>
      %dma_wait3A_1468 = arith.constant 0 : i32
      %dma_wait3A_1469 = tpu.memref_slice %arg3[%dma_wait3A_1468, %multiple_of3A_1303] : memref<16x1000000xf32, #tpu.memory_space<hbm>> -> memref<16x128xf32, #tpu.memory_space<hbm>>
      %dma_wait3A_1470 = arith.constant 0 : i32
      %dma_wait3A_1471 = arith.constant 0 : i32
      %dma_wait3A_1472 = tpu.memref_slice %arg6[%and3A_1229, %dma_wait3A_1463, %dma_wait3A_1470, %dma_wait3A_1471] : memref<2x16x16x128xf32, #tpu.memory_space<vmem>> -> memref<1x1x16x128xf32, #tpu.memory_space<vmem>>
      %dma_wait3A_1473 = tpu.memref_squeeze %dma_wait3A_1472 : memref<1x1x16x128xf32, #tpu.memory_space<vmem>> -> memref<16x128xf32, #tpu.memory_space<vmem>>
      %dma_wait3A_1474 = arith.constant 0 : i32
      %dma_wait3A_1475 = tpu.memref_slice %arg3[%dma_wait3A_1474, %multiple_of3A_1303] : memref<16x1000000xf32, #tpu.memory_space<hbm>> -> memref<16x128xf32, #tpu.memory_space<hbm>>
      tpu.wait_dma2 semaphore(%arg8 : memref<!tpu.dma_semaphore, #tpu.memory_space<semaphore_mem>>) src(%dma_wait3A_1475 : memref<16x128xf32, #tpu.memory_space<hbm>>) dst(%dma_wait3A_1473 : memref<16x128xf32, #tpu.memory_space<vmem>>)
      %dma_wait3A_1476 = arith.constant 10 : i32
      %dma_wait3A_1477 = arith.constant 0 : i32
      %dma_wait3A_1478 = arith.constant 0 : i32
      %dma_wait3A_1479 = tpu.memref_slice %arg6[%and3A_1229, %dma_wait3A_1476, %dma_wait3A_1477, %dma_wait3A_1478] : memref<2x16x16x128xf32, #tpu.memory_space<vmem>> -> memref<1x1x16x128xf32, #tpu.memory_space<vmem>>
      %dma_wait3A_1480 = tpu.memref_squeeze %dma_wait3A_1479 : memref<1x1x16x128xf32, #tpu.memory_space<vmem>> -> memref<16x128xf32, #tpu.memory_space<vmem>>
      %dma_wait3A_1481 = arith.constant 0 : i32
      %dma_wait3A_1482 = tpu.memref_slice %arg3[%dma_wait3A_1481, %multiple_of3A_1310] : memref<16x1000000xf32, #tpu.memory_space<hbm>> -> memref<16x128xf32, #tpu.memory_space<hbm>>
      %dma_wait3A_1483 = arith.constant 0 : i32
      %dma_wait3A_1484 = arith.constant 0 : i32
      %dma_wait3A_1485 = tpu.memref_slice %arg6[%and3A_1229, %dma_wait3A_1476, %dma_wait3A_1483, %dma_wait3A_1484] : memref<2x16x16x128xf32, #tpu.memory_space<vmem>> -> memref<1x1x16x128xf32, #tpu.memory_space<vmem>>
      %dma_wait3A_1486 = tpu.memref_squeeze %dma_wait3A_1485 : memref<1x1x16x128xf32, #tpu.memory_space<vmem>> -> memref<16x128xf32, #tpu.memory_space<vmem>>
      %dma_wait3A_1487 = arith.constant 0 : i32
      %dma_wait3A_1488 = tpu.memref_slice %arg3[%dma_wait3A_1487, %multiple_of3A_1310] : memref<16x1000000xf32, #tpu.memory_space<hbm>> -> memref<16x128xf32, #tpu.memory_space<hbm>>
      tpu.wait_dma2 semaphore(%arg8 : memref<!tpu.dma_semaphore, #tpu.memory_space<semaphore_mem>>) src(%dma_wait3A_1488 : memref<16x128xf32, #tpu.memory_space<hbm>>) dst(%dma_wait3A_1486 : memref<16x128xf32, #tpu.memory_space<vmem>>)
      %dma_wait3A_1489 = arith.constant 11 : i32
      %dma_wait3A_1490 = arith.constant 0 : i32
      %dma_wait3A_1491 = arith.constant 0 : i32
      %dma_wait3A_1492 = tpu.memref_slice %arg6[%and3A_1229, %dma_wait3A_1489, %dma_wait3A_1490, %dma_wait3A_1491] : memref<2x16x16x128xf32, #tpu.memory_space<vmem>> -> memref<1x1x16x128xf32, #tpu.memory_space<vmem>>
      %dma_wait3A_1493 = tpu.memref_squeeze %dma_wait3A_1492 : memref<1x1x16x128xf32, #tpu.memory_space<vmem>> -> memref<16x128xf32, #tpu.memory_space<vmem>>
      %dma_wait3A_1494 = arith.constant 0 : i32
      %dma_wait3A_1495 = tpu.memref_slice %arg3[%dma_wait3A_1494, %multiple_of3A_1317] : memref<16x1000000xf32, #tpu.memory_space<hbm>> -> memref<16x128xf32, #tpu.memory_space<hbm>>
      %dma_wait3A_1496 = arith.constant 0 : i32
      %dma_wait3A_1497 = arith.constant 0 : i32
      %dma_wait3A_1498 = tpu.memref_slice %arg6[%and3A_1229, %dma_wait3A_1489, %dma_wait3A_1496, %dma_wait3A_1497] : memref<2x16x16x128xf32, #tpu.memory_space<vmem>> -> memref<1x1x16x128xf32, #tpu.memory_space<vmem>>
      %dma_wait3A_1499 = tpu.memref_squeeze %dma_wait3A_1498 : memref<1x1x16x128xf32, #tpu.memory_space<vmem>> -> memref<16x128xf32, #tpu.memory_space<vmem>>
      %dma_wait3A_1500 = arith.constant 0 : i32
      %dma_wait3A_1501 = tpu.memref_slice %arg3[%dma_wait3A_1500, %multiple_of3A_1317] : memref<16x1000000xf32, #tpu.memory_space<hbm>> -> memref<16x128xf32, #tpu.memory_space<hbm>>
      tpu.wait_dma2 semaphore(%arg8 : memref<!tpu.dma_semaphore, #tpu.memory_space<semaphore_mem>>) src(%dma_wait3A_1501 : memref<16x128xf32, #tpu.memory_space<hbm>>) dst(%dma_wait3A_1499 : memref<16x128xf32, #tpu.memory_space<vmem>>)
      %dma_wait3A_1502 = arith.constant 12 : i32
      %dma_wait3A_1503 = arith.constant 0 : i32
      %dma_wait3A_1504 = arith.constant 0 : i32
      %dma_wait3A_1505 = tpu.memref_slice %arg6[%and3A_1229, %dma_wait3A_1502, %dma_wait3A_1503, %dma_wait3A_1504] : memref<2x16x16x128xf32, #tpu.memory_space<vmem>> -> memref<1x1x16x128xf32, #tpu.memory_space<vmem>>
      %dma_wait3A_1506 = tpu.memref_squeeze %dma_wait3A_1505 : memref<1x1x16x128xf32, #tpu.memory_space<vmem>> -> memref<16x128xf32, #tpu.memory_space<vmem>>
      %dma_wait3A_1507 = arith.constant 0 : i32
      %dma_wait3A_1508 = tpu.memref_slice %arg3[%dma_wait3A_1507, %multiple_of3A_1324] : memref<16x1000000xf32, #tpu.memory_space<hbm>> -> memref<16x128xf32, #tpu.memory_space<hbm>>
      %dma_wait3A_1509 = arith.constant 0 : i32
      %dma_wait3A_1510 = arith.constant 0 : i32
      %dma_wait3A_1511 = tpu.memref_slice %arg6[%and3A_1229, %dma_wait3A_1502, %dma_wait3A_1509, %dma_wait3A_1510] : memref<2x16x16x128xf32, #tpu.memory_space<vmem>> -> memref<1x1x16x128xf32, #tpu.memory_space<vmem>>
      %dma_wait3A_1512 = tpu.memref_squeeze %dma_wait3A_1511 : memref<1x1x16x128xf32, #tpu.memory_space<vmem>> -> memref<16x128xf32, #tpu.memory_space<vmem>>
      %dma_wait3A_1513 = arith.constant 0 : i32
      %dma_wait3A_1514 = tpu.memref_slice %arg3[%dma_wait3A_1513, %multiple_of3A_1324] : memref<16x1000000xf32, #tpu.memory_space<hbm>> -> memref<16x128xf32, #tpu.memory_space<hbm>>
      tpu.wait_dma2 semaphore(%arg8 : memref<!tpu.dma_semaphore, #tpu.memory_space<semaphore_mem>>) src(%dma_wait3A_1514 : memref<16x128xf32, #tpu.memory_space<hbm>>) dst(%dma_wait3A_1512 : memref<16x128xf32, #tpu.memory_space<vmem>>)
      %dma_wait3A_1515 = arith.constant 13 : i32
      %dma_wait3A_1516 = arith.constant 0 : i32
      %dma_wait3A_1517 = arith.constant 0 : i32
      %dma_wait3A_1518 = tpu.memref_slice %arg6[%and3A_1229, %dma_wait3A_1515, %dma_wait3A_1516, %dma_wait3A_1517] : memref<2x16x16x128xf32, #tpu.memory_space<vmem>> -> memref<1x1x16x128xf32, #tpu.memory_space<vmem>>
      %dma_wait3A_1519 = tpu.memref_squeeze %dma_wait3A_1518 : memref<1x1x16x128xf32, #tpu.memory_space<vmem>> -> memref<16x128xf32, #tpu.memory_space<vmem>>
      %dma_wait3A_1520 = arith.constant 0 : i32
      %dma_wait3A_1521 = tpu.memref_slice %arg3[%dma_wait3A_1520, %multiple_of3A_1331] : memref<16x1000000xf32, #tpu.memory_space<hbm>> -> memref<16x128xf32, #tpu.memory_space<hbm>>
      %dma_wait3A_1522 = arith.constant 0 : i32
      %dma_wait3A_1523 = arith.constant 0 : i32
      %dma_wait3A_1524 = tpu.memref_slice %arg6[%and3A_1229, %dma_wait3A_1515, %dma_wait3A_1522, %dma_wait3A_1523] : memref<2x16x16x128xf32, #tpu.memory_space<vmem>> -> memref<1x1x16x128xf32, #tpu.memory_space<vmem>>
      %dma_wait3A_1525 = tpu.memref_squeeze %dma_wait3A_1524 : memref<1x1x16x128xf32, #tpu.memory_space<vmem>> -> memref<16x128xf32, #tpu.memory_space<vmem>>
      %dma_wait3A_1526 = arith.constant 0 : i32
      %dma_wait3A_1527 = tpu.memref_slice %arg3[%dma_wait3A_1526, %multiple_of3A_1331] : memref<16x1000000xf32, #tpu.memory_space<hbm>> -> memref<16x128xf32, #tpu.memory_space<hbm>>
      tpu.wait_dma2 semaphore(%arg8 : memref<!tpu.dma_semaphore, #tpu.memory_space<semaphore_mem>>) src(%dma_wait3A_1527 : memref<16x128xf32, #tpu.memory_space<hbm>>) dst(%dma_wait3A_1525 : memref<16x128xf32, #tpu.memory_space<vmem>>)
      %dma_wait3A_1528 = arith.constant 14 : i32
      %dma_wait3A_1529 = arith.constant 0 : i32
      %dma_wait3A_1530 = arith.constant 0 : i32
      %dma_wait3A_1531 = tpu.memref_slice %arg6[%and3A_1229, %dma_wait3A_1528, %dma_wait3A_1529, %dma_wait3A_1530] : memref<2x16x16x128xf32, #tpu.memory_space<vmem>> -> memref<1x1x16x128xf32, #tpu.memory_space<vmem>>
      %dma_wait3A_1532 = tpu.memref_squeeze %dma_wait3A_1531 : memref<1x1x16x128xf32, #tpu.memory_space<vmem>> -> memref<16x128xf32, #tpu.memory_space<vmem>>
      %dma_wait3A_1533 = arith.constant 0 : i32
      %dma_wait3A_1534 = tpu.memref_slice %arg3[%dma_wait3A_1533, %multiple_of3A_1338] : memref<16x1000000xf32, #tpu.memory_space<hbm>> -> memref<16x128xf32, #tpu.memory_space<hbm>>
      %dma_wait3A_1535 = arith.constant 0 : i32
      %dma_wait3A_1536 = arith.constant 0 : i32
      %dma_wait3A_1537 = tpu.memref_slice %arg6[%and3A_1229, %dma_wait3A_1528, %dma_wait3A_1535, %dma_wait3A_1536] : memref<2x16x16x128xf32, #tpu.memory_space<vmem>> -> memref<1x1x16x128xf32, #tpu.memory_space<vmem>>
      %dma_wait3A_1538 = tpu.memref_squeeze %dma_wait3A_1537 : memref<1x1x16x128xf32, #tpu.memory_space<vmem>> -> memref<16x128xf32, #tpu.memory_space<vmem>>
      %dma_wait3A_1539 = arith.constant 0 : i32
      %dma_wait3A_1540 = tpu.memref_slice %arg3[%dma_wait3A_1539, %multiple_of3A_1338] : memref<16x1000000xf32, #tpu.memory_space<hbm>> -> memref<16x128xf32, #tpu.memory_space<hbm>>
      tpu.wait_dma2 semaphore(%arg8 : memref<!tpu.dma_semaphore, #tpu.memory_space<semaphore_mem>>) src(%dma_wait3A_1540 : memref<16x128xf32, #tpu.memory_space<hbm>>) dst(%dma_wait3A_1538 : memref<16x128xf32, #tpu.memory_space<vmem>>)
      %dma_wait3A_1541 = arith.constant 15 : i32
      %dma_wait3A_1542 = arith.constant 0 : i32
      %dma_wait3A_1543 = arith.constant 0 : i32
      %dma_wait3A_1544 = tpu.memref_slice %arg6[%and3A_1229, %dma_wait3A_1541, %dma_wait3A_1542, %dma_wait3A_1543] : memref<2x16x16x128xf32, #tpu.memory_space<vmem>> -> memref<1x1x16x128xf32, #tpu.memory_space<vmem>>
      %dma_wait3A_1545 = tpu.memref_squeeze %dma_wait3A_1544 : memref<1x1x16x128xf32, #tpu.memory_space<vmem>> -> memref<16x128xf32, #tpu.memory_space<vmem>>
      %dma_wait3A_1546 = arith.constant 0 : i32
      %dma_wait3A_1547 = tpu.memref_slice %arg3[%dma_wait3A_1546, %multiple_of3A_1345] : memref<16x1000000xf32, #tpu.memory_space<hbm>> -> memref<16x128xf32, #tpu.memory_space<hbm>>
      %dma_wait3A_1548 = arith.constant 0 : i32
      %dma_wait3A_1549 = arith.constant 0 : i32
      %dma_wait3A_1550 = tpu.memref_slice %arg6[%and3A_1229, %dma_wait3A_1541, %dma_wait3A_1548, %dma_wait3A_1549] : memref<2x16x16x128xf32, #tpu.memory_space<vmem>> -> memref<1x1x16x128xf32, #tpu.memory_space<vmem>>
      %dma_wait3A_1551 = tpu.memref_squeeze %dma_wait3A_1550 : memref<1x1x16x128xf32, #tpu.memory_space<vmem>> -> memref<16x128xf32, #tpu.memory_space<vmem>>
      %dma_wait3A_1552 = arith.constant 0 : i32
      %dma_wait3A_1553 = tpu.memref_slice %arg3[%dma_wait3A_1552, %multiple_of3A_1345] : memref<16x1000000xf32, #tpu.memory_space<hbm>> -> memref<16x128xf32, #tpu.memory_space<hbm>>
      tpu.wait_dma2 semaphore(%arg8 : memref<!tpu.dma_semaphore, #tpu.memory_space<semaphore_mem>>) src(%dma_wait3A_1553 : memref<16x128xf32, #tpu.memory_space<hbm>>) dst(%dma_wait3A_1551 : memref<16x128xf32, #tpu.memory_space<vmem>>)
      %slice3A_1554 = vector.extract_strided_slice %get3A_1233 {offsets = [0], sizes = [1], strides = [1]} : vector<16xi32> to vector<1xi32>
      %squeeze3A_1555 = vector.extract %slice3A_1554[0] : i32 from vector<1xi32>
      %and3A_1556 = arith.constant 127 : i32
      %and3A_1557 = arith.andi %squeeze3A_1555, %and3A_1556 : i32
      %broadcast_in_dim3A_1558 = vector.broadcast %and3A_1557 : i32 to vector<16xi32>
      %gather3A_1559 = arith.constant 0 : i32
      %gather3A_1560 = arith.constant 0 : i32
      %gather3A_1561 = arith.constant 0 : i32
      %gather3A_1562 = tpu.memref_slice %arg6[%and3A_1229, %gather3A_1559, %gather3A_1560, %gather3A_1561] : memref<2x16x16x128xf32, #tpu.memory_space<vmem>> -> memref<1x1x16x128xf32, #tpu.memory_space<vmem>>
      %gather3A_1563 = tpu.memref_squeeze %gather3A_1562 : memref<1x1x16x128xf32, #tpu.memory_space<vmem>> -> memref<16x128xf32, #tpu.memory_space<vmem>>
      %gather3A_1564 = tpu.vector_load_idx %gather3A_1563[%iota3A, %broadcast_in_dim3A_1558] : memref<16x128xf32, #tpu.memory_space<vmem>>[vector<16xi32>, vector<16xi32>], vector<16xf32>,
      %mul3A_1565 = arith.constant 16 : i32
      %mul3A_1566 = arith.muli %scan3A_897, %mul3A_1565 : i32
      %add3A_1567 = arith.constant 0 : i32
      %add3A_1568 = arith.addi %mul3A_1566, %add3A_1567 : i32
      %broadcast_in_dim3A_1569 = vector.broadcast %add3A_1568 : i32 to vector<16xi32>
      tpu.vector_store_idx %arg7[%iota3A, %broadcast_in_dim3A_1569], %gather3A_1564 : memref<16x512xf32, #tpu.memory_space<vmem>>[vector<16xi32>, vector<16xi32>], vector<16xf32>,
      %slice3A_1570 = vector.extract_strided_slice %get3A_1233 {offsets = [1], sizes = [1], strides = [1]} : vector<16xi32> to vector<1xi32>
      %squeeze3A_1571 = vector.extract %slice3A_1570[0] : i32 from vector<1xi32>
      %and3A_1572 = arith.constant 127 : i32
      %and3A_1573 = arith.andi %squeeze3A_1571, %and3A_1572 : i32
      %broadcast_in_dim3A_1574 = vector.broadcast %and3A_1573 : i32 to vector<16xi32>
      %gather3A_1575 = arith.constant 1 : i32
      %gather3A_1576 = arith.constant 0 : i32
      %gather3A_1577 = arith.constant 0 : i32
      %gather3A_1578 = tpu.memref_slice %arg6[%and3A_1229, %gather3A_1575, %gather3A_1576, %gather3A_1577] : memref<2x16x16x128xf32, #tpu.memory_space<vmem>> -> memref<1x1x16x128xf32, #tpu.memory_space<vmem>>
      %gather3A_1579 = tpu.memref_squeeze %gather3A_1578 : memref<1x1x16x128xf32, #tpu.memory_space<vmem>> -> memref<16x128xf32, #tpu.memory_space<vmem>>
      %gather3A_1580 = tpu.vector_load_idx %gather3A_1579[%iota3A, %broadcast_in_dim3A_1574] : memref<16x128xf32, #tpu.memory_space<vmem>>[vector<16xi32>, vector<16xi32>], vector<16xf32>,
      %mul3A_1581 = arith.constant 16 : i32
      %mul3A_1582 = arith.muli %scan3A_897, %mul3A_1581 : i32
      %add3A_1583 = arith.constant 1 : i32
      %add3A_1584 = arith.addi %mul3A_1582, %add3A_1583 : i32
      %broadcast_in_dim3A_1585 = vector.broadcast %add3A_1584 : i32 to vector<16xi32>
      tpu.vector_store_idx %arg7[%iota3A, %broadcast_in_dim3A_1585], %gather3A_1580 : memref<16x512xf32, #tpu.memory_space<vmem>>[vector<16xi32>, vector<16xi32>], vector<16xf32>,
      %slice3A_1586 = vector.extract_strided_slice %get3A_1233 {offsets = [2], sizes = [1], strides = [1]} : vector<16xi32> to vector<1xi32>
      %squeeze3A_1587 = vector.extract %slice3A_1586[0] : i32 from vector<1xi32>
      %and3A_1588 = arith.constant 127 : i32
      %and3A_1589 = arith.andi %squeeze3A_1587, %and3A_1588 : i32
      %broadcast_in_dim3A_1590 = vector.broadcast %and3A_1589 : i32 to vector<16xi32>
      %gather3A_1591 = arith.constant 2 : i32
      %gather3A_1592 = arith.constant 0 : i32
      %gather3A_1593 = arith.constant 0 : i32
      %gather3A_1594 = tpu.memref_slice %arg6[%and3A_1229, %gather3A_1591, %gather3A_1592, %gather3A_1593] : memref<2x16x16x128xf32, #tpu.memory_space<vmem>> -> memref<1x1x16x128xf32, #tpu.memory_space<vmem>>
      %gather3A_1595 = tpu.memref_squeeze %gather3A_1594 : memref<1x1x16x128xf32, #tpu.memory_space<vmem>> -> memref<16x128xf32, #tpu.memory_space<vmem>>
      %gather3A_1596 = tpu.vector_load_idx %gather3A_1595[%iota3A, %broadcast_in_dim3A_1590] : memref<16x128xf32, #tpu.memory_space<vmem>>[vector<16xi32>, vector<16xi32>], vector<16xf32>,
      %mul3A_1597 = arith.constant 16 : i32
      %mul3A_1598 = arith.muli %scan3A_897, %mul3A_1597 : i32
      %add3A_1599 = arith.constant 2 : i32
      %add3A_1600 = arith.addi %mul3A_1598, %add3A_1599 : i32
      %broadcast_in_dim3A_1601 = vector.broadcast %add3A_1600 : i32 to vector<16xi32>
      tpu.vector_store_idx %arg7[%iota3A, %broadcast_in_dim3A_1601], %gather3A_1596 : memref<16x512xf32, #tpu.memory_space<vmem>>[vector<16xi32>, vector<16xi32>], vector<16xf32>,
      %slice3A_1602 = vector.extract_strided_slice %get3A_1233 {offsets = [3], sizes = [1], strides = [1]} : vector<16xi32> to vector<1xi32>
      %squeeze3A_1603 = vector.extract %slice3A_1602[0] : i32 from vector<1xi32>
      %and3A_1604 = arith.constant 127 : i32
      %and3A_1605 = arith.andi %squeeze3A_1603, %and3A_1604 : i32
      %broadcast_in_dim3A_1606 = vector.broadcast %and3A_1605 : i32 to vector<16xi32>
      %gather3A_1607 = arith.constant 3 : i32
      %gather3A_1608 = arith.constant 0 : i32
      %gather3A_1609 = arith.constant 0 : i32
      %gather3A_1610 = tpu.memref_slice %arg6[%and3A_1229, %gather3A_1607, %gather3A_1608, %gather3A_1609] : memref<2x16x16x128xf32, #tpu.memory_space<vmem>> -> memref<1x1x16x128xf32, #tpu.memory_space<vmem>>
      %gather3A_1611 = tpu.memref_squeeze %gather3A_1610 : memref<1x1x16x128xf32, #tpu.memory_space<vmem>> -> memref<16x128xf32, #tpu.memory_space<vmem>>
      %gather3A_1612 = tpu.vector_load_idx %gather3A_1611[%iota3A, %broadcast_in_dim3A_1606] : memref<16x128xf32, #tpu.memory_space<vmem>>[vector<16xi32>, vector<16xi32>], vector<16xf32>,
      %mul3A_1613 = arith.constant 16 : i32
      %mul3A_1614 = arith.muli %scan3A_897, %mul3A_1613 : i32
      %add3A_1615 = arith.constant 3 : i32
      %add3A_1616 = arith.addi %mul3A_1614, %add3A_1615 : i32
      %broadcast_in_dim3A_1617 = vector.broadcast %add3A_1616 : i32 to vector<16xi32>
      tpu.vector_store_idx %arg7[%iota3A, %broadcast_in_dim3A_1617], %gather3A_1612 : memref<16x512xf32, #tpu.memory_space<vmem>>[vector<16xi32>, vector<16xi32>], vector<16xf32>,
      %slice3A_1618 = vector.extract_strided_slice %get3A_1233 {offsets = [4], sizes = [1], strides = [1]} : vector<16xi32> to vector<1xi32>
      %squeeze3A_1619 = vector.extract %slice3A_1618[0] : i32 from vector<1xi32>
      %and3A_1620 = arith.constant 127 : i32
      %and3A_1621 = arith.andi %squeeze3A_1619, %and3A_1620 : i32
      %broadcast_in_dim3A_1622 = vector.broadcast %and3A_1621 : i32 to vector<16xi32>
      %gather3A_1623 = arith.constant 4 : i32
      %gather3A_1624 = arith.constant 0 : i32
      %gather3A_1625 = arith.constant 0 : i32
      %gather3A_1626 = tpu.memref_slice %arg6[%and3A_1229, %gather3A_1623, %gather3A_1624, %gather3A_1625] : memref<2x16x16x128xf32, #tpu.memory_space<vmem>> -> memref<1x1x16x128xf32, #tpu.memory_space<vmem>>
      %gather3A_1627 = tpu.memref_squeeze %gather3A_1626 : memref<1x1x16x128xf32, #tpu.memory_space<vmem>> -> memref<16x128xf32, #tpu.memory_space<vmem>>
      %gather3A_1628 = tpu.vector_load_idx %gather3A_1627[%iota3A, %broadcast_in_dim3A_1622] : memref<16x128xf32, #tpu.memory_space<vmem>>[vector<16xi32>, vector<16xi32>], vector<16xf32>,
      %mul3A_1629 = arith.constant 16 : i32
      %mul3A_1630 = arith.muli %scan3A_897, %mul3A_1629 : i32
      %add3A_1631 = arith.constant 4 : i32
      %add3A_1632 = arith.addi %mul3A_1630, %add3A_1631 : i32
      %broadcast_in_dim3A_1633 = vector.broadcast %add3A_1632 : i32 to vector<16xi32>
      tpu.vector_store_idx %arg7[%iota3A, %broadcast_in_dim3A_1633], %gather3A_1628 : memref<16x512xf32, #tpu.memory_space<vmem>>[vector<16xi32>, vector<16xi32>], vector<16xf32>,
      %slice3A_1634 = vector.extract_strided_slice %get3A_1233 {offsets = [5], sizes = [1], strides = [1]} : vector<16xi32> to vector<1xi32>
      %squeeze3A_1635 = vector.extract %slice3A_1634[0] : i32 from vector<1xi32>
      %and3A_1636 = arith.constant 127 : i32
      %and3A_1637 = arith.andi %squeeze3A_1635, %and3A_1636 : i32
      %broadcast_in_dim3A_1638 = vector.broadcast %and3A_1637 : i32 to vector<16xi32>
      %gather3A_1639 = arith.constant 5 : i32
      %gather3A_1640 = arith.constant 0 : i32
      %gather3A_1641 = arith.constant 0 : i32
      %gather3A_1642 = tpu.memref_slice %arg6[%and3A_1229, %gather3A_1639, %gather3A_1640, %gather3A_1641] : memref<2x16x16x128xf32, #tpu.memory_space<vmem>> -> memref<1x1x16x128xf32, #tpu.memory_space<vmem>>
      %gather3A_1643 = tpu.memref_squeeze %gather3A_1642 : memref<1x1x16x128xf32, #tpu.memory_space<vmem>> -> memref<16x128xf32, #tpu.memory_space<vmem>>
      %gather3A_1644 = tpu.vector_load_idx %gather3A_1643[%iota3A, %broadcast_in_dim3A_1638] : memref<16x128xf32, #tpu.memory_space<vmem>>[vector<16xi32>, vector<16xi32>], vector<16xf32>,
      %mul3A_1645 = arith.constant 16 : i32
      %mul3A_1646 = arith.muli %scan3A_897, %mul3A_1645 : i32
      %add3A_1647 = arith.constant 5 : i32
      %add3A_1648 = arith.addi %mul3A_1646, %add3A_1647 : i32
      %broadcast_in_dim3A_1649 = vector.broadcast %add3A_1648 : i32 to vector<16xi32>
      tpu.vector_store_idx %arg7[%iota3A, %broadcast_in_dim3A_1649], %gather3A_1644 : memref<16x512xf32, #tpu.memory_space<vmem>>[vector<16xi32>, vector<16xi32>], vector<16xf32>,
      %slice3A_1650 = vector.extract_strided_slice %get3A_1233 {offsets = [6], sizes = [1], strides = [1]} : vector<16xi32> to vector<1xi32>
      %squeeze3A_1651 = vector.extract %slice3A_1650[0] : i32 from vector<1xi32>
      %and3A_1652 = arith.constant 127 : i32
      %and3A_1653 = arith.andi %squeeze3A_1651, %and3A_1652 : i32
      %broadcast_in_dim3A_1654 = vector.broadcast %and3A_1653 : i32 to vector<16xi32>
      %gather3A_1655 = arith.constant 6 : i32
      %gather3A_1656 = arith.constant 0 : i32
      %gather3A_1657 = arith.constant 0 : i32
      %gather3A_1658 = tpu.memref_slice %arg6[%and3A_1229, %gather3A_1655, %gather3A_1656, %gather3A_1657] : memref<2x16x16x128xf32, #tpu.memory_space<vmem>> -> memref<1x1x16x128xf32, #tpu.memory_space<vmem>>
      %gather3A_1659 = tpu.memref_squeeze %gather3A_1658 : memref<1x1x16x128xf32, #tpu.memory_space<vmem>> -> memref<16x128xf32, #tpu.memory_space<vmem>>
      %gather3A_1660 = tpu.vector_load_idx %gather3A_1659[%iota3A, %broadcast_in_dim3A_1654] : memref<16x128xf32, #tpu.memory_space<vmem>>[vector<16xi32>, vector<16xi32>], vector<16xf32>,
      %mul3A_1661 = arith.constant 16 : i32
      %mul3A_1662 = arith.muli %scan3A_897, %mul3A_1661 : i32
      %add3A_1663 = arith.constant 6 : i32
      %add3A_1664 = arith.addi %mul3A_1662, %add3A_1663 : i32
      %broadcast_in_dim3A_1665 = vector.broadcast %add3A_1664 : i32 to vector<16xi32>
      tpu.vector_store_idx %arg7[%iota3A, %broadcast_in_dim3A_1665], %gather3A_1660 : memref<16x512xf32, #tpu.memory_space<vmem>>[vector<16xi32>, vector<16xi32>], vector<16xf32>,
      %slice3A_1666 = vector.extract_strided_slice %get3A_1233 {offsets = [7], sizes = [1], strides = [1]} : vector<16xi32> to vector<1xi32>
      %squeeze3A_1667 = vector.extract %slice3A_1666[0] : i32 from vector<1xi32>
      %and3A_1668 = arith.constant 127 : i32
      %and3A_1669 = arith.andi %squeeze3A_1667, %and3A_1668 : i32
      %broadcast_in_dim3A_1670 = vector.broadcast %and3A_1669 : i32 to vector<16xi32>
      %gather3A_1671 = arith.constant 7 : i32
      %gather3A_1672 = arith.constant 0 : i32
      %gather3A_1673 = arith.constant 0 : i32
      %gather3A_1674 = tpu.memref_slice %arg6[%and3A_1229, %gather3A_1671, %gather3A_1672, %gather3A_1673] : memref<2x16x16x128xf32, #tpu.memory_space<vmem>> -> memref<1x1x16x128xf32, #tpu.memory_space<vmem>>
      %gather3A_1675 = tpu.memref_squeeze %gather3A_1674 : memref<1x1x16x128xf32, #tpu.memory_space<vmem>> -> memref<16x128xf32, #tpu.memory_space<vmem>>
      %gather3A_1676 = tpu.vector_load_idx %gather3A_1675[%iota3A, %broadcast_in_dim3A_1670] : memref<16x128xf32, #tpu.memory_space<vmem>>[vector<16xi32>, vector<16xi32>], vector<16xf32>,
      %mul3A_1677 = arith.constant 16 : i32
      %mul3A_1678 = arith.muli %scan3A_897, %mul3A_1677 : i32
      %add3A_1679 = arith.constant 7 : i32
      %add3A_1680 = arith.addi %mul3A_1678, %add3A_1679 : i32
      %broadcast_in_dim3A_1681 = vector.broadcast %add3A_1680 : i32 to vector<16xi32>
      tpu.vector_store_idx %arg7[%iota3A, %broadcast_in_dim3A_1681], %gather3A_1676 : memref<16x512xf32, #tpu.memory_space<vmem>>[vector<16xi32>, vector<16xi32>], vector<16xf32>,
      %slice3A_1682 = vector.extract_strided_slice %get3A_1233 {offsets = [8], sizes = [1], strides = [1]} : vector<16xi32> to vector<1xi32>
      %squeeze3A_1683 = vector.extract %slice3A_1682[0] : i32 from vector<1xi32>
      %and3A_1684 = arith.constant 127 : i32
      %and3A_1685 = arith.andi %squeeze3A_1683, %and3A_1684 : i32
      %broadcast_in_dim3A_1686 = vector.broadcast %and3A_1685 : i32 to vector<16xi32>
      %gather3A_1687 = arith.constant 8 : i32
      %gather3A_1688 = arith.constant 0 : i32
      %gather3A_1689 = arith.constant 0 : i32
      %gather3A_1690 = tpu.memref_slice %arg6[%and3A_1229, %gather3A_1687, %gather3A_1688, %gather3A_1689] : memref<2x16x16x128xf32, #tpu.memory_space<vmem>> -> memref<1x1x16x128xf32, #tpu.memory_space<vmem>>
      %gather3A_1691 = tpu.memref_squeeze %gather3A_1690 : memref<1x1x16x128xf32, #tpu.memory_space<vmem>> -> memref<16x128xf32, #tpu.memory_space<vmem>>
      %gather3A_1692 = tpu.vector_load_idx %gather3A_1691[%iota3A, %broadcast_in_dim3A_1686] : memref<16x128xf32, #tpu.memory_space<vmem>>[vector<16xi32>, vector<16xi32>], vector<16xf32>,
      %mul3A_1693 = arith.constant 16 : i32
      %mul3A_1694 = arith.muli %scan3A_897, %mul3A_1693 : i32
      %add3A_1695 = arith.constant 8 : i32
      %add3A_1696 = arith.addi %mul3A_1694, %add3A_1695 : i32
      %broadcast_in_dim3A_1697 = vector.broadcast %add3A_1696 : i32 to vector<16xi32>
      tpu.vector_store_idx %arg7[%iota3A, %broadcast_in_dim3A_1697], %gather3A_1692 : memref<16x512xf32, #tpu.memory_space<vmem>>[vector<16xi32>, vector<16xi32>], vector<16xf32>,
      %slice3A_1698 = vector.extract_strided_slice %get3A_1233 {offsets = [9], sizes = [1], strides = [1]} : vector<16xi32> to vector<1xi32>
      %squeeze3A_1699 = vector.extract %slice3A_1698[0] : i32 from vector<1xi32>
      %and3A_1700 = arith.constant 127 : i32
      %and3A_1701 = arith.andi %squeeze3A_1699, %and3A_1700 : i32
      %broadcast_in_dim3A_1702 = vector.broadcast %and3A_1701 : i32 to vector<16xi32>
      %gather3A_1703 = arith.constant 9 : i32
      %gather3A_1704 = arith.constant 0 : i32
      %gather3A_1705 = arith.constant 0 : i32
      %gather3A_1706 = tpu.memref_slice %arg6[%and3A_1229, %gather3A_1703, %gather3A_1704, %gather3A_1705] : memref<2x16x16x128xf32, #tpu.memory_space<vmem>> -> memref<1x1x16x128xf32, #tpu.memory_space<vmem>>
      %gather3A_1707 = tpu.memref_squeeze %gather3A_1706 : memref<1x1x16x128xf32, #tpu.memory_space<vmem>> -> memref<16x128xf32, #tpu.memory_space<vmem>>
      %gather3A_1708 = tpu.vector_load_idx %gather3A_1707[%iota3A, %broadcast_in_dim3A_1702] : memref<16x128xf32, #tpu.memory_space<vmem>>[vector<16xi32>, vector<16xi32>], vector<16xf32>,
      %mul3A_1709 = arith.constant 16 : i32
      %mul3A_1710 = arith.muli %scan3A_897, %mul3A_1709 : i32
      %add3A_1711 = arith.constant 9 : i32
      %add3A_1712 = arith.addi %mul3A_1710, %add3A_1711 : i32
      %broadcast_in_dim3A_1713 = vector.broadcast %add3A_1712 : i32 to vector<16xi32>
      tpu.vector_store_idx %arg7[%iota3A, %broadcast_in_dim3A_1713], %gather3A_1708 : memref<16x512xf32, #tpu.memory_space<vmem>>[vector<16xi32>, vector<16xi32>], vector<16xf32>,
      %slice3A_1714 = vector.extract_strided_slice %get3A_1233 {offsets = [10], sizes = [1], strides = [1]} : vector<16xi32> to vector<1xi32>
      %squeeze3A_1715 = vector.extract %slice3A_1714[0] : i32 from vector<1xi32>
      %and3A_1716 = arith.constant 127 : i32
      %and3A_1717 = arith.andi %squeeze3A_1715, %and3A_1716 : i32
      %broadcast_in_dim3A_1718 = vector.broadcast %and3A_1717 : i32 to vector<16xi32>
      %gather3A_1719 = arith.constant 10 : i32
      %gather3A_1720 = arith.constant 0 : i32
      %gather3A_1721 = arith.constant 0 : i32
      %gather3A_1722 = tpu.memref_slice %arg6[%and3A_1229, %gather3A_1719, %gather3A_1720, %gather3A_1721] : memref<2x16x16x128xf32, #tpu.memory_space<vmem>> -> memref<1x1x16x128xf32, #tpu.memory_space<vmem>>
      %gather3A_1723 = tpu.memref_squeeze %gather3A_1722 : memref<1x1x16x128xf32, #tpu.memory_space<vmem>> -> memref<16x128xf32, #tpu.memory_space<vmem>>
      %gather3A_1724 = tpu.vector_load_idx %gather3A_1723[%iota3A, %broadcast_in_dim3A_1718] : memref<16x128xf32, #tpu.memory_space<vmem>>[vector<16xi32>, vector<16xi32>], vector<16xf32>,
      %mul3A_1725 = arith.constant 16 : i32
      %mul3A_1726 = arith.muli %scan3A_897, %mul3A_1725 : i32
      %add3A_1727 = arith.constant 10 : i32
      %add3A_1728 = arith.addi %mul3A_1726, %add3A_1727 : i32
      %broadcast_in_dim3A_1729 = vector.broadcast %add3A_1728 : i32 to vector<16xi32>
      tpu.vector_store_idx %arg7[%iota3A, %broadcast_in_dim3A_1729], %gather3A_1724 : memref<16x512xf32, #tpu.memory_space<vmem>>[vector<16xi32>, vector<16xi32>], vector<16xf32>,
      %slice3A_1730 = vector.extract_strided_slice %get3A_1233 {offsets = [11], sizes = [1], strides = [1]} : vector<16xi32> to vector<1xi32>
      %squeeze3A_1731 = vector.extract %slice3A_1730[0] : i32 from vector<1xi32>
      %and3A_1732 = arith.constant 127 : i32
      %and3A_1733 = arith.andi %squeeze3A_1731, %and3A_1732 : i32
      %broadcast_in_dim3A_1734 = vector.broadcast %and3A_1733 : i32 to vector<16xi32>
      %gather3A_1735 = arith.constant 11 : i32
      %gather3A_1736 = arith.constant 0 : i32
      %gather3A_1737 = arith.constant 0 : i32
      %gather3A_1738 = tpu.memref_slice %arg6[%and3A_1229, %gather3A_1735, %gather3A_1736, %gather3A_1737] : memref<2x16x16x128xf32, #tpu.memory_space<vmem>> -> memref<1x1x16x128xf32, #tpu.memory_space<vmem>>
      %gather3A_1739 = tpu.memref_squeeze %gather3A_1738 : memref<1x1x16x128xf32, #tpu.memory_space<vmem>> -> memref<16x128xf32, #tpu.memory_space<vmem>>
      %gather3A_1740 = tpu.vector_load_idx %gather3A_1739[%iota3A, %broadcast_in_dim3A_1734] : memref<16x128xf32, #tpu.memory_space<vmem>>[vector<16xi32>, vector<16xi32>], vector<16xf32>,
      %mul3A_1741 = arith.constant 16 : i32
      %mul3A_1742 = arith.muli %scan3A_897, %mul3A_1741 : i32
      %add3A_1743 = arith.constant 11 : i32
      %add3A_1744 = arith.addi %mul3A_1742, %add3A_1743 : i32
      %broadcast_in_dim3A_1745 = vector.broadcast %add3A_1744 : i32 to vector<16xi32>
      tpu.vector_store_idx %arg7[%iota3A, %broadcast_in_dim3A_1745], %gather3A_1740 : memref<16x512xf32, #tpu.memory_space<vmem>>[vector<16xi32>, vector<16xi32>], vector<16xf32>,
      %slice3A_1746 = vector.extract_strided_slice %get3A_1233 {offsets = [12], sizes = [1], strides = [1]} : vector<16xi32> to vector<1xi32>
      %squeeze3A_1747 = vector.extract %slice3A_1746[0] : i32 from vector<1xi32>
      %and3A_1748 = arith.constant 127 : i32
      %and3A_1749 = arith.andi %squeeze3A_1747, %and3A_1748 : i32
      %broadcast_in_dim3A_1750 = vector.broadcast %and3A_1749 : i32 to vector<16xi32>
      %gather3A_1751 = arith.constant 12 : i32
      %gather3A_1752 = arith.constant 0 : i32
      %gather3A_1753 = arith.constant 0 : i32
      %gather3A_1754 = tpu.memref_slice %arg6[%and3A_1229, %gather3A_1751, %gather3A_1752, %gather3A_1753] : memref<2x16x16x128xf32, #tpu.memory_space<vmem>> -> memref<1x1x16x128xf32, #tpu.memory_space<vmem>>
      %gather3A_1755 = tpu.memref_squeeze %gather3A_1754 : memref<1x1x16x128xf32, #tpu.memory_space<vmem>> -> memref<16x128xf32, #tpu.memory_space<vmem>>
      %gather3A_1756 = tpu.vector_load_idx %gather3A_1755[%iota3A, %broadcast_in_dim3A_1750] : memref<16x128xf32, #tpu.memory_space<vmem>>[vector<16xi32>, vector<16xi32>], vector<16xf32>,
      %mul3A_1757 = arith.constant 16 : i32
      %mul3A_1758 = arith.muli %scan3A_897, %mul3A_1757 : i32
      %add3A_1759 = arith.constant 12 : i32
      %add3A_1760 = arith.addi %mul3A_1758, %add3A_1759 : i32
      %broadcast_in_dim3A_1761 = vector.broadcast %add3A_1760 : i32 to vector<16xi32>
      tpu.vector_store_idx %arg7[%iota3A, %broadcast_in_dim3A_1761], %gather3A_1756 : memref<16x512xf32, #tpu.memory_space<vmem>>[vector<16xi32>, vector<16xi32>], vector<16xf32>,
      %slice3A_1762 = vector.extract_strided_slice %get3A_1233 {offsets = [13], sizes = [1], strides = [1]} : vector<16xi32> to vector<1xi32>
      %squeeze3A_1763 = vector.extract %slice3A_1762[0] : i32 from vector<1xi32>
      %and3A_1764 = arith.constant 127 : i32
      %and3A_1765 = arith.andi %squeeze3A_1763, %and3A_1764 : i32
      %broadcast_in_dim3A_1766 = vector.broadcast %and3A_1765 : i32 to vector<16xi32>
      %gather3A_1767 = arith.constant 13 : i32
      %gather3A_1768 = arith.constant 0 : i32
      %gather3A_1769 = arith.constant 0 : i32
      %gather3A_1770 = tpu.memref_slice %arg6[%and3A_1229, %gather3A_1767, %gather3A_1768, %gather3A_1769] : memref<2x16x16x128xf32, #tpu.memory_space<vmem>> -> memref<1x1x16x128xf32, #tpu.memory_space<vmem>>
      %gather3A_1771 = tpu.memref_squeeze %gather3A_1770 : memref<1x1x16x128xf32, #tpu.memory_space<vmem>> -> memref<16x128xf32, #tpu.memory_space<vmem>>
      %gather3A_1772 = tpu.vector_load_idx %gather3A_1771[%iota3A, %broadcast_in_dim3A_1766] : memref<16x128xf32, #tpu.memory_space<vmem>>[vector<16xi32>, vector<16xi32>], vector<16xf32>,
      %mul3A_1773 = arith.constant 16 : i32
      %mul3A_1774 = arith.muli %scan3A_897, %mul3A_1773 : i32
      %add3A_1775 = arith.constant 13 : i32
      %add3A_1776 = arith.addi %mul3A_1774, %add3A_1775 : i32
      %broadcast_in_dim3A_1777 = vector.broadcast %add3A_1776 : i32 to vector<16xi32>
      tpu.vector_store_idx %arg7[%iota3A, %broadcast_in_dim3A_1777], %gather3A_1772 : memref<16x512xf32, #tpu.memory_space<vmem>>[vector<16xi32>, vector<16xi32>], vector<16xf32>,
      %slice3A_1778 = vector.extract_strided_slice %get3A_1233 {offsets = [14], sizes = [1], strides = [1]} : vector<16xi32> to vector<1xi32>
      %squeeze3A_1779 = vector.extract %slice3A_1778[0] : i32 from vector<1xi32>
      %and3A_1780 = arith.constant 127 : i32
      %and3A_1781 = arith.andi %squeeze3A_1779, %and3A_1780 : i32
      %broadcast_in_dim3A_1782 = vector.broadcast %and3A_1781 : i32 to vector<16xi32>
      %gather3A_1783 = arith.constant 14 : i32
      %gather3A_1784 = arith.constant 0 : i32
      %gather3A_1785 = arith.constant 0 : i32
      %gather3A_1786 = tpu.memref_slice %arg6[%and3A_1229, %gather3A_1783, %gather3A_1784, %gather3A_1785] : memref<2x16x16x128xf32, #tpu.memory_space<vmem>> -> memref<1x1x16x128xf32, #tpu.memory_space<vmem>>
      %gather3A_1787 = tpu.memref_squeeze %gather3A_1786 : memref<1x1x16x128xf32, #tpu.memory_space<vmem>> -> memref<16x128xf32, #tpu.memory_space<vmem>>
      %gather3A_1788 = tpu.vector_load_idx %gather3A_1787[%iota3A, %broadcast_in_dim3A_1782] : memref<16x128xf32, #tpu.memory_space<vmem>>[vector<16xi32>, vector<16xi32>], vector<16xf32>,
      %mul3A_1789 = arith.constant 16 : i32
      %mul3A_1790 = arith.muli %scan3A_897, %mul3A_1789 : i32
      %add3A_1791 = arith.constant 14 : i32
      %add3A_1792 = arith.addi %mul3A_1790, %add3A_1791 : i32
      %broadcast_in_dim3A_1793 = vector.broadcast %add3A_1792 : i32 to vector<16xi32>
      tpu.vector_store_idx %arg7[%iota3A, %broadcast_in_dim3A_1793], %gather3A_1788 : memref<16x512xf32, #tpu.memory_space<vmem>>[vector<16xi32>, vector<16xi32>], vector<16xf32>,
      %slice3A_1794 = vector.extract_strided_slice %get3A_1233 {offsets = [15], sizes = [1], strides = [1]} : vector<16xi32> to vector<1xi32>
      %squeeze3A_1795 = vector.extract %slice3A_1794[0] : i32 from vector<1xi32>
      %and3A_1796 = arith.constant 127 : i32
      %and3A_1797 = arith.andi %squeeze3A_1795, %and3A_1796 : i32
      %broadcast_in_dim3A_1798 = vector.broadcast %and3A_1797 : i32 to vector<16xi32>
      %gather3A_1799 = arith.constant 15 : i32
      %gather3A_1800 = arith.constant 0 : i32
      %gather3A_1801 = arith.constant 0 : i32
      %gather3A_1802 = tpu.memref_slice %arg6[%and3A_1229, %gather3A_1799, %gather3A_1800, %gather3A_1801] : memref<2x16x16x128xf32, #tpu.memory_space<vmem>> -> memref<1x1x16x128xf32, #tpu.memory_space<vmem>>
      %gather3A_1803 = tpu.memref_squeeze %gather3A_1802 : memref<1x1x16x128xf32, #tpu.memory_space<vmem>> -> memref<16x128xf32, #tpu.memory_space<vmem>>
      %gather3A_1804 = tpu.vector_load_idx %gather3A_1803[%iota3A, %broadcast_in_dim3A_1798] : memref<16x128xf32, #tpu.memory_space<vmem>>[vector<16xi32>, vector<16xi32>], vector<16xf32>,
      %mul3A_1805 = arith.constant 16 : i32
      %mul3A_1806 = arith.muli %scan3A_897, %mul3A_1805 : i32
      %add3A_1807 = arith.constant 15 : i32
      %add3A_1808 = arith.addi %mul3A_1806, %add3A_1807 : i32
      %broadcast_in_dim3A_1809 = vector.broadcast %add3A_1808 : i32 to vector<16xi32>
      tpu.vector_store_idx %arg7[%iota3A, %broadcast_in_dim3A_1809], %gather3A_1804 : memref<16x512xf32, #tpu.memory_space<vmem>>[vector<16xi32>, vector<16xi32>], vector<16xf32>,
    }
    %scan3A_338 = arith.constant 31 : i32
    %get3A_339 = arith.constant 496 : index
    %get3A_340 = tpu.vector_load %arg5[%get3A_339] {strides = array<i32>} : memref<512xi32, #tpu.memory_space<vmem>>, vector<16xi32>,
    %slice3A_341 = vector.extract_strided_slice %get3A_340 {offsets = [0], sizes = [1], strides = [1]} : vector<16xi32> to vector<1xi32>
    %squeeze3A_342 = vector.extract %slice3A_341[0] : i32 from vector<1xi32>
    %shift_right_arithmetic3A_343 = arith.constant 7 : i32
    %shift_right_arithmetic3A_344 = arith.shrsi %squeeze3A_342, %shift_right_arithmetic3A_343 : i32
    %shift_left3A_345 = arith.constant 7 : i32
    %shift_left3A_346 = arith.shli %shift_right_arithmetic3A_344, %shift_left3A_345 : i32
    %multiple_of3A_347 = tpu.assume_multiple %shift_left3A_346, 128 : i32
    %slice3A_348 = vector.extract_strided_slice %get3A_340 {offsets = [1], sizes = [1], strides = [1]} : vector<16xi32> to vector<1xi32>
    %squeeze3A_349 = vector.extract %slice3A_348[0] : i32 from vector<1xi32>
    %shift_right_arithmetic3A_350 = arith.constant 7 : i32
    %shift_right_arithmetic3A_351 = arith.shrsi %squeeze3A_349, %shift_right_arithmetic3A_350 : i32
    %shift_left3A_352 = arith.constant 7 : i32
    %shift_left3A_353 = arith.shli %shift_right_arithmetic3A_351, %shift_left3A_352 : i32
    %multiple_of3A_354 = tpu.assume_multiple %shift_left3A_353, 128 : i32
    %slice3A_355 = vector.extract_strided_slice %get3A_340 {offsets = [2], sizes = [1], strides = [1]} : vector<16xi32> to vector<1xi32>
    %squeeze3A_356 = vector.extract %slice3A_355[0] : i32 from vector<1xi32>
    %shift_right_arithmetic3A_357 = arith.constant 7 : i32
    %shift_right_arithmetic3A_358 = arith.shrsi %squeeze3A_356, %shift_right_arithmetic3A_357 : i32
    %shift_left3A_359 = arith.constant 7 : i32
    %shift_left3A_360 = arith.shli %shift_right_arithmetic3A_358, %shift_left3A_359 : i32
    %multiple_of3A_361 = tpu.assume_multiple %shift_left3A_360, 128 : i32
    %slice3A_362 = vector.extract_strided_slice %get3A_340 {offsets = [3], sizes = [1], strides = [1]} : vector<16xi32> to vector<1xi32>
    %squeeze3A_363 = vector.extract %slice3A_362[0] : i32 from vector<1xi32>
    %shift_right_arithmetic3A_364 = arith.constant 7 : i32
    %shift_right_arithmetic3A_365 = arith.shrsi %squeeze3A_363, %shift_right_arithmetic3A_364 : i32
    %shift_left3A_366 = arith.constant 7 : i32
    %shift_left3A_367 = arith.shli %shift_right_arithmetic3A_365, %shift_left3A_366 : i32
    %multiple_of3A_368 = tpu.assume_multiple %shift_left3A_367, 128 : i32
    %slice3A_369 = vector.extract_strided_slice %get3A_340 {offsets = [4], sizes = [1], strides = [1]} : vector<16xi32> to vector<1xi32>
    %squeeze3A_370 = vector.extract %slice3A_369[0] : i32 from vector<1xi32>
    %shift_right_arithmetic3A_371 = arith.constant 7 : i32
    %shift_right_arithmetic3A_372 = arith.shrsi %squeeze3A_370, %shift_right_arithmetic3A_371 : i32
    %shift_left3A_373 = arith.constant 7 : i32
    %shift_left3A_374 = arith.shli %shift_right_arithmetic3A_372, %shift_left3A_373 : i32
    %multiple_of3A_375 = tpu.assume_multiple %shift_left3A_374, 128 : i32
    %slice3A_376 = vector.extract_strided_slice %get3A_340 {offsets = [5], sizes = [1], strides = [1]} : vector<16xi32> to vector<1xi32>
    %squeeze3A_377 = vector.extract %slice3A_376[0] : i32 from vector<1xi32>
    %shift_right_arithmetic3A_378 = arith.constant 7 : i32
    %shift_right_arithmetic3A_379 = arith.shrsi %squeeze3A_377, %shift_right_arithmetic3A_378 : i32
    %shift_left3A_380 = arith.constant 7 : i32
    %shift_left3A_381 = arith.shli %shift_right_arithmetic3A_379, %shift_left3A_380 : i32
    %multiple_of3A_382 = tpu.assume_multiple %shift_left3A_381, 128 : i32
    %slice3A_383 = vector.extract_strided_slice %get3A_340 {offsets = [6], sizes = [1], strides = [1]} : vector<16xi32> to vector<1xi32>
    %squeeze3A_384 = vector.extract %slice3A_383[0] : i32 from vector<1xi32>
    %shift_right_arithmetic3A_385 = arith.constant 7 : i32
    %shift_right_arithmetic3A_386 = arith.shrsi %squeeze3A_384, %shift_right_arithmetic3A_385 : i32
    %shift_left3A_387 = arith.constant 7 : i32
    %shift_left3A_388 = arith.shli %shift_right_arithmetic3A_386, %shift_left3A_387 : i32
    %multiple_of3A_389 = tpu.assume_multiple %shift_left3A_388, 128 : i32
    %slice3A_390 = vector.extract_strided_slice %get3A_340 {offsets = [7], sizes = [1], strides = [1]} : vector<16xi32> to vector<1xi32>
    %squeeze3A_391 = vector.extract %slice3A_390[0] : i32 from vector<1xi32>
    %shift_right_arithmetic3A_392 = arith.constant 7 : i32
    %shift_right_arithmetic3A_393 = arith.shrsi %squeeze3A_391, %shift_right_arithmetic3A_392 : i32
    %shift_left3A_394 = arith.constant 7 : i32
    %shift_left3A_395 = arith.shli %shift_right_arithmetic3A_393, %shift_left3A_394 : i32
    %multiple_of3A_396 = tpu.assume_multiple %shift_left3A_395, 128 : i32
    %slice3A_397 = vector.extract_strided_slice %get3A_340 {offsets = [8], sizes = [1], strides = [1]} : vector<16xi32> to vector<1xi32>
    %squeeze3A_398 = vector.extract %slice3A_397[0] : i32 from vector<1xi32>
    %shift_right_arithmetic3A_399 = arith.constant 7 : i32
    %shift_right_arithmetic3A_400 = arith.shrsi %squeeze3A_398, %shift_right_arithmetic3A_399 : i32
    %shift_left3A_401 = arith.constant 7 : i32
    %shift_left3A_402 = arith.shli %shift_right_arithmetic3A_400, %shift_left3A_401 : i32
    %multiple_of3A_403 = tpu.assume_multiple %shift_left3A_402, 128 : i32
    %slice3A_404 = vector.extract_strided_slice %get3A_340 {offsets = [9], sizes = [1], strides = [1]} : vector<16xi32> to vector<1xi32>
    %squeeze3A_405 = vector.extract %slice3A_404[0] : i32 from vector<1xi32>
    %shift_right_arithmetic3A_406 = arith.constant 7 : i32
    %shift_right_arithmetic3A_407 = arith.shrsi %squeeze3A_405, %shift_right_arithmetic3A_406 : i32
    %shift_left3A_408 = arith.constant 7 : i32
    %shift_left3A_409 = arith.shli %shift_right_arithmetic3A_407, %shift_left3A_408 : i32
    %multiple_of3A_410 = tpu.assume_multiple %shift_left3A_409, 128 : i32
    %slice3A_411 = vector.extract_strided_slice %get3A_340 {offsets = [10], sizes = [1], strides = [1]} : vector<16xi32> to vector<1xi32>
    %squeeze3A_412 = vector.extract %slice3A_411[0] : i32 from vector<1xi32>
    %shift_right_arithmetic3A_413 = arith.constant 7 : i32
    %shift_right_arithmetic3A_414 = arith.shrsi %squeeze3A_412, %shift_right_arithmetic3A_413 : i32
    %shift_left3A_415 = arith.constant 7 : i32
    %shift_left3A_416 = arith.shli %shift_right_arithmetic3A_414, %shift_left3A_415 : i32
    %multiple_of3A_417 = tpu.assume_multiple %shift_left3A_416, 128 : i32
    %slice3A_418 = vector.extract_strided_slice %get3A_340 {offsets = [11], sizes = [1], strides = [1]} : vector<16xi32> to vector<1xi32>
    %squeeze3A_419 = vector.extract %slice3A_418[0] : i32 from vector<1xi32>
    %shift_right_arithmetic3A_420 = arith.constant 7 : i32
    %shift_right_arithmetic3A_421 = arith.shrsi %squeeze3A_419, %shift_right_arithmetic3A_420 : i32
    %shift_left3A_422 = arith.constant 7 : i32
    %shift_left3A_423 = arith.shli %shift_right_arithmetic3A_421, %shift_left3A_422 : i32
    %multiple_of3A_424 = tpu.assume_multiple %shift_left3A_423, 128 : i32
    %slice3A_425 = vector.extract_strided_slice %get3A_340 {offsets = [12], sizes = [1], strides = [1]} : vector<16xi32> to vector<1xi32>
    %squeeze3A_426 = vector.extract %slice3A_425[0] : i32 from vector<1xi32>
    %shift_right_arithmetic3A_427 = arith.constant 7 : i32
    %shift_right_arithmetic3A_428 = arith.shrsi %squeeze3A_426, %shift_right_arithmetic3A_427 : i32
    %shift_left3A_429 = arith.constant 7 : i32
    %shift_left3A_430 = arith.shli %shift_right_arithmetic3A_428, %shift_left3A_429 : i32
    %multiple_of3A_431 = tpu.assume_multiple %shift_left3A_430, 128 : i32
    %slice3A_432 = vector.extract_strided_slice %get3A_340 {offsets = [13], sizes = [1], strides = [1]} : vector<16xi32> to vector<1xi32>
    %squeeze3A_433 = vector.extract %slice3A_432[0] : i32 from vector<1xi32>
    %shift_right_arithmetic3A_434 = arith.constant 7 : i32
    %shift_right_arithmetic3A_435 = arith.shrsi %squeeze3A_433, %shift_right_arithmetic3A_434 : i32
    %shift_left3A_436 = arith.constant 7 : i32
    %shift_left3A_437 = arith.shli %shift_right_arithmetic3A_435, %shift_left3A_436 : i32
    %multiple_of3A_438 = tpu.assume_multiple %shift_left3A_437, 128 : i32
    %slice3A_439 = vector.extract_strided_slice %get3A_340 {offsets = [14], sizes = [1], strides = [1]} : vector<16xi32> to vector<1xi32>
    %squeeze3A_440 = vector.extract %slice3A_439[0] : i32 from vector<1xi32>
    %shift_right_arithmetic3A_441 = arith.constant 7 : i32
    %shift_right_arithmetic3A_442 = arith.shrsi %squeeze3A_440, %shift_right_arithmetic3A_441 : i32
    %shift_left3A_443 = arith.constant 7 : i32
    %shift_left3A_444 = arith.shli %shift_right_arithmetic3A_442, %shift_left3A_443 : i32
    %multiple_of3A_445 = tpu.assume_multiple %shift_left3A_444, 128 : i32
    %slice3A_446 = vector.extract_strided_slice %get3A_340 {offsets = [15], sizes = [1], strides = [1]} : vector<16xi32> to vector<1xi32>
    %squeeze3A_447 = vector.extract %slice3A_446[0] : i32 from vector<1xi32>
    %shift_right_arithmetic3A_448 = arith.constant 7 : i32
    %shift_right_arithmetic3A_449 = arith.shrsi %squeeze3A_447, %shift_right_arithmetic3A_448 : i32
    %shift_left3A_450 = arith.constant 7 : i32
    %shift_left3A_451 = arith.shli %shift_right_arithmetic3A_449, %shift_left3A_450 : i32
    %multiple_of3A_452 = tpu.assume_multiple %shift_left3A_451, 128 : i32
    %dma_wait3A = arith.constant 1 : i32
    %dma_wait3A_453 = arith.constant 0 : i32
    %dma_wait3A_454 = arith.constant 0 : i32
    %dma_wait3A_455 = arith.constant 0 : i32
    %dma_wait3A_456 = tpu.memref_slice %arg6[%dma_wait3A, %dma_wait3A_453, %dma_wait3A_454, %dma_wait3A_455] : memref<2x16x16x128xf32, #tpu.memory_space<vmem>> -> memref<1x1x16x128xf32, #tpu.memory_space<vmem>>
    %dma_wait3A_457 = tpu.memref_squeeze %dma_wait3A_456 : memref<1x1x16x128xf32, #tpu.memory_space<vmem>> -> memref<16x128xf32, #tpu.memory_space<vmem>>
    %dma_wait3A_458 = arith.constant 0 : i32
    %dma_wait3A_459 = tpu.memref_slice %arg3[%dma_wait3A_458, %multiple_of3A_347] : memref<16x1000000xf32, #tpu.memory_space<hbm>> -> memref<16x128xf32, #tpu.memory_space<hbm>>
    %dma_wait3A_460 = arith.constant 0 : i32
    %dma_wait3A_461 = arith.constant 0 : i32
    %dma_wait3A_462 = tpu.memref_slice %arg6[%dma_wait3A, %dma_wait3A_453, %dma_wait3A_460, %dma_wait3A_461] : memref<2x16x16x128xf32, #tpu.memory_space<vmem>> -> memref<1x1x16x128xf32, #tpu.memory_space<vmem>>
    %dma_wait3A_463 = tpu.memref_squeeze %dma_wait3A_462 : memref<1x1x16x128xf32, #tpu.memory_space<vmem>> -> memref<16x128xf32, #tpu.memory_space<vmem>>
    %dma_wait3A_464 = arith.constant 0 : i32
    %dma_wait3A_465 = tpu.memref_slice %arg3[%dma_wait3A_464, %multiple_of3A_347] : memref<16x1000000xf32, #tpu.memory_space<hbm>> -> memref<16x128xf32, #tpu.memory_space<hbm>>
    tpu.wait_dma2 semaphore(%arg8 : memref<!tpu.dma_semaphore, #tpu.memory_space<semaphore_mem>>) src(%dma_wait3A_465 : memref<16x128xf32, #tpu.memory_space<hbm>>) dst(%dma_wait3A_463 : memref<16x128xf32, #tpu.memory_space<vmem>>)
    %dma_wait3A_466 = arith.constant 1 : i32
    %dma_wait3A_467 = arith.constant 1 : i32
    %dma_wait3A_468 = arith.constant 0 : i32
    %dma_wait3A_469 = arith.constant 0 : i32
    %dma_wait3A_470 = tpu.memref_slice %arg6[%dma_wait3A_466, %dma_wait3A_467, %dma_wait3A_468, %dma_wait3A_469] : memref<2x16x16x128xf32, #tpu.memory_space<vmem>> -> memref<1x1x16x128xf32, #tpu.memory_space<vmem>>
    %dma_wait3A_471 = tpu.memref_squeeze %dma_wait3A_470 : memref<1x1x16x128xf32, #tpu.memory_space<vmem>> -> memref<16x128xf32, #tpu.memory_space<vmem>>
    %dma_wait3A_472 = arith.constant 0 : i32
    %dma_wait3A_473 = tpu.memref_slice %arg3[%dma_wait3A_472, %multiple_of3A_354] : memref<16x1000000xf32, #tpu.memory_space<hbm>> -> memref<16x128xf32, #tpu.memory_space<hbm>>
    %dma_wait3A_474 = arith.constant 0 : i32
    %dma_wait3A_475 = arith.constant 0 : i32
    %dma_wait3A_476 = tpu.memref_slice %arg6[%dma_wait3A_466, %dma_wait3A_467, %dma_wait3A_474, %dma_wait3A_475] : memref<2x16x16x128xf32, #tpu.memory_space<vmem>> -> memref<1x1x16x128xf32, #tpu.memory_space<vmem>>
    %dma_wait3A_477 = tpu.memref_squeeze %dma_wait3A_476 : memref<1x1x16x128xf32, #tpu.memory_space<vmem>> -> memref<16x128xf32, #tpu.memory_space<vmem>>
    %dma_wait3A_478 = arith.constant 0 : i32
    %dma_wait3A_479 = tpu.memref_slice %arg3[%dma_wait3A_478, %multiple_of3A_354] : memref<16x1000000xf32, #tpu.memory_space<hbm>> -> memref<16x128xf32, #tpu.memory_space<hbm>>
    tpu.wait_dma2 semaphore(%arg8 : memref<!tpu.dma_semaphore, #tpu.memory_space<semaphore_mem>>) src(%dma_wait3A_479 : memref<16x128xf32, #tpu.memory_space<hbm>>) dst(%dma_wait3A_477 : memref<16x128xf32, #tpu.memory_space<vmem>>)
    %dma_wait3A_480 = arith.constant 1 : i32
    %dma_wait3A_481 = arith.constant 2 : i32
    %dma_wait3A_482 = arith.constant 0 : i32
    %dma_wait3A_483 = arith.constant 0 : i32
    %dma_wait3A_484 = tpu.memref_slice %arg6[%dma_wait3A_480, %dma_wait3A_481, %dma_wait3A_482, %dma_wait3A_483] : memref<2x16x16x128xf32, #tpu.memory_space<vmem>> -> memref<1x1x16x128xf32, #tpu.memory_space<vmem>>
    %dma_wait3A_485 = tpu.memref_squeeze %dma_wait3A_484 : memref<1x1x16x128xf32, #tpu.memory_space<vmem>> -> memref<16x128xf32, #tpu.memory_space<vmem>>
    %dma_wait3A_486 = arith.constant 0 : i32
    %dma_wait3A_487 = tpu.memref_slice %arg3[%dma_wait3A_486, %multiple_of3A_361] : memref<16x1000000xf32, #tpu.memory_space<hbm>> -> memref<16x128xf32, #tpu.memory_space<hbm>>
    %dma_wait3A_488 = arith.constant 0 : i32
    %dma_wait3A_489 = arith.constant 0 : i32
    %dma_wait3A_490 = tpu.memref_slice %arg6[%dma_wait3A_480, %dma_wait3A_481, %dma_wait3A_488, %dma_wait3A_489] : memref<2x16x16x128xf32, #tpu.memory_space<vmem>> -> memref<1x1x16x128xf32, #tpu.memory_space<vmem>>
    %dma_wait3A_491 = tpu.memref_squeeze %dma_wait3A_490 : memref<1x1x16x128xf32, #tpu.memory_space<vmem>> -> memref<16x128xf32, #tpu.memory_space<vmem>>
    %dma_wait3A_492 = arith.constant 0 : i32
    %dma_wait3A_493 = tpu.memref_slice %arg3[%dma_wait3A_492, %multiple_of3A_361] : memref<16x1000000xf32, #tpu.memory_space<hbm>> -> memref<16x128xf32, #tpu.memory_space<hbm>>
    tpu.wait_dma2 semaphore(%arg8 : memref<!tpu.dma_semaphore, #tpu.memory_space<semaphore_mem>>) src(%dma_wait3A_493 : memref<16x128xf32, #tpu.memory_space<hbm>>) dst(%dma_wait3A_491 : memref<16x128xf32, #tpu.memory_space<vmem>>)
    %dma_wait3A_494 = arith.constant 1 : i32
    %dma_wait3A_495 = arith.constant 3 : i32
    %dma_wait3A_496 = arith.constant 0 : i32
    %dma_wait3A_497 = arith.constant 0 : i32
    %dma_wait3A_498 = tpu.memref_slice %arg6[%dma_wait3A_494, %dma_wait3A_495, %dma_wait3A_496, %dma_wait3A_497] : memref<2x16x16x128xf32, #tpu.memory_space<vmem>> -> memref<1x1x16x128xf32, #tpu.memory_space<vmem>>
    %dma_wait3A_499 = tpu.memref_squeeze %dma_wait3A_498 : memref<1x1x16x128xf32, #tpu.memory_space<vmem>> -> memref<16x128xf32, #tpu.memory_space<vmem>>
    %dma_wait3A_500 = arith.constant 0 : i32
    %dma_wait3A_501 = tpu.memref_slice %arg3[%dma_wait3A_500, %multiple_of3A_368] : memref<16x1000000xf32, #tpu.memory_space<hbm>> -> memref<16x128xf32, #tpu.memory_space<hbm>>
    %dma_wait3A_502 = arith.constant 0 : i32
    %dma_wait3A_503 = arith.constant 0 : i32
    %dma_wait3A_504 = tpu.memref_slice %arg6[%dma_wait3A_494, %dma_wait3A_495, %dma_wait3A_502, %dma_wait3A_503] : memref<2x16x16x128xf32, #tpu.memory_space<vmem>> -> memref<1x1x16x128xf32, #tpu.memory_space<vmem>>
    %dma_wait3A_505 = tpu.memref_squeeze %dma_wait3A_504 : memref<1x1x16x128xf32, #tpu.memory_space<vmem>> -> memref<16x128xf32, #tpu.memory_space<vmem>>
    %dma_wait3A_506 = arith.constant 0 : i32
    %dma_wait3A_507 = tpu.memref_slice %arg3[%dma_wait3A_506, %multiple_of3A_368] : memref<16x1000000xf32, #tpu.memory_space<hbm>> -> memref<16x128xf32, #tpu.memory_space<hbm>>
    tpu.wait_dma2 semaphore(%arg8 : memref<!tpu.dma_semaphore, #tpu.memory_space<semaphore_mem>>) src(%dma_wait3A_507 : memref<16x128xf32, #tpu.memory_space<hbm>>) dst(%dma_wait3A_505 : memref<16x128xf32, #tpu.memory_space<vmem>>)
    %dma_wait3A_508 = arith.constant 1 : i32
    %dma_wait3A_509 = arith.constant 4 : i32
    %dma_wait3A_510 = arith.constant 0 : i32
    %dma_wait3A_511 = arith.constant 0 : i32
    %dma_wait3A_512 = tpu.memref_slice %arg6[%dma_wait3A_508, %dma_wait3A_509, %dma_wait3A_510, %dma_wait3A_511] : memref<2x16x16x128xf32, #tpu.memory_space<vmem>> -> memref<1x1x16x128xf32, #tpu.memory_space<vmem>>
    %dma_wait3A_513 = tpu.memref_squeeze %dma_wait3A_512 : memref<1x1x16x128xf32, #tpu.memory_space<vmem>> -> memref<16x128xf32, #tpu.memory_space<vmem>>
    %dma_wait3A_514 = arith.constant 0 : i32
    %dma_wait3A_515 = tpu.memref_slice %arg3[%dma_wait3A_514, %multiple_of3A_375] : memref<16x1000000xf32, #tpu.memory_space<hbm>> -> memref<16x128xf32, #tpu.memory_space<hbm>>
    %dma_wait3A_516 = arith.constant 0 : i32
    %dma_wait3A_517 = arith.constant 0 : i32
    %dma_wait3A_518 = tpu.memref_slice %arg6[%dma_wait3A_508, %dma_wait3A_509, %dma_wait3A_516, %dma_wait3A_517] : memref<2x16x16x128xf32, #tpu.memory_space<vmem>> -> memref<1x1x16x128xf32, #tpu.memory_space<vmem>>
    %dma_wait3A_519 = tpu.memref_squeeze %dma_wait3A_518 : memref<1x1x16x128xf32, #tpu.memory_space<vmem>> -> memref<16x128xf32, #tpu.memory_space<vmem>>
    %dma_wait3A_520 = arith.constant 0 : i32
    %dma_wait3A_521 = tpu.memref_slice %arg3[%dma_wait3A_520, %multiple_of3A_375] : memref<16x1000000xf32, #tpu.memory_space<hbm>> -> memref<16x128xf32, #tpu.memory_space<hbm>>
    tpu.wait_dma2 semaphore(%arg8 : memref<!tpu.dma_semaphore, #tpu.memory_space<semaphore_mem>>) src(%dma_wait3A_521 : memref<16x128xf32, #tpu.memory_space<hbm>>) dst(%dma_wait3A_519 : memref<16x128xf32, #tpu.memory_space<vmem>>)
    %dma_wait3A_522 = arith.constant 1 : i32
    %dma_wait3A_523 = arith.constant 5 : i32
    %dma_wait3A_524 = arith.constant 0 : i32
    %dma_wait3A_525 = arith.constant 0 : i32
    %dma_wait3A_526 = tpu.memref_slice %arg6[%dma_wait3A_522, %dma_wait3A_523, %dma_wait3A_524, %dma_wait3A_525] : memref<2x16x16x128xf32, #tpu.memory_space<vmem>> -> memref<1x1x16x128xf32, #tpu.memory_space<vmem>>
    %dma_wait3A_527 = tpu.memref_squeeze %dma_wait3A_526 : memref<1x1x16x128xf32, #tpu.memory_space<vmem>> -> memref<16x128xf32, #tpu.memory_space<vmem>>
    %dma_wait3A_528 = arith.constant 0 : i32
    %dma_wait3A_529 = tpu.memref_slice %arg3[%dma_wait3A_528, %multiple_of3A_382] : memref<16x1000000xf32, #tpu.memory_space<hbm>> -> memref<16x128xf32, #tpu.memory_space<hbm>>
    %dma_wait3A_530 = arith.constant 0 : i32
    %dma_wait3A_531 = arith.constant 0 : i32
    %dma_wait3A_532 = tpu.memref_slice %arg6[%dma_wait3A_522, %dma_wait3A_523, %dma_wait3A_530, %dma_wait3A_531] : memref<2x16x16x128xf32, #tpu.memory_space<vmem>> -> memref<1x1x16x128xf32, #tpu.memory_space<vmem>>
    %dma_wait3A_533 = tpu.memref_squeeze %dma_wait3A_532 : memref<1x1x16x128xf32, #tpu.memory_space<vmem>> -> memref<16x128xf32, #tpu.memory_space<vmem>>
    %dma_wait3A_534 = arith.constant 0 : i32
    %dma_wait3A_535 = tpu.memref_slice %arg3[%dma_wait3A_534, %multiple_of3A_382] : memref<16x1000000xf32, #tpu.memory_space<hbm>> -> memref<16x128xf32, #tpu.memory_space<hbm>>
    tpu.wait_dma2 semaphore(%arg8 : memref<!tpu.dma_semaphore, #tpu.memory_space<semaphore_mem>>) src(%dma_wait3A_535 : memref<16x128xf32, #tpu.memory_space<hbm>>) dst(%dma_wait3A_533 : memref<16x128xf32, #tpu.memory_space<vmem>>)
    %dma_wait3A_536 = arith.constant 1 : i32
    %dma_wait3A_537 = arith.constant 6 : i32
    %dma_wait3A_538 = arith.constant 0 : i32
    %dma_wait3A_539 = arith.constant 0 : i32
    %dma_wait3A_540 = tpu.memref_slice %arg6[%dma_wait3A_536, %dma_wait3A_537, %dma_wait3A_538, %dma_wait3A_539] : memref<2x16x16x128xf32, #tpu.memory_space<vmem>> -> memref<1x1x16x128xf32, #tpu.memory_space<vmem>>
    %dma_wait3A_541 = tpu.memref_squeeze %dma_wait3A_540 : memref<1x1x16x128xf32, #tpu.memory_space<vmem>> -> memref<16x128xf32, #tpu.memory_space<vmem>>
    %dma_wait3A_542 = arith.constant 0 : i32
    %dma_wait3A_543 = tpu.memref_slice %arg3[%dma_wait3A_542, %multiple_of3A_389] : memref<16x1000000xf32, #tpu.memory_space<hbm>> -> memref<16x128xf32, #tpu.memory_space<hbm>>
    %dma_wait3A_544 = arith.constant 0 : i32
    %dma_wait3A_545 = arith.constant 0 : i32
    %dma_wait3A_546 = tpu.memref_slice %arg6[%dma_wait3A_536, %dma_wait3A_537, %dma_wait3A_544, %dma_wait3A_545] : memref<2x16x16x128xf32, #tpu.memory_space<vmem>> -> memref<1x1x16x128xf32, #tpu.memory_space<vmem>>
    %dma_wait3A_547 = tpu.memref_squeeze %dma_wait3A_546 : memref<1x1x16x128xf32, #tpu.memory_space<vmem>> -> memref<16x128xf32, #tpu.memory_space<vmem>>
    %dma_wait3A_548 = arith.constant 0 : i32
    %dma_wait3A_549 = tpu.memref_slice %arg3[%dma_wait3A_548, %multiple_of3A_389] : memref<16x1000000xf32, #tpu.memory_space<hbm>> -> memref<16x128xf32, #tpu.memory_space<hbm>>
    tpu.wait_dma2 semaphore(%arg8 : memref<!tpu.dma_semaphore, #tpu.memory_space<semaphore_mem>>) src(%dma_wait3A_549 : memref<16x128xf32, #tpu.memory_space<hbm>>) dst(%dma_wait3A_547 : memref<16x128xf32, #tpu.memory_space<vmem>>)
    %dma_wait3A_550 = arith.constant 1 : i32
    %dma_wait3A_551 = arith.constant 7 : i32
    %dma_wait3A_552 = arith.constant 0 : i32
    %dma_wait3A_553 = arith.constant 0 : i32
    %dma_wait3A_554 = tpu.memref_slice %arg6[%dma_wait3A_550, %dma_wait3A_551, %dma_wait3A_552, %dma_wait3A_553] : memref<2x16x16x128xf32, #tpu.memory_space<vmem>> -> memref<1x1x16x128xf32, #tpu.memory_space<vmem>>
    %dma_wait3A_555 = tpu.memref_squeeze %dma_wait3A_554 : memref<1x1x16x128xf32, #tpu.memory_space<vmem>> -> memref<16x128xf32, #tpu.memory_space<vmem>>
    %dma_wait3A_556 = arith.constant 0 : i32
    %dma_wait3A_557 = tpu.memref_slice %arg3[%dma_wait3A_556, %multiple_of3A_396] : memref<16x1000000xf32, #tpu.memory_space<hbm>> -> memref<16x128xf32, #tpu.memory_space<hbm>>
    %dma_wait3A_558 = arith.constant 0 : i32
    %dma_wait3A_559 = arith.constant 0 : i32
    %dma_wait3A_560 = tpu.memref_slice %arg6[%dma_wait3A_550, %dma_wait3A_551, %dma_wait3A_558, %dma_wait3A_559] : memref<2x16x16x128xf32, #tpu.memory_space<vmem>> -> memref<1x1x16x128xf32, #tpu.memory_space<vmem>>
    %dma_wait3A_561 = tpu.memref_squeeze %dma_wait3A_560 : memref<1x1x16x128xf32, #tpu.memory_space<vmem>> -> memref<16x128xf32, #tpu.memory_space<vmem>>
    %dma_wait3A_562 = arith.constant 0 : i32
    %dma_wait3A_563 = tpu.memref_slice %arg3[%dma_wait3A_562, %multiple_of3A_396] : memref<16x1000000xf32, #tpu.memory_space<hbm>> -> memref<16x128xf32, #tpu.memory_space<hbm>>
    tpu.wait_dma2 semaphore(%arg8 : memref<!tpu.dma_semaphore, #tpu.memory_space<semaphore_mem>>) src(%dma_wait3A_563 : memref<16x128xf32, #tpu.memory_space<hbm>>) dst(%dma_wait3A_561 : memref<16x128xf32, #tpu.memory_space<vmem>>)
    %dma_wait3A_564 = arith.constant 1 : i32
    %dma_wait3A_565 = arith.constant 8 : i32
    %dma_wait3A_566 = arith.constant 0 : i32
    %dma_wait3A_567 = arith.constant 0 : i32
    %dma_wait3A_568 = tpu.memref_slice %arg6[%dma_wait3A_564, %dma_wait3A_565, %dma_wait3A_566, %dma_wait3A_567] : memref<2x16x16x128xf32, #tpu.memory_space<vmem>> -> memref<1x1x16x128xf32, #tpu.memory_space<vmem>>
    %dma_wait3A_569 = tpu.memref_squeeze %dma_wait3A_568 : memref<1x1x16x128xf32, #tpu.memory_space<vmem>> -> memref<16x128xf32, #tpu.memory_space<vmem>>
    %dma_wait3A_570 = arith.constant 0 : i32
    %dma_wait3A_571 = tpu.memref_slice %arg3[%dma_wait3A_570, %multiple_of3A_403] : memref<16x1000000xf32, #tpu.memory_space<hbm>> -> memref<16x128xf32, #tpu.memory_space<hbm>>
    %dma_wait3A_572 = arith.constant 0 : i32
    %dma_wait3A_573 = arith.constant 0 : i32
    %dma_wait3A_574 = tpu.memref_slice %arg6[%dma_wait3A_564, %dma_wait3A_565, %dma_wait3A_572, %dma_wait3A_573] : memref<2x16x16x128xf32, #tpu.memory_space<vmem>> -> memref<1x1x16x128xf32, #tpu.memory_space<vmem>>
    %dma_wait3A_575 = tpu.memref_squeeze %dma_wait3A_574 : memref<1x1x16x128xf32, #tpu.memory_space<vmem>> -> memref<16x128xf32, #tpu.memory_space<vmem>>
    %dma_wait3A_576 = arith.constant 0 : i32
    %dma_wait3A_577 = tpu.memref_slice %arg3[%dma_wait3A_576, %multiple_of3A_403] : memref<16x1000000xf32, #tpu.memory_space<hbm>> -> memref<16x128xf32, #tpu.memory_space<hbm>>
    tpu.wait_dma2 semaphore(%arg8 : memref<!tpu.dma_semaphore, #tpu.memory_space<semaphore_mem>>) src(%dma_wait3A_577 : memref<16x128xf32, #tpu.memory_space<hbm>>) dst(%dma_wait3A_575 : memref<16x128xf32, #tpu.memory_space<vmem>>)
    %dma_wait3A_578 = arith.constant 1 : i32
    %dma_wait3A_579 = arith.constant 9 : i32
    %dma_wait3A_580 = arith.constant 0 : i32
    %dma_wait3A_581 = arith.constant 0 : i32
    %dma_wait3A_582 = tpu.memref_slice %arg6[%dma_wait3A_578, %dma_wait3A_579, %dma_wait3A_580, %dma_wait3A_581] : memref<2x16x16x128xf32, #tpu.memory_space<vmem>> -> memref<1x1x16x128xf32, #tpu.memory_space<vmem>>
    %dma_wait3A_583 = tpu.memref_squeeze %dma_wait3A_582 : memref<1x1x16x128xf32, #tpu.memory_space<vmem>> -> memref<16x128xf32, #tpu.memory_space<vmem>>
    %dma_wait3A_584 = arith.constant 0 : i32
    %dma_wait3A_585 = tpu.memref_slice %arg3[%dma_wait3A_584, %multiple_of3A_410] : memref<16x1000000xf32, #tpu.memory_space<hbm>> -> memref<16x128xf32, #tpu.memory_space<hbm>>
    %dma_wait3A_586 = arith.constant 0 : i32
    %dma_wait3A_587 = arith.constant 0 : i32
    %dma_wait3A_588 = tpu.memref_slice %arg6[%dma_wait3A_578, %dma_wait3A_579, %dma_wait3A_586, %dma_wait3A_587] : memref<2x16x16x128xf32, #tpu.memory_space<vmem>> -> memref<1x1x16x128xf32, #tpu.memory_space<vmem>>
    %dma_wait3A_589 = tpu.memref_squeeze %dma_wait3A_588 : memref<1x1x16x128xf32, #tpu.memory_space<vmem>> -> memref<16x128xf32, #tpu.memory_space<vmem>>
    %dma_wait3A_590 = arith.constant 0 : i32
    %dma_wait3A_591 = tpu.memref_slice %arg3[%dma_wait3A_590, %multiple_of3A_410] : memref<16x1000000xf32, #tpu.memory_space<hbm>> -> memref<16x128xf32, #tpu.memory_space<hbm>>
    tpu.wait_dma2 semaphore(%arg8 : memref<!tpu.dma_semaphore, #tpu.memory_space<semaphore_mem>>) src(%dma_wait3A_591 : memref<16x128xf32, #tpu.memory_space<hbm>>) dst(%dma_wait3A_589 : memref<16x128xf32, #tpu.memory_space<vmem>>)
    %dma_wait3A_592 = arith.constant 1 : i32
    %dma_wait3A_593 = arith.constant 10 : i32
    %dma_wait3A_594 = arith.constant 0 : i32
    %dma_wait3A_595 = arith.constant 0 : i32
    %dma_wait3A_596 = tpu.memref_slice %arg6[%dma_wait3A_592, %dma_wait3A_593, %dma_wait3A_594, %dma_wait3A_595] : memref<2x16x16x128xf32, #tpu.memory_space<vmem>> -> memref<1x1x16x128xf32, #tpu.memory_space<vmem>>
    %dma_wait3A_597 = tpu.memref_squeeze %dma_wait3A_596 : memref<1x1x16x128xf32, #tpu.memory_space<vmem>> -> memref<16x128xf32, #tpu.memory_space<vmem>>
    %dma_wait3A_598 = arith.constant 0 : i32
    %dma_wait3A_599 = tpu.memref_slice %arg3[%dma_wait3A_598, %multiple_of3A_417] : memref<16x1000000xf32, #tpu.memory_space<hbm>> -> memref<16x128xf32, #tpu.memory_space<hbm>>
    %dma_wait3A_600 = arith.constant 0 : i32
    %dma_wait3A_601 = arith.constant 0 : i32
    %dma_wait3A_602 = tpu.memref_slice %arg6[%dma_wait3A_592, %dma_wait3A_593, %dma_wait3A_600, %dma_wait3A_601] : memref<2x16x16x128xf32, #tpu.memory_space<vmem>> -> memref<1x1x16x128xf32, #tpu.memory_space<vmem>>
    %dma_wait3A_603 = tpu.memref_squeeze %dma_wait3A_602 : memref<1x1x16x128xf32, #tpu.memory_space<vmem>> -> memref<16x128xf32, #tpu.memory_space<vmem>>
    %dma_wait3A_604 = arith.constant 0 : i32
    %dma_wait3A_605 = tpu.memref_slice %arg3[%dma_wait3A_604, %multiple_of3A_417] : memref<16x1000000xf32, #tpu.memory_space<hbm>> -> memref<16x128xf32, #tpu.memory_space<hbm>>
    tpu.wait_dma2 semaphore(%arg8 : memref<!tpu.dma_semaphore, #tpu.memory_space<semaphore_mem>>) src(%dma_wait3A_605 : memref<16x128xf32, #tpu.memory_space<hbm>>) dst(%dma_wait3A_603 : memref<16x128xf32, #tpu.memory_space<vmem>>)
    %dma_wait3A_606 = arith.constant 1 : i32
    %dma_wait3A_607 = arith.constant 11 : i32
    %dma_wait3A_608 = arith.constant 0 : i32
    %dma_wait3A_609 = arith.constant 0 : i32
    %dma_wait3A_610 = tpu.memref_slice %arg6[%dma_wait3A_606, %dma_wait3A_607, %dma_wait3A_608, %dma_wait3A_609] : memref<2x16x16x128xf32, #tpu.memory_space<vmem>> -> memref<1x1x16x128xf32, #tpu.memory_space<vmem>>
    %dma_wait3A_611 = tpu.memref_squeeze %dma_wait3A_610 : memref<1x1x16x128xf32, #tpu.memory_space<vmem>> -> memref<16x128xf32, #tpu.memory_space<vmem>>
    %dma_wait3A_612 = arith.constant 0 : i32
    %dma_wait3A_613 = tpu.memref_slice %arg3[%dma_wait3A_612, %multiple_of3A_424] : memref<16x1000000xf32, #tpu.memory_space<hbm>> -> memref<16x128xf32, #tpu.memory_space<hbm>>
    %dma_wait3A_614 = arith.constant 0 : i32
    %dma_wait3A_615 = arith.constant 0 : i32
    %dma_wait3A_616 = tpu.memref_slice %arg6[%dma_wait3A_606, %dma_wait3A_607, %dma_wait3A_614, %dma_wait3A_615] : memref<2x16x16x128xf32, #tpu.memory_space<vmem>> -> memref<1x1x16x128xf32, #tpu.memory_space<vmem>>
    %dma_wait3A_617 = tpu.memref_squeeze %dma_wait3A_616 : memref<1x1x16x128xf32, #tpu.memory_space<vmem>> -> memref<16x128xf32, #tpu.memory_space<vmem>>
    %dma_wait3A_618 = arith.constant 0 : i32
    %dma_wait3A_619 = tpu.memref_slice %arg3[%dma_wait3A_618, %multiple_of3A_424] : memref<16x1000000xf32, #tpu.memory_space<hbm>> -> memref<16x128xf32, #tpu.memory_space<hbm>>
    tpu.wait_dma2 semaphore(%arg8 : memref<!tpu.dma_semaphore, #tpu.memory_space<semaphore_mem>>) src(%dma_wait3A_619 : memref<16x128xf32, #tpu.memory_space<hbm>>) dst(%dma_wait3A_617 : memref<16x128xf32, #tpu.memory_space<vmem>>)
    %dma_wait3A_620 = arith.constant 1 : i32
    %dma_wait3A_621 = arith.constant 12 : i32
    %dma_wait3A_622 = arith.constant 0 : i32
    %dma_wait3A_623 = arith.constant 0 : i32
    %dma_wait3A_624 = tpu.memref_slice %arg6[%dma_wait3A_620, %dma_wait3A_621, %dma_wait3A_622, %dma_wait3A_623] : memref<2x16x16x128xf32, #tpu.memory_space<vmem>> -> memref<1x1x16x128xf32, #tpu.memory_space<vmem>>
    %dma_wait3A_625 = tpu.memref_squeeze %dma_wait3A_624 : memref<1x1x16x128xf32, #tpu.memory_space<vmem>> -> memref<16x128xf32, #tpu.memory_space<vmem>>
    %dma_wait3A_626 = arith.constant 0 : i32
    %dma_wait3A_627 = tpu.memref_slice %arg3[%dma_wait3A_626, %multiple_of3A_431] : memref<16x1000000xf32, #tpu.memory_space<hbm>> -> memref<16x128xf32, #tpu.memory_space<hbm>>
    %dma_wait3A_628 = arith.constant 0 : i32
    %dma_wait3A_629 = arith.constant 0 : i32
    %dma_wait3A_630 = tpu.memref_slice %arg6[%dma_wait3A_620, %dma_wait3A_621, %dma_wait3A_628, %dma_wait3A_629] : memref<2x16x16x128xf32, #tpu.memory_space<vmem>> -> memref<1x1x16x128xf32, #tpu.memory_space<vmem>>
    %dma_wait3A_631 = tpu.memref_squeeze %dma_wait3A_630 : memref<1x1x16x128xf32, #tpu.memory_space<vmem>> -> memref<16x128xf32, #tpu.memory_space<vmem>>
    %dma_wait3A_632 = arith.constant 0 : i32
    %dma_wait3A_633 = tpu.memref_slice %arg3[%dma_wait3A_632, %multiple_of3A_431] : memref<16x1000000xf32, #tpu.memory_space<hbm>> -> memref<16x128xf32, #tpu.memory_space<hbm>>
    tpu.wait_dma2 semaphore(%arg8 : memref<!tpu.dma_semaphore, #tpu.memory_space<semaphore_mem>>) src(%dma_wait3A_633 : memref<16x128xf32, #tpu.memory_space<hbm>>) dst(%dma_wait3A_631 : memref<16x128xf32, #tpu.memory_space<vmem>>)
    %dma_wait3A_634 = arith.constant 1 : i32
    %dma_wait3A_635 = arith.constant 13 : i32
    %dma_wait3A_636 = arith.constant 0 : i32
    %dma_wait3A_637 = arith.constant 0 : i32
    %dma_wait3A_638 = tpu.memref_slice %arg6[%dma_wait3A_634, %dma_wait3A_635, %dma_wait3A_636, %dma_wait3A_637] : memref<2x16x16x128xf32, #tpu.memory_space<vmem>> -> memref<1x1x16x128xf32, #tpu.memory_space<vmem>>
    %dma_wait3A_639 = tpu.memref_squeeze %dma_wait3A_638 : memref<1x1x16x128xf32, #tpu.memory_space<vmem>> -> memref<16x128xf32, #tpu.memory_space<vmem>>
    %dma_wait3A_640 = arith.constant 0 : i32
    %dma_wait3A_641 = tpu.memref_slice %arg3[%dma_wait3A_640, %multiple_of3A_438] : memref<16x1000000xf32, #tpu.memory_space<hbm>> -> memref<16x128xf32, #tpu.memory_space<hbm>>
    %dma_wait3A_642 = arith.constant 0 : i32
    %dma_wait3A_643 = arith.constant 0 : i32
    %dma_wait3A_644 = tpu.memref_slice %arg6[%dma_wait3A_634, %dma_wait3A_635, %dma_wait3A_642, %dma_wait3A_643] : memref<2x16x16x128xf32, #tpu.memory_space<vmem>> -> memref<1x1x16x128xf32, #tpu.memory_space<vmem>>
    %dma_wait3A_645 = tpu.memref_squeeze %dma_wait3A_644 : memref<1x1x16x128xf32, #tpu.memory_space<vmem>> -> memref<16x128xf32, #tpu.memory_space<vmem>>
    %dma_wait3A_646 = arith.constant 0 : i32
    %dma_wait3A_647 = tpu.memref_slice %arg3[%dma_wait3A_646, %multiple_of3A_438] : memref<16x1000000xf32, #tpu.memory_space<hbm>> -> memref<16x128xf32, #tpu.memory_space<hbm>>
    tpu.wait_dma2 semaphore(%arg8 : memref<!tpu.dma_semaphore, #tpu.memory_space<semaphore_mem>>) src(%dma_wait3A_647 : memref<16x128xf32, #tpu.memory_space<hbm>>) dst(%dma_wait3A_645 : memref<16x128xf32, #tpu.memory_space<vmem>>)
    %dma_wait3A_648 = arith.constant 1 : i32
    %dma_wait3A_649 = arith.constant 14 : i32
    %dma_wait3A_650 = arith.constant 0 : i32
    %dma_wait3A_651 = arith.constant 0 : i32
    %dma_wait3A_652 = tpu.memref_slice %arg6[%dma_wait3A_648, %dma_wait3A_649, %dma_wait3A_650, %dma_wait3A_651] : memref<2x16x16x128xf32, #tpu.memory_space<vmem>> -> memref<1x1x16x128xf32, #tpu.memory_space<vmem>>
    %dma_wait3A_653 = tpu.memref_squeeze %dma_wait3A_652 : memref<1x1x16x128xf32, #tpu.memory_space<vmem>> -> memref<16x128xf32, #tpu.memory_space<vmem>>
    %dma_wait3A_654 = arith.constant 0 : i32
    %dma_wait3A_655 = tpu.memref_slice %arg3[%dma_wait3A_654, %multiple_of3A_445] : memref<16x1000000xf32, #tpu.memory_space<hbm>> -> memref<16x128xf32, #tpu.memory_space<hbm>>
    %dma_wait3A_656 = arith.constant 0 : i32
    %dma_wait3A_657 = arith.constant 0 : i32
    %dma_wait3A_658 = tpu.memref_slice %arg6[%dma_wait3A_648, %dma_wait3A_649, %dma_wait3A_656, %dma_wait3A_657] : memref<2x16x16x128xf32, #tpu.memory_space<vmem>> -> memref<1x1x16x128xf32, #tpu.memory_space<vmem>>
    %dma_wait3A_659 = tpu.memref_squeeze %dma_wait3A_658 : memref<1x1x16x128xf32, #tpu.memory_space<vmem>> -> memref<16x128xf32, #tpu.memory_space<vmem>>
    %dma_wait3A_660 = arith.constant 0 : i32
    %dma_wait3A_661 = tpu.memref_slice %arg3[%dma_wait3A_660, %multiple_of3A_445] : memref<16x1000000xf32, #tpu.memory_space<hbm>> -> memref<16x128xf32, #tpu.memory_space<hbm>>
    tpu.wait_dma2 semaphore(%arg8 : memref<!tpu.dma_semaphore, #tpu.memory_space<semaphore_mem>>) src(%dma_wait3A_661 : memref<16x128xf32, #tpu.memory_space<hbm>>) dst(%dma_wait3A_659 : memref<16x128xf32, #tpu.memory_space<vmem>>)
    %dma_wait3A_662 = arith.constant 1 : i32
    %dma_wait3A_663 = arith.constant 15 : i32
    %dma_wait3A_664 = arith.constant 0 : i32
    %dma_wait3A_665 = arith.constant 0 : i32
    %dma_wait3A_666 = tpu.memref_slice %arg6[%dma_wait3A_662, %dma_wait3A_663, %dma_wait3A_664, %dma_wait3A_665] : memref<2x16x16x128xf32, #tpu.memory_space<vmem>> -> memref<1x1x16x128xf32, #tpu.memory_space<vmem>>
    %dma_wait3A_667 = tpu.memref_squeeze %dma_wait3A_666 : memref<1x1x16x128xf32, #tpu.memory_space<vmem>> -> memref<16x128xf32, #tpu.memory_space<vmem>>
    %dma_wait3A_668 = arith.constant 0 : i32
    %dma_wait3A_669 = tpu.memref_slice %arg3[%dma_wait3A_668, %multiple_of3A_452] : memref<16x1000000xf32, #tpu.memory_space<hbm>> -> memref<16x128xf32, #tpu.memory_space<hbm>>
    %dma_wait3A_670 = arith.constant 0 : i32
    %dma_wait3A_671 = arith.constant 0 : i32
    %dma_wait3A_672 = tpu.memref_slice %arg6[%dma_wait3A_662, %dma_wait3A_663, %dma_wait3A_670, %dma_wait3A_671] : memref<2x16x16x128xf32, #tpu.memory_space<vmem>> -> memref<1x1x16x128xf32, #tpu.memory_space<vmem>>
    %dma_wait3A_673 = tpu.memref_squeeze %dma_wait3A_672 : memref<1x1x16x128xf32, #tpu.memory_space<vmem>> -> memref<16x128xf32, #tpu.memory_space<vmem>>
    %dma_wait3A_674 = arith.constant 0 : i32
    %dma_wait3A_675 = tpu.memref_slice %arg3[%dma_wait3A_674, %multiple_of3A_452] : memref<16x1000000xf32, #tpu.memory_space<hbm>> -> memref<16x128xf32, #tpu.memory_space<hbm>>
    tpu.wait_dma2 semaphore(%arg8 : memref<!tpu.dma_semaphore, #tpu.memory_space<semaphore_mem>>) src(%dma_wait3A_675 : memref<16x128xf32, #tpu.memory_space<hbm>>) dst(%dma_wait3A_673 : memref<16x128xf32, #tpu.memory_space<vmem>>)
    %slice3A_676 = vector.extract_strided_slice %get3A_340 {offsets = [0], sizes = [1], strides = [1]} : vector<16xi32> to vector<1xi32>
    %squeeze3A_677 = vector.extract %slice3A_676[0] : i32 from vector<1xi32>
    %and3A = arith.constant 127 : i32
    %and3A_678 = arith.andi %squeeze3A_677, %and3A : i32
    %broadcast_in_dim3A = vector.broadcast %and3A_678 : i32 to vector<16xi32>
    %gather3A = arith.constant 1 : i32
    %gather3A_679 = arith.constant 0 : i32
    %gather3A_680 = arith.constant 0 : i32
    %gather3A_681 = arith.constant 0 : i32
    %gather3A_682 = tpu.memref_slice %arg6[%gather3A, %gather3A_679, %gather3A_680, %gather3A_681] : memref<2x16x16x128xf32, #tpu.memory_space<vmem>> -> memref<1x1x16x128xf32, #tpu.memory_space<vmem>>
    %gather3A_683 = tpu.memref_squeeze %gather3A_682 : memref<1x1x16x128xf32, #tpu.memory_space<vmem>> -> memref<16x128xf32, #tpu.memory_space<vmem>>
    %gather3A_684 = tpu.vector_load_idx %gather3A_683[%iota3A, %broadcast_in_dim3A] : memref<16x128xf32, #tpu.memory_space<vmem>>[vector<16xi32>, vector<16xi32>], vector<16xf32>,
    %broadcast_in_dim3A_685 = arith.constant 496 : i32
    %broadcast_in_dim3A_686 = vector.broadcast %broadcast_in_dim3A_685 : i32 to vector<16xi32>
    tpu.vector_store_idx %arg7[%iota3A, %broadcast_in_dim3A_686], %gather3A_684 : memref<16x512xf32, #tpu.memory_space<vmem>>[vector<16xi32>, vector<16xi32>], vector<16xf32>,
    %slice3A_687 = vector.extract_strided_slice %get3A_340 {offsets = [1], sizes = [1], strides = [1]} : vector<16xi32> to vector<1xi32>
    %squeeze3A_688 = vector.extract %slice3A_687[0] : i32 from vector<1xi32>
    %and3A_689 = arith.constant 127 : i32
    %and3A_690 = arith.andi %squeeze3A_688, %and3A_689 : i32
    %broadcast_in_dim3A_691 = vector.broadcast %and3A_690 : i32 to vector<16xi32>
    %gather3A_692 = arith.constant 1 : i32
    %gather3A_693 = arith.constant 1 : i32
    %gather3A_694 = arith.constant 0 : i32
    %gather3A_695 = arith.constant 0 : i32
    %gather3A_696 = tpu.memref_slice %arg6[%gather3A_692, %gather3A_693, %gather3A_694, %gather3A_695] : memref<2x16x16x128xf32, #tpu.memory_space<vmem>> -> memref<1x1x16x128xf32, #tpu.memory_space<vmem>>
    %gather3A_697 = tpu.memref_squeeze %gather3A_696 : memref<1x1x16x128xf32, #tpu.memory_space<vmem>> -> memref<16x128xf32, #tpu.memory_space<vmem>>
    %gather3A_698 = tpu.vector_load_idx %gather3A_697[%iota3A, %broadcast_in_dim3A_691] : memref<16x128xf32, #tpu.memory_space<vmem>>[vector<16xi32>, vector<16xi32>], vector<16xf32>,
    %broadcast_in_dim3A_699 = arith.constant 497 : i32
    %broadcast_in_dim3A_700 = vector.broadcast %broadcast_in_dim3A_699 : i32 to vector<16xi32>
    tpu.vector_store_idx %arg7[%iota3A, %broadcast_in_dim3A_700], %gather3A_698 : memref<16x512xf32, #tpu.memory_space<vmem>>[vector<16xi32>, vector<16xi32>], vector<16xf32>,
    %slice3A_701 = vector.extract_strided_slice %get3A_340 {offsets = [2], sizes = [1], strides = [1]} : vector<16xi32> to vector<1xi32>
    %squeeze3A_702 = vector.extract %slice3A_701[0] : i32 from vector<1xi32>
    %and3A_703 = arith.constant 127 : i32
    %and3A_704 = arith.andi %squeeze3A_702, %and3A_703 : i32
    %broadcast_in_dim3A_705 = vector.broadcast %and3A_704 : i32 to vector<16xi32>
    %gather3A_706 = arith.constant 1 : i32
    %gather3A_707 = arith.constant 2 : i32
    %gather3A_708 = arith.constant 0 : i32
    %gather3A_709 = arith.constant 0 : i32
    %gather3A_710 = tpu.memref_slice %arg6[%gather3A_706, %gather3A_707, %gather3A_708, %gather3A_709] : memref<2x16x16x128xf32, #tpu.memory_space<vmem>> -> memref<1x1x16x128xf32, #tpu.memory_space<vmem>>
    %gather3A_711 = tpu.memref_squeeze %gather3A_710 : memref<1x1x16x128xf32, #tpu.memory_space<vmem>> -> memref<16x128xf32, #tpu.memory_space<vmem>>
    %gather3A_712 = tpu.vector_load_idx %gather3A_711[%iota3A, %broadcast_in_dim3A_705] : memref<16x128xf32, #tpu.memory_space<vmem>>[vector<16xi32>, vector<16xi32>], vector<16xf32>,
    %broadcast_in_dim3A_713 = arith.constant 498 : i32
    %broadcast_in_dim3A_714 = vector.broadcast %broadcast_in_dim3A_713 : i32 to vector<16xi32>
    tpu.vector_store_idx %arg7[%iota3A, %broadcast_in_dim3A_714], %gather3A_712 : memref<16x512xf32, #tpu.memory_space<vmem>>[vector<16xi32>, vector<16xi32>], vector<16xf32>,
    %slice3A_715 = vector.extract_strided_slice %get3A_340 {offsets = [3], sizes = [1], strides = [1]} : vector<16xi32> to vector<1xi32>
    %squeeze3A_716 = vector.extract %slice3A_715[0] : i32 from vector<1xi32>
    %and3A_717 = arith.constant 127 : i32
    %and3A_718 = arith.andi %squeeze3A_716, %and3A_717 : i32
    %broadcast_in_dim3A_719 = vector.broadcast %and3A_718 : i32 to vector<16xi32>
    %gather3A_720 = arith.constant 1 : i32
    %gather3A_721 = arith.constant 3 : i32
    %gather3A_722 = arith.constant 0 : i32
    %gather3A_723 = arith.constant 0 : i32
    %gather3A_724 = tpu.memref_slice %arg6[%gather3A_720, %gather3A_721, %gather3A_722, %gather3A_723] : memref<2x16x16x128xf32, #tpu.memory_space<vmem>> -> memref<1x1x16x128xf32, #tpu.memory_space<vmem>>
    %gather3A_725 = tpu.memref_squeeze %gather3A_724 : memref<1x1x16x128xf32, #tpu.memory_space<vmem>> -> memref<16x128xf32, #tpu.memory_space<vmem>>
    %gather3A_726 = tpu.vector_load_idx %gather3A_725[%iota3A, %broadcast_in_dim3A_719] : memref<16x128xf32, #tpu.memory_space<vmem>>[vector<16xi32>, vector<16xi32>], vector<16xf32>,
    %broadcast_in_dim3A_727 = arith.constant 499 : i32
    %broadcast_in_dim3A_728 = vector.broadcast %broadcast_in_dim3A_727 : i32 to vector<16xi32>
    tpu.vector_store_idx %arg7[%iota3A, %broadcast_in_dim3A_728], %gather3A_726 : memref<16x512xf32, #tpu.memory_space<vmem>>[vector<16xi32>, vector<16xi32>], vector<16xf32>,
    %slice3A_729 = vector.extract_strided_slice %get3A_340 {offsets = [4], sizes = [1], strides = [1]} : vector<16xi32> to vector<1xi32>
    %squeeze3A_730 = vector.extract %slice3A_729[0] : i32 from vector<1xi32>
    %and3A_731 = arith.constant 127 : i32
    %and3A_732 = arith.andi %squeeze3A_730, %and3A_731 : i32
    %broadcast_in_dim3A_733 = vector.broadcast %and3A_732 : i32 to vector<16xi32>
    %gather3A_734 = arith.constant 1 : i32
    %gather3A_735 = arith.constant 4 : i32
    %gather3A_736 = arith.constant 0 : i32
    %gather3A_737 = arith.constant 0 : i32
    %gather3A_738 = tpu.memref_slice %arg6[%gather3A_734, %gather3A_735, %gather3A_736, %gather3A_737] : memref<2x16x16x128xf32, #tpu.memory_space<vmem>> -> memref<1x1x16x128xf32, #tpu.memory_space<vmem>>
    %gather3A_739 = tpu.memref_squeeze %gather3A_738 : memref<1x1x16x128xf32, #tpu.memory_space<vmem>> -> memref<16x128xf32, #tpu.memory_space<vmem>>
    %gather3A_740 = tpu.vector_load_idx %gather3A_739[%iota3A, %broadcast_in_dim3A_733] : memref<16x128xf32, #tpu.memory_space<vmem>>[vector<16xi32>, vector<16xi32>], vector<16xf32>,
    %broadcast_in_dim3A_741 = arith.constant 500 : i32
    %broadcast_in_dim3A_742 = vector.broadcast %broadcast_in_dim3A_741 : i32 to vector<16xi32>
    tpu.vector_store_idx %arg7[%iota3A, %broadcast_in_dim3A_742], %gather3A_740 : memref<16x512xf32, #tpu.memory_space<vmem>>[vector<16xi32>, vector<16xi32>], vector<16xf32>,
    %slice3A_743 = vector.extract_strided_slice %get3A_340 {offsets = [5], sizes = [1], strides = [1]} : vector<16xi32> to vector<1xi32>
    %squeeze3A_744 = vector.extract %slice3A_743[0] : i32 from vector<1xi32>
    %and3A_745 = arith.constant 127 : i32
    %and3A_746 = arith.andi %squeeze3A_744, %and3A_745 : i32
    %broadcast_in_dim3A_747 = vector.broadcast %and3A_746 : i32 to vector<16xi32>
    %gather3A_748 = arith.constant 1 : i32
    %gather3A_749 = arith.constant 5 : i32
    %gather3A_750 = arith.constant 0 : i32
    %gather3A_751 = arith.constant 0 : i32
    %gather3A_752 = tpu.memref_slice %arg6[%gather3A_748, %gather3A_749, %gather3A_750, %gather3A_751] : memref<2x16x16x128xf32, #tpu.memory_space<vmem>> -> memref<1x1x16x128xf32, #tpu.memory_space<vmem>>
    %gather3A_753 = tpu.memref_squeeze %gather3A_752 : memref<1x1x16x128xf32, #tpu.memory_space<vmem>> -> memref<16x128xf32, #tpu.memory_space<vmem>>
    %gather3A_754 = tpu.vector_load_idx %gather3A_753[%iota3A, %broadcast_in_dim3A_747] : memref<16x128xf32, #tpu.memory_space<vmem>>[vector<16xi32>, vector<16xi32>], vector<16xf32>,
    %broadcast_in_dim3A_755 = arith.constant 501 : i32
    %broadcast_in_dim3A_756 = vector.broadcast %broadcast_in_dim3A_755 : i32 to vector<16xi32>
    tpu.vector_store_idx %arg7[%iota3A, %broadcast_in_dim3A_756], %gather3A_754 : memref<16x512xf32, #tpu.memory_space<vmem>>[vector<16xi32>, vector<16xi32>], vector<16xf32>,
    %slice3A_757 = vector.extract_strided_slice %get3A_340 {offsets = [6], sizes = [1], strides = [1]} : vector<16xi32> to vector<1xi32>
    %squeeze3A_758 = vector.extract %slice3A_757[0] : i32 from vector<1xi32>
    %and3A_759 = arith.constant 127 : i32
    %and3A_760 = arith.andi %squeeze3A_758, %and3A_759 : i32
    %broadcast_in_dim3A_761 = vector.broadcast %and3A_760 : i32 to vector<16xi32>
    %gather3A_762 = arith.constant 1 : i32
    %gather3A_763 = arith.constant 6 : i32
    %gather3A_764 = arith.constant 0 : i32
    %gather3A_765 = arith.constant 0 : i32
    %gather3A_766 = tpu.memref_slice %arg6[%gather3A_762, %gather3A_763, %gather3A_764, %gather3A_765] : memref<2x16x16x128xf32, #tpu.memory_space<vmem>> -> memref<1x1x16x128xf32, #tpu.memory_space<vmem>>
    %gather3A_767 = tpu.memref_squeeze %gather3A_766 : memref<1x1x16x128xf32, #tpu.memory_space<vmem>> -> memref<16x128xf32, #tpu.memory_space<vmem>>
    %gather3A_768 = tpu.vector_load_idx %gather3A_767[%iota3A, %broadcast_in_dim3A_761] : memref<16x128xf32, #tpu.memory_space<vmem>>[vector<16xi32>, vector<16xi32>], vector<16xf32>,
    %broadcast_in_dim3A_769 = arith.constant 502 : i32
    %broadcast_in_dim3A_770 = vector.broadcast %broadcast_in_dim3A_769 : i32 to vector<16xi32>
    tpu.vector_store_idx %arg7[%iota3A, %broadcast_in_dim3A_770], %gather3A_768 : memref<16x512xf32, #tpu.memory_space<vmem>>[vector<16xi32>, vector<16xi32>], vector<16xf32>,
    %slice3A_771 = vector.extract_strided_slice %get3A_340 {offsets = [7], sizes = [1], strides = [1]} : vector<16xi32> to vector<1xi32>
    %squeeze3A_772 = vector.extract %slice3A_771[0] : i32 from vector<1xi32>
    %and3A_773 = arith.constant 127 : i32
    %and3A_774 = arith.andi %squeeze3A_772, %and3A_773 : i32
    %broadcast_in_dim3A_775 = vector.broadcast %and3A_774 : i32 to vector<16xi32>
    %gather3A_776 = arith.constant 1 : i32
    %gather3A_777 = arith.constant 7 : i32
    %gather3A_778 = arith.constant 0 : i32
    %gather3A_779 = arith.constant 0 : i32
    %gather3A_780 = tpu.memref_slice %arg6[%gather3A_776, %gather3A_777, %gather3A_778, %gather3A_779] : memref<2x16x16x128xf32, #tpu.memory_space<vmem>> -> memref<1x1x16x128xf32, #tpu.memory_space<vmem>>
    %gather3A_781 = tpu.memref_squeeze %gather3A_780 : memref<1x1x16x128xf32, #tpu.memory_space<vmem>> -> memref<16x128xf32, #tpu.memory_space<vmem>>
    %gather3A_782 = tpu.vector_load_idx %gather3A_781[%iota3A, %broadcast_in_dim3A_775] : memref<16x128xf32, #tpu.memory_space<vmem>>[vector<16xi32>, vector<16xi32>], vector<16xf32>,
    %broadcast_in_dim3A_783 = arith.constant 503 : i32
    %broadcast_in_dim3A_784 = vector.broadcast %broadcast_in_dim3A_783 : i32 to vector<16xi32>
    tpu.vector_store_idx %arg7[%iota3A, %broadcast_in_dim3A_784], %gather3A_782 : memref<16x512xf32, #tpu.memory_space<vmem>>[vector<16xi32>, vector<16xi32>], vector<16xf32>,
    %slice3A_785 = vector.extract_strided_slice %get3A_340 {offsets = [8], sizes = [1], strides = [1]} : vector<16xi32> to vector<1xi32>
    %squeeze3A_786 = vector.extract %slice3A_785[0] : i32 from vector<1xi32>
    %and3A_787 = arith.constant 127 : i32
    %and3A_788 = arith.andi %squeeze3A_786, %and3A_787 : i32
    %broadcast_in_dim3A_789 = vector.broadcast %and3A_788 : i32 to vector<16xi32>
    %gather3A_790 = arith.constant 1 : i32
    %gather3A_791 = arith.constant 8 : i32
    %gather3A_792 = arith.constant 0 : i32
    %gather3A_793 = arith.constant 0 : i32
    %gather3A_794 = tpu.memref_slice %arg6[%gather3A_790, %gather3A_791, %gather3A_792, %gather3A_793] : memref<2x16x16x128xf32, #tpu.memory_space<vmem>> -> memref<1x1x16x128xf32, #tpu.memory_space<vmem>>
    %gather3A_795 = tpu.memref_squeeze %gather3A_794 : memref<1x1x16x128xf32, #tpu.memory_space<vmem>> -> memref<16x128xf32, #tpu.memory_space<vmem>>
    %gather3A_796 = tpu.vector_load_idx %gather3A_795[%iota3A, %broadcast_in_dim3A_789] : memref<16x128xf32, #tpu.memory_space<vmem>>[vector<16xi32>, vector<16xi32>], vector<16xf32>,
    %broadcast_in_dim3A_797 = arith.constant 504 : i32
    %broadcast_in_dim3A_798 = vector.broadcast %broadcast_in_dim3A_797 : i32 to vector<16xi32>
    tpu.vector_store_idx %arg7[%iota3A, %broadcast_in_dim3A_798], %gather3A_796 : memref<16x512xf32, #tpu.memory_space<vmem>>[vector<16xi32>, vector<16xi32>], vector<16xf32>,
    %slice3A_799 = vector.extract_strided_slice %get3A_340 {offsets = [9], sizes = [1], strides = [1]} : vector<16xi32> to vector<1xi32>
    %squeeze3A_800 = vector.extract %slice3A_799[0] : i32 from vector<1xi32>
    %and3A_801 = arith.constant 127 : i32
    %and3A_802 = arith.andi %squeeze3A_800, %and3A_801 : i32
    %broadcast_in_dim3A_803 = vector.broadcast %and3A_802 : i32 to vector<16xi32>
    %gather3A_804 = arith.constant 1 : i32
    %gather3A_805 = arith.constant 9 : i32
    %gather3A_806 = arith.constant 0 : i32
    %gather3A_807 = arith.constant 0 : i32
    %gather3A_808 = tpu.memref_slice %arg6[%gather3A_804, %gather3A_805, %gather3A_806, %gather3A_807] : memref<2x16x16x128xf32, #tpu.memory_space<vmem>> -> memref<1x1x16x128xf32, #tpu.memory_space<vmem>>
    %gather3A_809 = tpu.memref_squeeze %gather3A_808 : memref<1x1x16x128xf32, #tpu.memory_space<vmem>> -> memref<16x128xf32, #tpu.memory_space<vmem>>
    %gather3A_810 = tpu.vector_load_idx %gather3A_809[%iota3A, %broadcast_in_dim3A_803] : memref<16x128xf32, #tpu.memory_space<vmem>>[vector<16xi32>, vector<16xi32>], vector<16xf32>,
    %broadcast_in_dim3A_811 = arith.constant 505 : i32
    %broadcast_in_dim3A_812 = vector.broadcast %broadcast_in_dim3A_811 : i32 to vector<16xi32>
    tpu.vector_store_idx %arg7[%iota3A, %broadcast_in_dim3A_812], %gather3A_810 : memref<16x512xf32, #tpu.memory_space<vmem>>[vector<16xi32>, vector<16xi32>], vector<16xf32>,
    %slice3A_813 = vector.extract_strided_slice %get3A_340 {offsets = [10], sizes = [1], strides = [1]} : vector<16xi32> to vector<1xi32>
    %squeeze3A_814 = vector.extract %slice3A_813[0] : i32 from vector<1xi32>
    %and3A_815 = arith.constant 127 : i32
    %and3A_816 = arith.andi %squeeze3A_814, %and3A_815 : i32
    %broadcast_in_dim3A_817 = vector.broadcast %and3A_816 : i32 to vector<16xi32>
    %gather3A_818 = arith.constant 1 : i32
    %gather3A_819 = arith.constant 10 : i32
    %gather3A_820 = arith.constant 0 : i32
    %gather3A_821 = arith.constant 0 : i32
    %gather3A_822 = tpu.memref_slice %arg6[%gather3A_818, %gather3A_819, %gather3A_820, %gather3A_821] : memref<2x16x16x128xf32, #tpu.memory_space<vmem>> -> memref<1x1x16x128xf32, #tpu.memory_space<vmem>>
    %gather3A_823 = tpu.memref_squeeze %gather3A_822 : memref<1x1x16x128xf32, #tpu.memory_space<vmem>> -> memref<16x128xf32, #tpu.memory_space<vmem>>
    %gather3A_824 = tpu.vector_load_idx %gather3A_823[%iota3A, %broadcast_in_dim3A_817] : memref<16x128xf32, #tpu.memory_space<vmem>>[vector<16xi32>, vector<16xi32>], vector<16xf32>,
    %broadcast_in_dim3A_825 = arith.constant 506 : i32
    %broadcast_in_dim3A_826 = vector.broadcast %broadcast_in_dim3A_825 : i32 to vector<16xi32>
    tpu.vector_store_idx %arg7[%iota3A, %broadcast_in_dim3A_826], %gather3A_824 : memref<16x512xf32, #tpu.memory_space<vmem>>[vector<16xi32>, vector<16xi32>], vector<16xf32>,
    %slice3A_827 = vector.extract_strided_slice %get3A_340 {offsets = [11], sizes = [1], strides = [1]} : vector<16xi32> to vector<1xi32>
    %squeeze3A_828 = vector.extract %slice3A_827[0] : i32 from vector<1xi32>
    %and3A_829 = arith.constant 127 : i32
    %and3A_830 = arith.andi %squeeze3A_828, %and3A_829 : i32
    %broadcast_in_dim3A_831 = vector.broadcast %and3A_830 : i32 to vector<16xi32>
    %gather3A_832 = arith.constant 1 : i32
    %gather3A_833 = arith.constant 11 : i32
    %gather3A_834 = arith.constant 0 : i32
    %gather3A_835 = arith.constant 0 : i32
    %gather3A_836 = tpu.memref_slice %arg6[%gather3A_832, %gather3A_833, %gather3A_834, %gather3A_835] : memref<2x16x16x128xf32, #tpu.memory_space<vmem>> -> memref<1x1x16x128xf32, #tpu.memory_space<vmem>>
    %gather3A_837 = tpu.memref_squeeze %gather3A_836 : memref<1x1x16x128xf32, #tpu.memory_space<vmem>> -> memref<16x128xf32, #tpu.memory_space<vmem>>
    %gather3A_838 = tpu.vector_load_idx %gather3A_837[%iota3A, %broadcast_in_dim3A_831] : memref<16x128xf32, #tpu.memory_space<vmem>>[vector<16xi32>, vector<16xi32>], vector<16xf32>,
    %broadcast_in_dim3A_839 = arith.constant 507 : i32
    %broadcast_in_dim3A_840 = vector.broadcast %broadcast_in_dim3A_839 : i32 to vector<16xi32>
    tpu.vector_store_idx %arg7[%iota3A, %broadcast_in_dim3A_840], %gather3A_838 : memref<16x512xf32, #tpu.memory_space<vmem>>[vector<16xi32>, vector<16xi32>], vector<16xf32>,
    %slice3A_841 = vector.extract_strided_slice %get3A_340 {offsets = [12], sizes = [1], strides = [1]} : vector<16xi32> to vector<1xi32>
    %squeeze3A_842 = vector.extract %slice3A_841[0] : i32 from vector<1xi32>
    %and3A_843 = arith.constant 127 : i32
    %and3A_844 = arith.andi %squeeze3A_842, %and3A_843 : i32
    %broadcast_in_dim3A_845 = vector.broadcast %and3A_844 : i32 to vector<16xi32>
    %gather3A_846 = arith.constant 1 : i32
    %gather3A_847 = arith.constant 12 : i32
    %gather3A_848 = arith.constant 0 : i32
    %gather3A_849 = arith.constant 0 : i32
    %gather3A_850 = tpu.memref_slice %arg6[%gather3A_846, %gather3A_847, %gather3A_848, %gather3A_849] : memref<2x16x16x128xf32, #tpu.memory_space<vmem>> -> memref<1x1x16x128xf32, #tpu.memory_space<vmem>>
    %gather3A_851 = tpu.memref_squeeze %gather3A_850 : memref<1x1x16x128xf32, #tpu.memory_space<vmem>> -> memref<16x128xf32, #tpu.memory_space<vmem>>
    %gather3A_852 = tpu.vector_load_idx %gather3A_851[%iota3A, %broadcast_in_dim3A_845] : memref<16x128xf32, #tpu.memory_space<vmem>>[vector<16xi32>, vector<16xi32>], vector<16xf32>,
    %broadcast_in_dim3A_853 = arith.constant 508 : i32
    %broadcast_in_dim3A_854 = vector.broadcast %broadcast_in_dim3A_853 : i32 to vector<16xi32>
    tpu.vector_store_idx %arg7[%iota3A, %broadcast_in_dim3A_854], %gather3A_852 : memref<16x512xf32, #tpu.memory_space<vmem>>[vector<16xi32>, vector<16xi32>], vector<16xf32>,
    %slice3A_855 = vector.extract_strided_slice %get3A_340 {offsets = [13], sizes = [1], strides = [1]} : vector<16xi32> to vector<1xi32>
    %squeeze3A_856 = vector.extract %slice3A_855[0] : i32 from vector<1xi32>
    %and3A_857 = arith.constant 127 : i32
    %and3A_858 = arith.andi %squeeze3A_856, %and3A_857 : i32
    %broadcast_in_dim3A_859 = vector.broadcast %and3A_858 : i32 to vector<16xi32>
    %gather3A_860 = arith.constant 1 : i32
    %gather3A_861 = arith.constant 13 : i32
    %gather3A_862 = arith.constant 0 : i32
    %gather3A_863 = arith.constant 0 : i32
    %gather3A_864 = tpu.memref_slice %arg6[%gather3A_860, %gather3A_861, %gather3A_862, %gather3A_863] : memref<2x16x16x128xf32, #tpu.memory_space<vmem>> -> memref<1x1x16x128xf32, #tpu.memory_space<vmem>>
    %gather3A_865 = tpu.memref_squeeze %gather3A_864 : memref<1x1x16x128xf32, #tpu.memory_space<vmem>> -> memref<16x128xf32, #tpu.memory_space<vmem>>
    %gather3A_866 = tpu.vector_load_idx %gather3A_865[%iota3A, %broadcast_in_dim3A_859] : memref<16x128xf32, #tpu.memory_space<vmem>>[vector<16xi32>, vector<16xi32>], vector<16xf32>,
    %broadcast_in_dim3A_867 = arith.constant 509 : i32
    %broadcast_in_dim3A_868 = vector.broadcast %broadcast_in_dim3A_867 : i32 to vector<16xi32>
    tpu.vector_store_idx %arg7[%iota3A, %broadcast_in_dim3A_868], %gather3A_866 : memref<16x512xf32, #tpu.memory_space<vmem>>[vector<16xi32>, vector<16xi32>], vector<16xf32>,
    %slice3A_869 = vector.extract_strided_slice %get3A_340 {offsets = [14], sizes = [1], strides = [1]} : vector<16xi32> to vector<1xi32>
    %squeeze3A_870 = vector.extract %slice3A_869[0] : i32 from vector<1xi32>
    %and3A_871 = arith.constant 127 : i32
    %and3A_872 = arith.andi %squeeze3A_870, %and3A_871 : i32
    %broadcast_in_dim3A_873 = vector.broadcast %and3A_872 : i32 to vector<16xi32>
    %gather3A_874 = arith.constant 1 : i32
    %gather3A_875 = arith.constant 14 : i32
    %gather3A_876 = arith.constant 0 : i32
    %gather3A_877 = arith.constant 0 : i32
    %gather3A_878 = tpu.memref_slice %arg6[%gather3A_874, %gather3A_875, %gather3A_876, %gather3A_877] : memref<2x16x16x128xf32, #tpu.memory_space<vmem>> -> memref<1x1x16x128xf32, #tpu.memory_space<vmem>>
    %gather3A_879 = tpu.memref_squeeze %gather3A_878 : memref<1x1x16x128xf32, #tpu.memory_space<vmem>> -> memref<16x128xf32, #tpu.memory_space<vmem>>
    %gather3A_880 = tpu.vector_load_idx %gather3A_879[%iota3A, %broadcast_in_dim3A_873] : memref<16x128xf32, #tpu.memory_space<vmem>>[vector<16xi32>, vector<16xi32>], vector<16xf32>,
    %broadcast_in_dim3A_881 = arith.constant 510 : i32
    %broadcast_in_dim3A_882 = vector.broadcast %broadcast_in_dim3A_881 : i32 to vector<16xi32>
    tpu.vector_store_idx %arg7[%iota3A, %broadcast_in_dim3A_882], %gather3A_880 : memref<16x512xf32, #tpu.memory_space<vmem>>[vector<16xi32>, vector<16xi32>], vector<16xf32>,
    %slice3A_883 = vector.extract_strided_slice %get3A_340 {offsets = [15], sizes = [1], strides = [1]} : vector<16xi32> to vector<1xi32>
    %squeeze3A_884 = vector.extract %slice3A_883[0] : i32 from vector<1xi32>
    %and3A_885 = arith.constant 127 : i32
    %and3A_886 = arith.andi %squeeze3A_884, %and3A_885 : i32
    %broadcast_in_dim3A_887 = vector.broadcast %and3A_886 : i32 to vector<16xi32>
    %gather3A_888 = arith.constant 1 : i32
    %gather3A_889 = arith.constant 15 : i32
    %gather3A_890 = arith.constant 0 : i32
    %gather3A_891 = arith.constant 0 : i32
    %gather3A_892 = tpu.memref_slice %arg6[%gather3A_888, %gather3A_889, %gather3A_890, %gather3A_891] : memref<2x16x16x128xf32, #tpu.memory_space<vmem>> -> memref<1x1x16x128xf32, #tpu.memory_space<vmem>>
    %gather3A_893 = tpu.memref_squeeze %gather3A_892 : memref<1x1x16x128xf32, #tpu.memory_space<vmem>> -> memref<16x128xf32, #tpu.memory_space<vmem>>
    %gather3A_894 = tpu.vector_load_idx %gather3A_893[%iota3A, %broadcast_in_dim3A_887] : memref<16x128xf32, #tpu.memory_space<vmem>>[vector<16xi32>, vector<16xi32>], vector<16xf32>,
    %broadcast_in_dim3A_895 = arith.constant 511 : i32
    %broadcast_in_dim3A_896 = vector.broadcast %broadcast_in_dim3A_895 : i32 to vector<16xi32>
    tpu.vector_store_idx %arg7[%iota3A, %broadcast_in_dim3A_896], %gather3A_894 : memref<16x512xf32, #tpu.memory_space<vmem>>[vector<16xi32>, vector<16xi32>], vector<16xf32>,
    "tpu.region"() ({
      %run_scoped3A = tpu.sem_alloc : memref<!tpu.dma_semaphore, #tpu.memory_space<semaphore_mem>>
      %dma_start3A_897 = arith.constant 0 : i32
      %dma_start3A_898 = tpu.memref_slice %arg4[%dma_start3A_897, %mul3A_2] : memref<16x16384xf32, #tpu.memory_space<hbm>> -> memref<16x512xf32, #tpu.memory_space<hbm>>
      %dma_start3A_899 = arith.constant 0 : i32
      %dma_start3A_900 = tpu.memref_slice %arg4[%dma_start3A_899, %mul3A_2] : memref<16x16384xf32, #tpu.memory_space<hbm>> -> memref<16x512xf32, #tpu.memory_space<hbm>>
      tpu.enqueue_dma source(%arg7 : memref<16x512xf32, #tpu.memory_space<vmem>>) target(%dma_start3A_900 : memref<16x512xf32, #tpu.memory_space<hbm>>) target_semaphore(%run_scoped3A : memref<!tpu.dma_semaphore, #tpu.memory_space<semaphore_mem>>)
      %dma_wait3A_901 = arith.constant 0 : i32
      %dma_wait3A_902 = tpu.memref_slice %arg4[%dma_wait3A_901, %mul3A_2] : memref<16x16384xf32, #tpu.memory_space<hbm>> -> memref<16x512xf32, #tpu.memory_space<hbm>>
      %dma_wait3A_903 = arith.constant 0 : i32
      %dma_wait3A_904 = tpu.memref_slice %arg4[%dma_wait3A_903, %mul3A_2] : memref<16x16384xf32, #tpu.memory_space<hbm>> -> memref<16x512xf32, #tpu.memory_space<hbm>>
      tpu.wait_dma2 semaphore(%run_scoped3A : memref<!tpu.dma_semaphore, #tpu.memory_space<semaphore_mem>>) src(%arg7 : memref<16x512xf32, #tpu.memory_space<vmem>>) dst(%dma_wait3A_904 : memref<16x512xf32, #tpu.memory_space<hbm>>)
      tpu.yield
    }) : () -> ()
    return
  }
}

</mosaic_0001>

<sc_bundles>
// kernel: kernel.3.cloned.1.call-start
scs
__scs_entry_jumppad:
0x0: {  	(pc) =	sbr.rel $0x88, $3  }
0x1: {  	(tag) =	ssettag $0x0;
	lr =	simm.s32 $0x1  }
0x2: {  	[smem:$0x3F9F] =	sst lr;
	_ =	strace $0xD0000000  }
0x3: {  	_ = 	snop  }
0x4: {  	_ = 	snop  }
0x5: {  	_ = 	snop  }
0x6: {  	_ = 	snop  }
0x7: {  	_ = 	snop  }
__scs_overlays_trampoline_lowered:
0x8: {  	[smem:$0x3FAE] =	sst s0  }
0x9: {  	[smem:$0x3FAF] =	sst s1  }
0xa: {  	[smem:$0x3FB0] =	sst s2  }
0xb: {  	[smem:$0x3FB1] =	sst s3  }
0xc: {  	[smem:$0x3FB2] =	sst s4  }
0xd: {  	[smem:$0x3FB3] =	sst s5  }
0xe: {  	[smem:$0x3FB4] =	sst s6  }
0xf: {  	[smem:$0x3FB5] =	sst s7  }
0x10: {  	[smem:$0x3FB6] =	sst s8  }
0x11: {  	[smem:$0x3FB7] =	sst s9;
	s0 =	simm.s32 @!p0 $0x0  }
0x12: {  	s1 =	sld [smem:$0x3F9D];
	s0 =	simm.s32 @p0 $0x1  }
0x13: {  	[smem:$0x3FB8] =	sst s0;
	s0 =	simm.s32 @!p1 $0x0  }
0x14: {  	s2 =	sld [smem:$0x3F9C];
	s0 =	simm.s32 @p1 $0x1  }
0x15: {  	[smem:$0x3FB9] =	sst s0;
	s0 =	simm.s32 @!p2 $0x0  }
0x16: {  	s3 =	sld [smem:$0x3FDB];
	s0 =	simm.s32 @p2 $0x1  }
0x17: {  	s4 =	simm.s32 $0x1BF5;
	[smem:$0x3FBB] =	sst s0  }
0x18: {  	s0 =	sld [smem:$0x3F9E];
	_ =	swait.ge [sflag:s4], $0x0  }
0x19: {  	s7 =	sld [smem:$0x3F9F]  }
0x1a: {  	s8 =	sadd.s32 $0xFFFFE003, lr  }
0x1b: {  	s9 =	sadd.s32 $0xFFFFFEF7, lr;
	s5 =	simm.s32 $0xFFFFFFFF;
	p2 =	slt.u32 s8, $0xFFFFF086  }
0x1c: {  	p1 =	slt.u32 s9, $0xF7A;
	s5 =	simm.s32 @!p2 $0x0  }
0x1d: {  	s5 =	simm.s32 @p1 $0x1;
	p0 =	seq.s32 s7, s2  }
0x1e: {  	s7 =	smul.u32 @!p0 $0xF7A, s2;
	p2 =	seq.s32 @!p0 s5, $0x0  }
0x1f: {  	s9 =	smul.u32 $0xF7A, s1;
	s8 =	simm.s32 @!p0 $0x1BF5;
	p2 =	por !p2, p0  }
0x20: {  	[sflag:s8] =	ssyncset.s32 @!p0 $0xFFFFF086;
	s6 =	sadd.s32 @!p0 s3, s7;
	s7 =	simm.s32 @!p0 $0x108  }
0x21: {  	s3 =	sadd.s32 s3, s9;
	s6 =	sadd.s32 @!p0 $0x88, s6;
	s7 =	simm.s32 @p2 $0x1082  }
0x22: {  	[simem:s7], [sflag:s8] =	dma.local @!p0 [hbm:s6], $0xF7A  }
0x23: {  	s9 =	sor.u32 $0xD0000000, s2;
	s6 =	simm.s32 $0x108;
	_ =	swait.ge @!p0 [sflag:s8], $0x0  }
0x24: {  	s3 =	sadd.s32 $0x88, s3;
	s6 =	simm.s32 @!p1 $0x1082;
	[sflag:s4] =	ssyncset.s32 $0xFFFFF086  }
0x25: {  	[simem:s6], [sflag:s4] =	dma.local [hbm:s3], $0xF7A  }
0x26: {  	[smem:$0x3F9F] =	sst s1;
	(tag) =	ssettag s2;
	_ =	strace s9  }
0x27: {  	s1 =	sld [smem:$0x3FAF]  }
0x28: {  	s2 =	sld [smem:$0x3FB0]  }
0x29: {  	s4 =	sld [smem:$0x3FB2]  }
0x2a: {  	p0 =	seq.s32 s5, $0x0;
	s5 =	sld [smem:$0x3FB3]  }
0x2b: {  	s6 =	sld [smem:$0x3FB4]  }
0x2c: {  	s7 =	sld [smem:$0x3FB5]  }
0x2d: {  	s3 =	simm.s32 $0x108;
	s8 =	sld [smem:$0x3FB6]  }
0x2e: {  	s3 =	simm.s32 @!p0 $0x1082;
	s9 =	sld [smem:$0x3FB7]  }
0x2f: {  	lr =	sadd.s32 s0, s3;
	s0 =	sld [smem:$0x3FAE]  }
0x30: {  	s3 =	sld [smem:$0x3FB1]  }
0x31: {  	[smem:$0x3FBA] =	sst s10  }
0x32: {  	s10 =	sld [smem:$0x3FB8];
	_ =	sdelay $0x3  }
0x33: {  	p0 =	seq.s32 s10, $0x1;
	s10 =	sld [smem:$0x3FBA];
	_ =	sdelay $0x3  }
0x34: {  	[smem:$0x3FBA] =	sst s10  }
0x35: {  	s10 =	sld [smem:$0x3FB9];
	_ =	sdelay $0x3  }
0x36: {  	p1 =	seq.s32 s10, $0x1;
	s10 =	sld [smem:$0x3FBA];
	_ =	sdelay $0x3  }
0x37: {  	[smem:$0x3FBA] =	sst s10  }
0x38: {  	s10 =	sld [smem:$0x3FBB]  }
0x39: {  	_ = 	snop;
	(pc) =	sbr.ind lr, $3  }
0x3a: {  	_ = 	snop  }
0x3b: {  	_ = 	snop  }
0x3c: {  	p2 =	seq.s32 s10, $0x1;
	s10 =	sld [smem:$0x3FBA]  }
0x3d: {  	_ =	shalt  }
0x3e: {  	_ =	shalt  }
0x3f: {  	_ =	shalt  }
0x40: {  	_ =	shalt  }
0x41: {  	_ =	shalt  }
0x42: {  	_ =	shalt  }
0x43: {  	_ =	shalt  }
0x44: {  	_ =	shalt  }
0x45: {  	_ =	shalt  }
0x46: {  	_ =	shalt  }
0x47: {  	_ =	shalt  }
0x48: {  	_ =	shalt  }
0x49: {  	_ =	shalt  }
0x4a: {  	_ =	shalt  }
0x4b: {  	_ =	shalt  }
0x4c: {  	_ =	shalt  }
0x4d: {  	_ =	shalt  }
0x4e: {  	_ =	shalt  }
0x4f: {  	_ =	shalt  }
0x50: {  	_ =	shalt  }
0x51: {  	_ =	shalt  }
0x52: {  	_ =	shalt  }
0x53: {  	_ =	shalt  }
0x54: {  	_ =	shalt  }
0x55: {  	_ =	shalt  }
0x56: {  	_ =	shalt  }
0x57: {  	_ =	shalt  }
0x58: {  	_ =	shalt  }
0x59: {  	_ =	shalt  }
0x5a: {  	_ =	shalt  }
0x5b: {  	_ =	shalt  }
0x5c: {  	_ =	shalt  }
0x5d: {  	_ =	shalt  }
0x5e: {  	_ =	shalt  }
0x5f: {  	_ =	shalt  }
0x60: {  	_ =	shalt  }
0x61: {  	_ =	shalt  }
0x62: {  	_ =	shalt  }
0x63: {  	_ =	shalt  }
0x64: {  	_ =	shalt  }
0x65: {  	_ =	shalt  }
0x66: {  	_ =	shalt  }
0x67: {  	_ =	shalt  }
0x68: {  	_ =	shalt  }
0x69: {  	_ =	shalt  }
0x6a: {  	_ =	shalt  }
0x6b: {  	_ =	shalt  }
0x6c: {  	_ =	shalt  }
0x6d: {  	_ =	shalt  }
0x6e: {  	_ =	shalt  }
0x6f: {  	_ =	shalt  }
0x70: {  	_ =	shalt  }
0x71: {  	_ =	shalt  }
0x72: {  	_ =	shalt  }
0x73: {  	_ =	shalt  }
0x74: {  	_ =	shalt  }
0x75: {  	_ =	shalt  }
0x76: {  	_ =	shalt  }
0x77: {  	_ =	shalt  }
0x78: {  	_ =	shalt  }
0x79: {  	_ =	shalt  }
0x7a: {  	_ =	shalt  }
0x7b: {  	_ =	shalt  }
0x7c: {  	_ =	shalt  }
0x7d: {  	_ =	shalt  }
0x7e: {  	_ =	shalt  }
0x7f: {  	_ =	shalt  }
0x80: {  	_ =	shalt  }
0x81: {  	_ =	shalt  }
0x82: {  	_ =	shalt  }
0x83: {  	_ =	shalt  }
0x84: {  	_ =	shalt  }
0x85: {  	_ =	shalt  }
0x86: {  	_ =	shalt  }
0x87: {  	_ =	shalt  }
.Lfunc_end0:
.L_simem_size_0:
called_computation_lowered:
.L_overlay_start_0:
0x88: {  	s2 =	sld [smem:$0x3FD9]  }
0x89: {  	s3 =	sld [smem:$0x3FFE];
	_ =	sdelay $0x1  }
0x8a: {  	s1 =	srdreg.scid  }
0x8b: {  	s0 =	sand.u32 $0x1, s1  }
0x8c: {  	s18 =	sshll.u32 s0, $0xA;
	s2 =	sadd.s32 s3, s2  }
0x8d: {  	s2 =	sadd.s32 s2, s18  }
0x8e: {  	[smem:$0x3FC6] =	sst s2  }
0x8f: {  	_ = 	snop  }
0x90: {  	s2 =	sld [smem:$0x3FC9]  }
0x91: {  	s19 =	sld [smem:$0x3FC8]  }
0x92: {  	s4 =	sld [smem:$0x3FD0];
	(tm) =	ssettm $0x1  }
0x93: {  	s5 =	sld [smem:$0x3FFB];
	_ =	sdelay $0x3  }
0x94: {  	_ =	strace s5  }
0x95: {  	s5 =	sld [smem:$0x3FFC];
	_ =	sdelay $0x3  }
0x96: {  	_ =	strace s5  }
0x97: {  	s5 =	sld [smem:$0x3FFD];
	_ =	sdelay $0x3  }
0x98: {  	_ =	strace s5  }
0x99: {  	_ =	strace $0x8FFFFFFF  }
0x9a: {  	s20 =	sld [smem:$0x3FDB];
	_ =	sdelay $0x1  }
0x9b: {  	s6 =	simm.s32 $_scs_section_size  }
0x9c: {  	s7 =	simm.s32 $_size__tile_overlayer_lowered;
	s8 =	simm.s32 $_tile_overlayer_lowered  }
0x9d: {  	s23 =	simm.s32 $0x1BFF;
	s22 =	sshll.u32 s8, $0x1;
	s5 =	sadd.s32 s6, s20  }
0x9e: {  	s9 =	simm.s32 $0x0;
	s21 =	sshll.u32 s7, $0x1;
	s7 =	sadd.s32 s22, s5  }
0x9f: {  	[timem:s9], [sflag:s23] =	dma.local [hbm:s7], s21  }
0xa0: {  	_ =	swait.ge [sflag:s23], s21  }
0xa1: {  	s6 =	ssub.s32 $0x0, s21;
	[sflag:s23] =	ssyncset.done $0x0  }
0xa2: {  	[sflag:s23] =	ssyncadd.s32 s6;
	_ =	sdelay $0x1  }
0xa3: {  	s24 =	simm.s32 $0x1B8B  }
0xa4: {  	_ =	swait.ge [sflag:s24], $0x1  }
0xa5: {  	[sflag:s24] =	ssyncset.done $0x0  }
0xa6: {  	s25 =	simm.s32 $0x1B8E;
	[sflag:s24] =	ssyncadd.s32 $0xFFFFFFFF  }
0xa7: {  	s26 =	simm.s32 $execute0_lowered;
	[smem:$0x3FD2] =	sst s25  }
0xa8: {  	s6 =	sshll.u32 s26, $0x1;
	_ =	strace $0x80000046;
	[dreg:$0x1] =	wrdreg $0xFFFFFFFF  }
0xa9: {  	s28 =	simm.s32 $_size_execute0_lowered;
	s5 =	sadd.s32 s5, s6;
	[dreg:$0x0] =	wrdreg $0x0  }
0xaa: {  	s6 =	sshll.u32 s28, $0x1;
	[dreg:$0x2] =	wrdreg s5  }
0xab: {  	[dreg:$0x3] =	wrdreg s6  }
0xac: {  	[dreg:$0x4] =	wrdreg $0xC0  }
0xad: {  	_ =	task [dreg:s9], $0x5FFFF  }
0xae: {  	[dreg:$0x1] =	wrdreg $0xFFFFFFFF  }
0xaf: {  	[dreg:$0x0] =	wrdreg $0x60  }
0xb0: {  	[dreg:$0x2] =	wrdreg s2  }
0xb1: {  	[dreg:$0x3] =	wrdreg s19  }
0xb2: {  	[dreg:$0x4] =	wrdreg s4  }
0xb3: {  	[dreg:$0x5] =	wrdreg $0x9  }
0xb4: {  	_ =	task.clear_ibuf [dreg:s9], $0x6FFFF;
	_ =	strace $0x90000046  }
0xb5: {  	s29 =	simm.s32 $0x9;
	_ =	strace $0x80000048  }
0xb6: {  	_ =	swait.ge [sflag:s29], $0x1  }
0xb7: {  	[sflag:s29] =	ssyncadd.s32 $0xFFFFFFFF  }
0xb8: {  	_ =	strace $0x90000048  }
0xb9: {  	_ =	sfence  }
0xba: {  	s30 =	sld [smem:$0x0];
	_ =	sdelay $0x2  }
0xbb: {  	s31 =	sshll.u32 s1, $0xD;
	s1 =	sshrl.u32 s1, $0x2  }
0xbc: {  	s3 =	sand.u32 $0x4000, s31;
	s1 =	sadd.s32 s1, s30  }
0xbd: {  	s0 =	sor.u32 s3, s0;
	s1 =	sshll.u32 s1, $0x11  }
0xbe: {  	s0 =	sor.u32 s1, s0  }
0xbf: {  	s0 =	sadd.s32 $0x8F2B, s0  }
0xc0: {  	[sflag:s0] =	ssyncadd.remote.s32 $0x1  }
0xc1: {  	_ =	sfence.sel $0xFFFF  }
0xc2: {  	[dreg:$0x0] =	wrdreg $0xFFFFFFFF;
	(pc) =	sbr.abs _section_cstart, $3  }
0xc3: {  	[dreg:$0x1] =	wrdreg $0xFFFFFFFF  }
0xc4: {  	_ =	task.clear_ibuf [dreg:s9], $0x2FFFF;
	_ =	strace $0x9FFFFFFF  }
0xc5: {  	(tm) =	ssettm $0x7FFFFFFF  }
tec
execute0_lowered:
.L_overlay_start_1:
0x0: {  	(tag) =	ssettag $0x1  }
0x1: {  	v0 =	vlaneseq.u32  }
0x2: {  	v1 =	vimm.s32 $0x1380;
	vm14 =	vcmask $0x300;
	v2 =	vimm.s32 $0x1FF0  }
0x3: {  	vm13 =	vcmask $0x704;
	vm12 =	vcmask $0xB08;
	vm11 =	vcmask $0xF0C  }
0x4: {  	vm10 =	vcmask $0x1310;
	vm9 =	vcmask $0x1714;
	vm8 =	vcmask $0x1B18  }
0x5: {  	vm6 =	vcmask $0x1F1C;
	vm7 =	vcmask $0x2320;
	vm5 =	vcmask $0x2724  }
0x6: {  	vm4 =	vcmask $0x2B28;
	vm3 =	vcmask $0x2F2C;
	vm2 =	vcmask $0x3330  }
0x7: {  	vm1 =	vcmask $0x3734;
	vm0 =	vcmask $0x3B38;
	v3 =	vimm.s32 $0x1FF1  }
0x8: {  	v4 =	vimm.s32 $0x1FF2;
	v5 =	vimm.s32 $0x1FF3;
	v6 =	vimm.s32 $0x1FF4  }
0x9: {  	v7 =	vimm.s32 $0x1FF5;
	v8 =	vimm.s32 $0x1FF6;
	v9 =	vimm.s32 $0x1FF7  }
0xa: {  	v10 =	vimm.s32 $0x1FF8;
	v11 =	vimm.s32 $0x1FF9;
	v12 =	vimm.s32 $0x1FFA  }
0xb: {  	v13 =	vimm.s32 $0x1FFB;
	v14 =	vimm.s32 $0x1FFC;
	v15 =	vimm.s32 $0x1FFD  }
0xc: {  	v16 =	vimm.s32 $0x1FFE;
	v17 =	vimm.s32 $0x1FFF;
	v1 =	vsel vm14, $0x0, v1  }
0xd: {  	v2 =	vsel vm14, $0xC70, v2;
	v0 =	vmul.u32 $0x80, v0;
	v3 =	vsel vm14, $0xC71, v3  }
0xe: {  	v4 =	vsel vm14, $0xC72, v4;
	v5 =	vsel vm14, $0xC73, v5;
	v6 =	vsel vm14, $0xC74, v6  }
0xf: {  	v7 =	vsel vm14, $0xC75, v7;
	v8 =	vsel vm14, $0xC76, v8;
	v9 =	vsel vm14, $0xC77, v9  }
0x10: {  	v10 =	vsel vm14, $0xC78, v10;
	v11 =	vsel vm14, $0xC79, v11;
	v12 =	vsel vm14, $0xC7A, v12  }
0x11: {  	v13 =	vsel vm14, $0xC7B, v13;
	v14 =	vsel vm14, $0xC7C, v14;
	v15 =	vsel vm14, $0xC7D, v15  }
0x12: {  	v16 =	vsel vm14, $0xC7E, v16;
	v17 =	vsel vm14, $0xC7F, v17;
	v1 =	vsel vm13, $0x80, v1  }
0x13: {  	v2 =	vsel vm13, $0xCF0, v2;
	v3 =	vsel vm13, $0xCF1, v3;
	v4 =	vsel vm13, $0xCF2, v4  }
0x14: {  	v5 =	vsel vm13, $0xCF3, v5;
	v6 =	vsel vm13, $0xCF4, v6;
	v7 =	vsel vm13, $0xCF5, v7  }
0x15: {  	v8 =	vsel vm13, $0xCF6, v8;
	v9 =	vsel vm13, $0xCF7, v9;
	v10 =	vsel vm13, $0xCF8, v10  }
0x16: {  	v11 =	vsel vm13, $0xCF9, v11;
	v12 =	vsel vm13, $0xCFA, v12;
	v13 =	vsel vm13, $0xCFB, v13  }
0x17: {  	v14 =	vsel vm13, $0xCFC, v14;
	v15 =	vsel vm13, $0xCFD, v15;
	v16 =	vsel vm13, $0xCFE, v16  }
0x18: {  	v17 =	vsel vm13, $0xCFF, v17;
	v1 =	vsel vm12, $0x100, v1;
	v2 =	vsel vm12, $0xD70, v2  }
0x19: {  	v3 =	vsel vm12, $0xD71, v3;
	v4 =	vsel vm12, $0xD72, v4;
	v5 =	vsel vm12, $0xD73, v5  }
0x1a: {  	v6 =	vsel vm12, $0xD74, v6;
	v7 =	vsel vm12, $0xD75, v7;
	v8 =	vsel vm12, $0xD76, v8  }
0x1b: {  	v9 =	vsel vm12, $0xD77, v9;
	v10 =	vsel vm12, $0xD78, v10;
	v11 =	vsel vm12, $0xD79, v11  }
0x1c: {  	v12 =	vsel vm12, $0xD7A, v12;
	v13 =	vsel vm12, $0xD7B, v13;
	v14 =	vsel vm12, $0xD7C, v14  }
0x1d: {  	v15 =	vsel vm12, $0xD7D, v15;
	v16 =	vsel vm12, $0xD7E, v16;
	v17 =	vsel vm12, $0xD7F, v17  }
0x1e: {  	v1 =	vsel vm11, $0x180, v1;
	v2 =	vsel vm11, $0xDF0, v2;
	v3 =	vsel vm11, $0xDF1, v3  }
0x1f: {  	v4 =	vsel vm11, $0xDF2, v4;
	v5 =	vsel vm11, $0xDF3, v5;
	v6 =	vsel vm11, $0xDF4, v6  }
0x20: {  	v7 =	vsel vm11, $0xDF5, v7;
	v8 =	vsel vm11, $0xDF6, v8;
	v9 =	vsel vm11, $0xDF7, v9  }
0x21: {  	v10 =	vsel vm11, $0xDF8, v10;
	v11 =	vsel vm11, $0xDF9, v11;
	v12 =	vsel vm11, $0xDFA, v12  }
0x22: {  	v13 =	vsel vm11, $0xDFB, v13;
	v14 =	vsel vm11, $0xDFC, v14;
	v15 =	vsel vm11, $0xDFD, v15  }
0x23: {  	v16 =	vsel vm11, $0xDFE, v16;
	v17 =	vsel vm11, $0xDFF, v17;
	v1 =	vsel vm10, $0x200, v1  }
0x24: {  	v2 =	vsel vm10, $0xE70, v2;
	v3 =	vsel vm10, $0xE71, v3;
	v4 =	vsel vm10, $0xE72, v4  }
0x25: {  	v5 =	vsel vm10, $0xE73, v5;
	v6 =	vsel vm10, $0xE74, v6;
	v7 =	vsel vm10, $0xE75, v7  }
0x26: {  	v8 =	vsel vm10, $0xE76, v8;
	v9 =	vsel vm10, $0xE77, v9;
	v10 =	vsel vm10, $0xE78, v10  }
0x27: {  	v11 =	vsel vm10, $0xE79, v11;
	v12 =	vsel vm10, $0xE7A, v12;
	v13 =	vsel vm10, $0xE7B, v13  }
0x28: {  	v14 =	vsel vm10, $0xE7C, v14;
	v15 =	vsel vm10, $0xE7D, v15;
	v16 =	vsel vm10, $0xE7E, v16  }
0x29: {  	v17 =	vsel vm10, $0xE7F, v17;
	v1 =	vsel vm9, $0x280, v1;
	v2 =	vsel vm9, $0xEF0, v2  }
0x2a: {  	v3 =	vsel vm9, $0xEF1, v3;
	v4 =	vsel vm9, $0xEF2, v4;
	v5 =	vsel vm9, $0xEF3, v5  }
0x2b: {  	v6 =	vsel vm9, $0xEF4, v6;
	v7 =	vsel vm9, $0xEF5, v7;
	v8 =	vsel vm9, $0xEF6, v8  }
0x2c: {  	v9 =	vsel vm9, $0xEF7, v9;
	v10 =	vsel vm9, $0xEF8, v10;
	v11 =	vsel vm9, $0xEF9, v11  }
0x2d: {  	v12 =	vsel vm9, $0xEFA, v12;
	v13 =	vsel vm9, $0xEFB, v13;
	v14 =	vsel vm9, $0xEFC, v14  }
0x2e: {  	v15 =	vsel vm9, $0xEFD, v15;
	v16 =	vsel vm9, $0xEFE, v16;
	v17 =	vsel vm9, $0xEFF, v17  }
0x2f: {  	v1 =	vsel vm8, $0x300, v1;
	v2 =	vsel vm8, $0xF70, v2;
	v3 =	vsel vm8, $0xF71, v3  }
0x30: {  	v4 =	vsel vm8, $0xF72, v4;
	v5 =	vsel vm8, $0xF73, v5;
	v6 =	vsel vm8, $0xF74, v6  }
0x31: {  	v7 =	vsel vm8, $0xF75, v7;
	v8 =	vsel vm8, $0xF76, v8;
	v9 =	vsel vm8, $0xF77, v9  }
0x32: {  	v10 =	vsel vm8, $0xF78, v10;
	v11 =	vsel vm8, $0xF79, v11;
	v12 =	vsel vm8, $0xF7A, v12  }
0x33: {  	v13 =	vsel vm8, $0xF7B, v13;
	v14 =	vsel vm8, $0xF7C, v14;
	v15 =	vsel vm8, $0xF7D, v15  }
0x34: {  	v16 =	vsel vm8, $0xF7E, v16;
	v17 =	vsel vm8, $0xF7F, v17;
	v1 =	vsel vm6, $0x380, v1  }
0x35: {  	v2 =	vsel vm6, $0xFF0, v2;
	v3 =	vsel vm6, $0xFF1, v3;
	v4 =	vsel vm6, $0xFF2, v4  }
0x36: {  	v5 =	vsel vm6, $0xFF3, v5;
	v6 =	vsel vm6, $0xFF4, v6;
	v7 =	vsel vm6, $0xFF5, v7  }
0x37: {  	v8 =	vsel vm6, $0xFF6, v8;
	v9 =	vsel vm6, $0xFF7, v9;
	v10 =	vsel vm6, $0xFF8, v10  }
0x38: {  	v11 =	vsel vm6, $0xFF9, v11;
	v12 =	vsel vm6, $0xFFA, v12;
	v13 =	vsel vm6, $0xFFB, v13  }
0x39: {  	v14 =	vsel vm6, $0xFFC, v14;
	v15 =	vsel vm6, $0xFFD, v15;
	v16 =	vsel vm6, $0xFFE, v16  }
0x3a: {  	v17 =	vsel vm6, $0xFFF, v17;
	v1 =	vsel vm7, $0x1000, v1;
	v2 =	vsel vm7, $0x1C70, v2  }
0x3b: {  	v3 =	vsel vm7, $0x1C71, v3;
	v4 =	vsel vm7, $0x1C72, v4;
	v5 =	vsel vm7, $0x1C73, v5  }
0x3c: {  	v6 =	vsel vm7, $0x1C74, v6;
	v7 =	vsel vm7, $0x1C75, v7;
	v8 =	vsel vm7, $0x1C76, v8  }
0x3d: {  	v9 =	vsel vm7, $0x1C77, v9;
	v10 =	vsel vm7, $0x1C78, v10;
	v11 =	vsel vm7, $0x1C79, v11  }
0x3e: {  	v12 =	vsel vm7, $0x1C7A, v12;
	v13 =	vsel vm7, $0x1C7B, v13;
	v14 =	vsel vm7, $0x1C7C, v14  }
0x3f: {  	v15 =	vsel vm7, $0x1C7D, v15;
	v16 =	vsel vm7, $0x1C7E, v16;
	v17 =	vsel vm7, $0x1C7F, v17  }
0x40: {  	v1 =	vsel vm5, $0x1080, v1;
	v2 =	vsel vm5, $0x1CF0, v2;
	v3 =	vsel vm5, $0x1CF1, v3  }
0x41: {  	v4 =	vsel vm5, $0x1CF2, v4;
	v5 =	vsel vm5, $0x1CF3, v5;
	v6 =	vsel vm5, $0x1CF4, v6  }
0x42: {  	v7 =	vsel vm5, $0x1CF5, v7;
	v8 =	vsel vm5, $0x1CF6, v8;
	v9 =	vsel vm5, $0x1CF7, v9  }
0x43: {  	v10 =	vsel vm5, $0x1CF8, v10;
	v11 =	vsel vm5, $0x1CF9, v11;
	v12 =	vsel vm5, $0x1CFA, v12  }
0x44: {  	v13 =	vsel vm5, $0x1CFB, v13;
	v14 =	vsel vm5, $0x1CFC, v14;
	v15 =	vsel vm5, $0x1CFD, v15  }
0x45: {  	v16 =	vsel vm5, $0x1CFE, v16;
	v17 =	vsel vm5, $0x1CFF, v17;
	v1 =	vsel vm4, $0x1100, v1  }
0x46: {  	v2 =	vsel vm4, $0x1D70, v2;
	v3 =	vsel vm4, $0x1D71, v3;
	v4 =	vsel vm4, $0x1D72, v4  }
0x47: {  	v5 =	vsel vm4, $0x1D73, v5;
	v6 =	vsel vm4, $0x1D74, v6;
	v7 =	vsel vm4, $0x1D75, v7  }
0x48: {  	v8 =	vsel vm4, $0x1D76, v8;
	v9 =	vsel vm4, $0x1D77, v9;
	v10 =	vsel vm4, $0x1D78, v10  }
0x49: {  	v11 =	vsel vm4, $0x1D79, v11;
	v12 =	vsel vm4, $0x1D7A, v12;
	v13 =	vsel vm4, $0x1D7B, v13  }
0x4a: {  	v14 =	vsel vm4, $0x1D7C, v14;
	v15 =	vsel vm4, $0x1D7D, v15;
	v16 =	vsel vm4, $0x1D7E, v16  }
0x4b: {  	v17 =	vsel vm4, $0x1D7F, v17;
	v1 =	vsel vm3, $0x1180, v1;
	v2 =	vsel vm3, $0x1DF0, v2  }
0x4c: {  	v3 =	vsel vm3, $0x1DF1, v3;
	v4 =	vsel vm3, $0x1DF2, v4;
	v5 =	vsel vm3, $0x1DF3, v5  }
0x4d: {  	v6 =	vsel vm3, $0x1DF4, v6;
	v7 =	vsel vm3, $0x1DF5, v7;
	v8 =	vsel vm3, $0x1DF6, v8  }
0x4e: {  	v9 =	vsel vm3, $0x1DF7, v9;
	v10 =	vsel vm3, $0x1DF8, v10;
	v11 =	vsel vm3, $0x1DF9, v11  }
0x4f: {  	v12 =	vsel vm3, $0x1DFA, v12;
	v13 =	vsel vm3, $0x1DFB, v13;
	v14 =	vsel vm3, $0x1DFC, v14  }
0x50: {  	v15 =	vsel vm3, $0x1DFD, v15;
	v16 =	vsel vm3, $0x1DFE, v16;
	v17 =	vsel vm3, $0x1DFF, v17  }
0x51: {  	v1 =	vsel vm2, $0x1200, v1;
	v2 =	vsel vm2, $0x1E70, v2;
	v3 =	vsel vm2, $0x1E71, v3  }
0x52: {  	v4 =	vsel vm2, $0x1E72, v4;
	v5 =	vsel vm2, $0x1E73, v5;
	v6 =	vsel vm2, $0x1E74, v6  }
0x53: {  	v7 =	vsel vm2, $0x1E75, v7;
	v8 =	vsel vm2, $0x1E76, v8;
	v9 =	vsel vm2, $0x1E77, v9  }
0x54: {  	v10 =	vsel vm2, $0x1E78, v10;
	v11 =	vsel vm2, $0x1E79, v11;
	v12 =	vsel vm2, $0x1E7A, v12  }
0x55: {  	v13 =	vsel vm2, $0x1E7B, v13;
	v14 =	vsel vm2, $0x1E7C, v14;
	v15 =	vsel vm2, $0x1E7D, v15  }
0x56: {  	v16 =	vsel vm2, $0x1E7E, v16;
	v17 =	vsel vm2, $0x1E7F, v17;
	v1 =	vsel vm1, $0x1280, v1  }
0x57: {  	s1 =	rddreg [dreg:$0x0];
	v2 =	vsel vm1, $0x1EF0, v2;
	v3 =	vsel vm1, $0x1EF1, v3;
	v4 =	vsel vm1, $0x1EF2, v4  }
0x58: {  	s0 =	rddreg [dreg:$0x1];
	v5 =	vsel vm1, $0x1EF3, v5;
	v6 =	vsel vm1, $0x1EF4, v6;
	v7 =	vsel vm1, $0x1EF5, v7  }
0x59: {  	s2 =	srdreg.scid;
	s5 =	rddreg [dreg:$0x2];
	v8 =	vsel vm1, $0x1EF6, v8;
	v9 =	vsel vm1, $0x1EF7, v9;
	v10 =	vsel vm1, $0x1EF8, v10  }
0x5a: {  	s3 =	stileid.u32;
	s26 =	simm.s32 $0x0;
	s8 =	simm.s32 $0x2;
	v11 =	vsel vm1, $0x1EF9, v11;
	v12 =	vsel vm1, $0x1EFA, v12;
	v13 =	vsel vm1, $0x1EFB, v13  }
0x5b: {  	s9 =	simm.s32 $0x7A1400;
	s28 =	simm.s32 $0x10200;
	s2 =	sand.u32 $0x1, s2;
	v14 =	vsel vm1, $0x1EFC, v14;
	v15 =	vsel vm1, $0x1EFD, v15;
	v16 =	vsel vm1, $0x1EFE, v16  }
0x5c: {  	s4 =	sshll.u32 s3, $0xA;
	[smem:$0x7FF] =	sst s26;
	s6 =	sshll.u32 s2, $0x9;
	v17 =	vsel vm1, $0x1EFF, v17;
	v1 =	vsel vm0, $0x1300, v1;
	v2 =	vsel vm0, $0x1F70, v2  }
0x5d: {  	s2 =	ssub.s32 $0x2, s2;
	_ =	strace $0x80000047;
	s6 =	sor.u32 s6, s4;
	v3 =	vsel vm0, $0x1F71, v3;
	v4 =	vsel vm0, $0x1F72, v4;
	v5 =	vsel vm0, $0x1F73, v5  }
0x5e: {  	s29 =	sshrl.u32 s2, $0x1;
	s7 =	sshrl.u32 s6, $0x3;
	s30 =	sadd.s32 s5, s6;
	v6 =	vsel vm0, $0x1F74, v6;
	v7 =	vsel vm0, $0x1F75, v7;
	v8 =	vsel vm0, $0x1F76, v8  }
0x5f: {  	s2 =	ssub.s32 s2, s29;
	s1 =	sadd.s32 s1, s7;
	[dreg:$0x5] =	wrdreg s30;
	v9 =	vsel vm0, $0x1F77, v9;
	v10 =	vsel vm0, $0x1F78, v10;
	v11 =	vsel vm0, $0x1F79, v11  }
0x60: {  	s23 =	simm.s32 $0x0;
	s31 =	smax.u32 s2, $0x1;
	[dreg:$0x4] =	wrdreg s1;
	v12 =	vsel vm0, $0x1F7A, v12;
	v13 =	vsel vm0, $0x1F7B, v13;
	v14 =	vsel vm0, $0x1F7C, v14  }
0x61: {  	s26 =	simm.s32 $0x1;
	s7 =	simm.s32 $0x400;
	[dreg:$0x6] =	wrdreg s31;
	v15 =	vsel vm0, $0x1F7D, v15;
	v16 =	vsel vm0, $0x1F7E, v16;
	v17 =	vsel vm0, $0x1F7F, v17  }
.LBB2_1:
0x62: {  	s3 =	simm.s32 $0x0;
	s1 =	rddreg [dreg:$0x4]  }
0x63: {  	[tilespmem:s3], [sflag:$0x2] =	stream.linear.gather [hbm4b:s1+s3], $0x200, $0x38;
	[tilespmem:$0x12200] =	vst v63  }
0x64: {  	_ =	swait.ge [sflag:s8], $0x200  }
0x65: {  	[sflag:s8] =	ssyncset.done $0x0  }
0x66: {  	[sflag:s8] =	ssyncadd.s32 $0xFFFFFE00  }
0x67: {  	v18 =	vld [tilespmem:$0x0];
	_ =	sdelay $0x4  }
0x68: {  	(v2sf) =	vpush v18, $0x2  }
0x69: {  	(v2sf) =	vpush v18, $0x3  }
0x6a: {  	(v2sf) =	vpush v18, $0x4  }
0x6b: {  	(v2sf) =	vpush v18, $0x5  }
0x6c: {  	(v2sf) =	vpush v18, $0x6  }
0x6d: {  	(v2sf) =	vpush v18, $0x7  }
0x6e: {  	(v2sf) =	vpush v18, $0x8  }
0x6f: {  	(v2sf) =	vpush v18, $0x9  }
0x70: {  	(v2sf) =	vpush v18, $0xA  }
0x71: {  	(v2sf) =	vpush v18, $0xB  }
0x72: {  	(v2sf) =	vpush v18, $0xC  }
0x73: {  	(v2sf) =	vpush v18, $0xD  }
0x74: {  	(v2sf) =	vpush v18, $0xE  }
0x75: {  	(v2sf) =	vpush v18, $0xF  }
0x76: {  	(v2sf) =	vpush v18, $0x0  }
0x77: {  	s5 =	spop (v2sf)  }
0x78: {  	s2 =	spop (v2sf)  }
0x79: {  	s10 =	spop (v2sf)  }
0x7a: {  	s11 =	spop (v2sf);
	(v2sf) =	vpush v18, $0x1  }
0x7b: {  	s12 =	spop (v2sf)  }
0x7c: {  	s13 =	spop (v2sf)  }
0x7d: {  	s14 =	spop (v2sf)  }
0x7e: {  	s15 =	spop (v2sf)  }
0x7f: {  	s16 =	spop (v2sf)  }
0x80: {  	s17 =	spop (v2sf)  }
0x81: {  	s18 =	spop (v2sf)  }
0x82: {  	s19 =	spop (v2sf)  }
0x83: {  	s20 =	spop (v2sf)  }
0x84: {  	s21 =	spop (v2sf)  }
0x85: {  	s22 =	spop (v2sf)  }
0x86: {  	s22 =	sand.u32 $0xFFFFF80, s22  }
0x87: {  	s4 =	simm.s32 $0x200;
	s22 =	sadd.s32 s0, s22  }
0x88: {  	[tilespmem:s4], [sflag:$0x1] =	stream.strided.gather [hbm4b:s22+s7], $0x800, s9, s7, $0x38;
	[tilespmem:$0x12200] =	vst v63  }
0x89: {  	s6 =	spop (v2sf)  }
0x8a: {  	s22 =	sand.u32 $0xFFFFF80, s6  }
0x8b: {  	s24 =	simm.s32 $0xA00;
	s1 =	sand.u32 $0xFFFFF80, s5;
	s22 =	sadd.s32 s0, s22  }
0x8c: {  	[tilespmem:s24], [sflag:$0x1] =	stream.strided.gather [hbm4b:s22+s7], $0x800, s9, s7, $0x38;
	[tilespmem:$0x12200] =	vst v63  }
0x8d: {  	s25 =	simm.s32 $0x1200;
	s1 =	sadd.s32 s0, s1;
	s4 =	sand.u32 $0xFFFFF80, s2  }
0x8e: {  	[tilespmem:s25], [sflag:$0x1] =	stream.strided.gather [hbm4b:s1+s7], $0x800, s9, s7, $0x38;
	[tilespmem:$0x12200] =	vst v63  }
0x8f: {  	s5 =	simm.s32 $0x1A00;
	s6 =	sand.u32 $0xFFFFF80, s10;
	s1 =	sadd.s32 s0, s4  }
0x90: {  	[tilespmem:s5], [sflag:$0x1] =	stream.strided.gather [hbm4b:s1+s7], $0x800, s9, s7, $0x38;
	[tilespmem:$0x12200] =	vst v63  }
0x91: {  	s11 =	sand.u32 $0xFFFFF80, s11;
	s10 =	simm.s32 $0x2200;
	s1 =	sadd.s32 s0, s6  }
0x92: {  	[tilespmem:s10], [sflag:$0x1] =	stream.strided.gather [hbm4b:s1+s7], $0x800, s9, s7, $0x38;
	[tilespmem:$0x12200] =	vst v63  }
0x93: {  	s22 =	simm.s32 $0x2A00;
	s24 =	sand.u32 $0xFFFFF80, s12;
	s1 =	sadd.s32 s0, s11  }
0x94: {  	[tilespmem:s22], [sflag:$0x1] =	stream.strided.gather [hbm4b:s1+s7], $0x800, s9, s7, $0x38;
	[tilespmem:$0x12200] =	vst v63  }
0x95: {  	s25 =	simm.s32 $0x3200;
	s4 =	sand.u32 $0xFFFFF80, s13;
	s1 =	sadd.s32 s0, s24  }
0x96: {  	[tilespmem:s25], [sflag:$0x1] =	stream.strided.gather [hbm4b:s1+s7], $0x800, s9, s7, $0x38;
	[tilespmem:$0x12200] =	vst v63  }
0x97: {  	s5 =	simm.s32 $0x3A00;
	s6 =	sand.u32 $0xFFFFF80, s14;
	s1 =	sadd.s32 s0, s4  }
0x98: {  	[tilespmem:s5], [sflag:$0x1] =	stream.strided.gather [hbm4b:s1+s7], $0x800, s9, s7, $0x38;
	[tilespmem:$0x12200] =	vst v63  }
0x99: {  	s10 =	simm.s32 $0x4200;
	s11 =	sand.u32 $0xFFFFF80, s15;
	s1 =	sadd.s32 s0, s6  }
0x9a: {  	[tilespmem:s10], [sflag:$0x1] =	stream.strided.gather [hbm4b:s1+s7], $0x800, s9, s7, $0x38;
	[tilespmem:$0x12200] =	vst v63  }
0x9b: {  	s12 =	simm.s32 $0x4A00;
	s13 =	sand.u32 $0xFFFFF80, s16;
	s1 =	sadd.s32 s0, s11  }
0x9c: {  	[tilespmem:s12], [sflag:$0x1] =	stream.strided.gather [hbm4b:s1+s7], $0x800, s9, s7, $0x38;
	[tilespmem:$0x12200] =	vst v63  }
0x9d: {  	s14 =	simm.s32 $0x5200;
	s15 =	sand.u32 $0xFFFFF80, s17;
	s1 =	sadd.s32 s0, s13  }
0x9e: {  	[tilespmem:s14], [sflag:$0x1] =	stream.strided.gather [hbm4b:s1+s7], $0x800, s9, s7, $0x38;
	[tilespmem:$0x12200] =	vst v63  }
0x9f: {  	s16 =	simm.s32 $0x5A00;
	s17 =	sand.u32 $0xFFFFF80, s18;
	s1 =	sadd.s32 s0, s15  }
0xa0: {  	[tilespmem:s16], [sflag:$0x1] =	stream.strided.gather [hbm4b:s1+s7], $0x800, s9, s7, $0x38;
	[tilespmem:$0x12200] =	vst v63  }
0xa1: {  	s19 =	sand.u32 $0xFFFFF80, s19;
	s18 =	simm.s32 $0x6200;
	s1 =	sadd.s32 s0, s17  }
0xa2: {  	[tilespmem:s18], [sflag:$0x1] =	stream.strided.gather [hbm4b:s1+s7], $0x800, s9, s7, $0x38;
	[tilespmem:$0x12200] =	vst v63  }
0xa3: {  	s22 =	simm.s32 $0x6A00;
	s24 =	sand.u32 $0xFFFFF80, s20;
	s1 =	sadd.s32 s0, s19  }
0xa4: {  	[tilespmem:s22], [sflag:$0x1] =	stream.strided.gather [hbm4b:s1+s7], $0x800, s9, s7, $0x38;
	[tilespmem:$0x12200] =	vst v63  }
0xa5: {  	s2 =	sand.u32 $0xFFFFF80, s21;
	s25 =	simm.s32 $0x7200;
	s1 =	sadd.s32 s0, s24  }
0xa6: {  	[tilespmem:s25], [sflag:$0x1] =	stream.strided.gather [hbm4b:s1+s7], $0x800, s9, s7, $0x38;
	[tilespmem:$0x12200] =	vst v63  }
0xa7: {  	s4 =	simm.s32 $0x7A00;
	s24 =	simm.s32 $0x10;
	s1 =	sadd.s32 s0, s2  }
0xa8: {  	[tilespmem:s4], [sflag:$0x1] =	stream.strided.gather [hbm4b:s1+s7], $0x800, s9, s7, $0x38;
	[tilespmem:$0x12200] =	vst v63  }
0xa9: {  	v18 =	vld [tilespmem:s24+$0x0];
	_ =	sdelay $0x4  }
0xaa: {  	(v2sf) =	vpush v18, $0x0  }
0xab: {  	(v2sf) =	vpush v18, $0x1  }
0xac: {  	(v2sf) =	vpush v18, $0x2;
	_ =	sdelay $0x1  }
0xad: {  	(v2sf) =	vpush v18, $0x3;
	_ =	sdelay $0x1  }
0xae: {  	(v2sf) =	vpush v18, $0x4;
	_ =	sdelay $0x1  }
0xaf: {  	(v2sf) =	vpush v18, $0x5  }
0xb0: {  	s25 =	simm.s32 $0x8000  }
0xb1: {  	s1 =	sand.u32 $0x8000, s25;
	(v2sf) =	vpush v18, $0x6  }
0xb2: {  	s12 =	sor.u32 $0x1A00, s1;
	s13 =	sor.u32 $0x2200, s1  }
0xb3: {  	s5 =	sor.u32 $0x200, s1;
	s15 =	sor.u32 $0x1200, s1;
	s6 =	sor.u32 $0xA00, s1;
	(v2sf) =	vpush v18, $0x7  }
0xb4: {  	s11 =	sor.u32 $0x5A00, s1;
	s10 =	sor.u32 $0x6200, s1;
	s2 =	sor.u32 $0x6A00, s1  }
0xb5: {  	s17 =	sor.u32 $0x4200, s1;
	s18 =	sor.u32 $0x4A00, s1;
	s20 =	sor.u32 $0x5200, s1;
	(v2sf) =	vpush v18, $0x8  }
0xb6: {  	s21 =	sor.u32 $0x3200, s1;
	s14 =	sor.u32 $0x2A00, s1;
	s22 =	spop (v2sf)  }
0xb7: {  	(v2sf) =	vpush v18, $0x9;
	s19 =	sand.u32 $0xFFFFF80, s22;
	s22 =	sor.u32 $0x3A00, s1;
	s29 =	spop (v2sf)  }
0xb8: {  	s19 =	sadd.s32 s0, s19;
	s4 =	sand.u32 $0xFFFFF80, s29;
	s29 =	spop (v2sf)  }
0xb9: {  	(v2sf) =	vpush v18, $0xA;
	[tilespmem:s5], [sflag:$0x1] =	stream.strided.gather [hbm4b:s19+s7], $0x800, s9, s7, $0x38;
	[tilespmem:$0x12200] =	vst v63  }
0xba: {  	s19 =	sadd.s32 s0, s4;
	s29 =	sand.u32 $0xFFFFF80, s29;
	s30 =	spop (v2sf)  }
0xbb: {  	(v2sf) =	vpush v18, $0xB;
	[tilespmem:s6], [sflag:$0x1] =	stream.strided.gather [hbm4b:s19+s7], $0x800, s9, s7, $0x38;
	[tilespmem:$0x12200] =	vst v63  }
0xbc: {  	s5 =	sadd.s32 s0, s29;
	s29 =	spop (v2sf);
	s6 =	sand.u32 $0xFFFFF80, s30  }
0xbd: {  	(v2sf) =	vpush v18, $0xC;
	[tilespmem:s15], [sflag:$0x1] =	stream.strided.gather [hbm4b:s5+s7], $0x800, s9, s7, $0x38;
	[tilespmem:$0x12200] =	vst v63  }
0xbe: {  	s4 =	sadd.s32 s0, s6;
	s6 =	spop (v2sf);
	s5 =	sand.u32 $0xFFFFF80, s29  }
0xbf: {  	(v2sf) =	vpush v18, $0xD;
	[tilespmem:s12], [sflag:$0x1] =	stream.strided.gather [hbm4b:s4+s7], $0x800, s9, s7, $0x38;
	[tilespmem:$0x12200] =	vst v63  }
0xc0: {  	s16 =	sand.u32 $0xFFFFF80, s6;
	s19 =	spop (v2sf);
	s15 =	sadd.s32 s0, s5  }
0xc1: {  	(v2sf) =	vpush v18, $0xE;
	[tilespmem:s13], [sflag:$0x1] =	stream.strided.gather [hbm4b:s15+s7], $0x800, s9, s7, $0x38;
	[tilespmem:$0x12200] =	vst v63  }
0xc2: {  	s5 =	sand.u32 $0xFFFFF80, s19;
	s6 =	spop (v2sf);
	s4 =	sadd.s32 s0, s16  }
0xc3: {  	(v2sf) =	vpush v18, $0xF;
	[tilespmem:s14], [sflag:$0x1] =	stream.strided.gather [hbm4b:s4+s7], $0x800, s9, s7, $0x38;
	[tilespmem:$0x12200] =	vst v63  }
0xc4: {  	s13 =	sadd.s32 s0, s5;
	s15 =	spop (v2sf);
	s14 =	sand.u32 $0xFFFFF80, s6  }
0xc5: {  	[tilespmem:s21], [sflag:$0x1] =	stream.strided.gather [hbm4b:s13+s7], $0x800, s9, s7, $0x38;
	[tilespmem:$0x12200] =	vst v63  }
0xc6: {  	s19 =	sand.u32 $0xFFFFF80, s15;
	s16 =	sadd.s32 s0, s14;
	s21 =	spop (v2sf)  }
0xc7: {  	[tilespmem:s22], [sflag:$0x1] =	stream.strided.gather [hbm4b:s16+s7], $0x800, s9, s7, $0x38;
	[tilespmem:$0x12200] =	vst v63  }
0xc8: {  	s4 =	sadd.s32 s0, s19;
	s5 =	sand.u32 $0xFFFFF80, s21;
	s6 =	spop (v2sf)  }
0xc9: {  	[tilespmem:s17], [sflag:$0x1] =	stream.strided.gather [hbm4b:s4+s7], $0x800, s9, s7, $0x38;
	[tilespmem:$0x12200] =	vst v63  }
0xca: {  	s15 =	sadd.s32 s0, s5;
	s16 =	sand.u32 $0xFFFFF80, s6;
	s17 =	spop (v2sf)  }
0xcb: {  	[tilespmem:s18], [sflag:$0x1] =	stream.strided.gather [hbm4b:s15+s7], $0x800, s9, s7, $0x38;
	[tilespmem:$0x12200] =	vst v63  }
0xcc: {  	s19 =	sadd.s32 s0, s16;
	s21 =	sand.u32 $0xFFFFF80, s17;
	s22 =	spop (v2sf)  }
0xcd: {  	[tilespmem:s20], [sflag:$0x1] =	stream.strided.gather [hbm4b:s19+s7], $0x800, s9, s7, $0x38;
	[tilespmem:$0x12200] =	vst v63  }
0xce: {  	s4 =	sadd.s32 s0, s21;
	s5 =	sand.u32 $0xFFFFF80, s22;
	s6 =	spop (v2sf)  }
0xcf: {  	[tilespmem:s11], [sflag:$0x1] =	stream.strided.gather [hbm4b:s4+s7], $0x800, s9, s7, $0x38;
	[tilespmem:$0x12200] =	vst v63  }
0xd0: {  	s15 =	sadd.s32 s0, s5;
	s16 =	sand.u32 $0xFFFFF80, s6;
	s17 =	spop (v2sf)  }
0xd1: {  	[tilespmem:s10], [sflag:$0x1] =	stream.strided.gather [hbm4b:s15+s7], $0x800, s9, s7, $0x38;
	[tilespmem:$0x12200] =	vst v63  }
0xd2: {  	s18 =	sadd.s32 s0, s16;
	s19 =	sand.u32 $0xFFFFF80, s17;
	s20 =	spop (v2sf)  }
0xd3: {  	[tilespmem:s2], [sflag:$0x1] =	stream.strided.gather [hbm4b:s18+s7], $0x800, s9, s7, $0x38;
	[tilespmem:$0x12200] =	vst v63  }
0xd4: {  	s21 =	sor.u32 $0x7200, s1;
	s22 =	sadd.s32 s0, s19;
	s4 =	sand.u32 $0xFFFFF80, s20  }
0xd5: {  	[tilespmem:s21], [sflag:$0x1] =	stream.strided.gather [hbm4b:s22+s7], $0x800, s9, s7, $0x38;
	[tilespmem:$0x12200] =	vst v63  }
0xd6: {  	s1 =	sor.u32 $0x7A00, s1;
	s5 =	sadd.s32 s0, s4  }
0xd7: {  	[tilespmem:s1], [sflag:$0x1] =	stream.strided.gather [hbm4b:s5+s7], $0x800, s9, s7, $0x38;
	[tilespmem:$0x12200] =	vst v63  }
0xd8: {  	v18 =	vld [tilespmem:s24+$0xFFFFFFF0]  }
0xd9: {  	_ =	swait.ge [sflag:s26], $0x800  }
0xda: {  	[sflag:s26] =	ssyncset.done $0x0  }
0xdb: {  	[sflag:s26] =	ssyncadd.s32 $0xFFFFF800  }
0xdc: {  	_ =	swait.ge [sflag:s26], $0x800  }
0xdd: {  	[sflag:s26] =	ssyncset.done $0x0;
	(v2sf) =	vpush v18, $0x0  }
0xde: {  	[sflag:s26] =	ssyncadd.s32 $0xFFFFF800;
	(v2sf) =	vpush v18, $0x1  }
0xdf: {  	_ =	swait.ge [sflag:s26], $0x800  }
0xe0: {  	(v2sf) =	vpush v18, $0x2  }
0xe1: {  	[sflag:s26] =	ssyncset.done $0x0;
	(v2sf) =	vpush v18, $0x3  }
0xe2: {  	[sflag:s26] =	ssyncadd.s32 $0xFFFFF800;
	(v2sf) =	vpush v18, $0x4  }
0xe3: {  	_ =	swait.ge [sflag:s26], $0x800  }
0xe4: {  	(v2sf) =	vpush v18, $0x5  }
0xe5: {  	[sflag:s26] =	ssyncset.done $0x0;
	(v2sf) =	vpush v18, $0x6  }
0xe6: {  	[sflag:s26] =	ssyncadd.s32 $0xFFFFF800;
	(v2sf) =	vpush v18, $0x7  }
0xe7: {  	_ =	swait.ge [sflag:s26], $0x800  }
0xe8: {  	(v2sf) =	vpush v18, $0x8  }
0xe9: {  	[sflag:s26] =	ssyncset.done $0x0;
	(v2sf) =	vpush v18, $0x9  }
0xea: {  	[sflag:s26] =	ssyncadd.s32 $0xFFFFF800;
	(v2sf) =	vpush v18, $0xA  }
0xeb: {  	_ =	swait.ge [sflag:s26], $0x800  }
0xec: {  	(v2sf) =	vpush v18, $0xB  }
0xed: {  	[sflag:s26] =	ssyncset.done $0x0;
	(v2sf) =	vpush v18, $0xC  }
0xee: {  	[sflag:s26] =	ssyncadd.s32 $0xFFFFF800;
	(v2sf) =	vpush v18, $0xD  }
0xef: {  	_ =	swait.ge [sflag:s26], $0x800  }
0xf0: {  	(v2sf) =	vpush v18, $0xE;
	[sflag:s26] =	ssyncset.done $0x0;
	s6 =	spop (v2sf)  }
0xf1: {  	(v2sf) =	vpush v18, $0xF;
	[sflag:s26] =	ssyncadd.s32 $0xFFFFF800;
	s29 =	spop (v2sf)  }
0xf2: {  	_ =	swait.ge [sflag:s26], $0x800  }
0xf3: {  	s21 =	spop (v2sf)  }
0xf4: {  	[sflag:s26] =	ssyncset.done $0x0;
	s20 =	spop (v2sf)  }
0xf5: {  	[sflag:s26] =	ssyncadd.s32 $0xFFFFF800;
	s19 =	spop (v2sf)  }
0xf6: {  	_ =	swait.ge [sflag:s26], $0x800  }
0xf7: {  	s18 =	spop (v2sf)  }
0xf8: {  	[sflag:s26] =	ssyncset.done $0x0;
	s17 =	spop (v2sf)  }
0xf9: {  	[sflag:s26] =	ssyncadd.s32 $0xFFFFF800;
	s16 =	spop (v2sf)  }
0xfa: {  	_ =	swait.ge [sflag:s26], $0x800  }
0xfb: {  	s15 =	spop (v2sf)  }
0xfc: {  	[sflag:s26] =	ssyncset.done $0x0;
	s14 =	spop (v2sf)  }
0xfd: {  	[sflag:s26] =	ssyncadd.s32 $0xFFFFF800;
	s13 =	spop (v2sf)  }
0xfe: {  	_ =	swait.ge [sflag:s26], $0x800  }
0xff: {  	s12 =	spop (v2sf)  }
0x100: {  	[sflag:s26] =	ssyncset.done $0x0;
	s11 =	spop (v2sf)  }
0x101: {  	[sflag:s26] =	ssyncadd.s32 $0xFFFFF800;
	s10 =	spop (v2sf)  }
0x102: {  	_ =	swait.ge [sflag:s26], $0x800  }
0x103: {  	s1 =	spop (v2sf);
	[sflag:s26] =	ssyncset.done $0x0  }
0x104: {  	s2 =	spop (v2sf);
	[sflag:s26] =	ssyncadd.s32 $0xFFFFF800  }
0x105: {  	_ =	swait.ge [sflag:s26], $0x800  }
0x106: {  	[sflag:s26] =	ssyncset.done $0x0  }
0x107: {  	[sflag:s26] =	ssyncadd.s32 $0xFFFFF800  }
0x108: {  	_ =	swait.ge [sflag:s26], $0x800  }
0x109: {  	[sflag:s26] =	ssyncset.done $0x0  }
0x10a: {  	[sflag:s26] =	ssyncadd.s32 $0xFFFFF800  }
0x10b: {  	s22 =	sand.u32 $0x7F, s6;
	_ =	swait.ge [sflag:s26], $0x800  }
0x10c: {  	s4 =	simm.s32 $0x0;
	v18 =	vor.u32 s22, v0;
	[sflag:s26] =	ssyncset.done $0x0  }
0x10d: {  	v19 =	vmov s4;
	[sflag:s26] =	ssyncadd.s32 $0xFFFFF800  }
0x10e: {  	v20 =	vshll.u32 v19, $0x3;
	_ =	swait.ge [sflag:s26], $0x800  }
0x10f: {  	s31 =	sand.u32 $0x8000, s3;
	v19 =	vand.u32 $0x70, v19;
	v20 =	vand.u32 $0xC00, v20;
	[sflag:s26] =	ssyncset.done $0x0  }
0x110: {  	v19 =	vor.u32 v20, v19;
	s5 =	sor.u32 $0x200, s31;
	[sflag:s26] =	ssyncadd.s32 $0xFFFFF800  }
0x111: {  	v19 =	vor.u32 v1, v19;
	s6 =	sand.u32 $0x7F, s29;
	v18 =	vld.idx.msk [tilespmem:v18+s5+$0x0], $0xffff  }
0x112: {  	s3 =	simm.s32 $0x1;
	v20 =	vor.u32 s6, v0  }
0x113: {  	v21 =	vmov s3  }
0x114: {  	v22 =	vshll.u32 v21, $0x3  }
0x115: {  	v21 =	vand.u32 $0x71, v21;
	v22 =	vand.u32 $0xC00, v22  }
0x116: {  	v21 =	vor.u32 v22, v21;
	s4 =	sor.u32 $0xA00, s31;
	[tilespmem:v19+s28+$0x0] =	vst.idx.msk $0xffff, v18  }
0x117: {  	s21 =	sand.u32 $0x7F, s21;
	v19 =	vor.u32 v1, v21;
	v18 =	vld.idx.msk [tilespmem:v20+s4+$0x0], $0xffff  }
0x118: {  	s5 =	simm.s32 $0x2;
	v20 =	vor.u32 s21, v0  }
0x119: {  	v21 =	vmov s5  }
0x11a: {  	v22 =	vshll.u32 v21, $0x3  }
0x11b: {  	v21 =	vand.u32 $0x72, v21;
	v22 =	vand.u32 $0xC00, v22  }
0x11c: {  	s6 =	sor.u32 $0x1200, s31;
	v21 =	vor.u32 v22, v21;
	[tilespmem:v19+s28+$0x0] =	vst.idx.msk $0xffff, v18  }
0x11d: {  	s20 =	sand.u32 $0x7F, s20;
	v19 =	vor.u32 v1, v21;
	v18 =	vld.idx.msk [tilespmem:v20+s6+$0x0], $0xffff  }
0x11e: {  	s21 =	simm.s32 $0x3;
	v20 =	vor.u32 s20, v0  }
0x11f: {  	v21 =	vmov s21  }
0x120: {  	v22 =	vshll.u32 v21, $0x3  }
0x121: {  	v21 =	vand.u32 $0x73, v21;
	v22 =	vand.u32 $0xC00, v22  }
0x122: {  	s22 =	sor.u32 $0x1A00, s31;
	v21 =	vor.u32 v22, v21;
	[tilespmem:v19+s28+$0x0] =	vst.idx.msk $0xffff, v18  }
0x123: {  	s19 =	sand.u32 $0x7F, s19;
	v19 =	vor.u32 v1, v21;
	v18 =	vld.idx.msk [tilespmem:v20+s22+$0x0], $0xffff  }
0x124: {  	s3 =	simm.s32 $0x4;
	v20 =	vor.u32 s19, v0  }
0x125: {  	v21 =	vmov s3  }
0x126: {  	v22 =	vshll.u32 v21, $0x3  }
0x127: {  	v21 =	vand.u32 $0x74, v21;
	v22 =	vand.u32 $0xC00, v22  }
0x128: {  	s4 =	sor.u32 $0x2200, s31;
	v21 =	vor.u32 v22, v21;
	[tilespmem:v19+s28+$0x0] =	vst.idx.msk $0xffff, v18  }
0x129: {  	s18 =	sand.u32 $0x7F, s18;
	v19 =	vor.u32 v1, v21;
	v18 =	vld.idx.msk [tilespmem:v20+s4+$0x0], $0xffff  }
0x12a: {  	s5 =	simm.s32 $0x5;
	v20 =	vor.u32 s18, v0  }
0x12b: {  	v21 =	vmov s5  }
0x12c: {  	v22 =	vshll.u32 v21, $0x3  }
0x12d: {  	v21 =	vand.u32 $0x75, v21;
	v22 =	vand.u32 $0xC00, v22  }
0x12e: {  	s6 =	sor.u32 $0x2A00, s31;
	v21 =	vor.u32 v22, v21;
	[tilespmem:v19+s28+$0x0] =	vst.idx.msk $0xffff, v18  }
0x12f: {  	s17 =	sand.u32 $0x7F, s17;
	v19 =	vor.u32 v1, v21;
	v18 =	vld.idx.msk [tilespmem:v20+s6+$0x0], $0xffff  }
0x130: {  	s19 =	simm.s32 $0x6;
	v20 =	vor.u32 s17, v0  }
0x131: {  	v21 =	vmov s19  }
0x132: {  	v22 =	vshll.u32 v21, $0x3  }
0x133: {  	v21 =	vand.u32 $0x76, v21;
	v22 =	vand.u32 $0xC00, v22  }
0x134: {  	s20 =	sor.u32 $0x3200, s31;
	v21 =	vor.u32 v22, v21;
	[tilespmem:v19+s28+$0x0] =	vst.idx.msk $0xffff, v18  }
0x135: {  	s16 =	sand.u32 $0x7F, s16;
	v19 =	vor.u32 v1, v21;
	v18 =	vld.idx.msk [tilespmem:v20+s20+$0x0], $0xffff  }
0x136: {  	s21 =	simm.s32 $0x7;
	v20 =	vor.u32 s16, v0  }
0x137: {  	v21 =	vmov s21  }
0x138: {  	v22 =	vshll.u32 v21, $0x3  }
0x139: {  	v21 =	vand.u32 $0x77, v21;
	v22 =	vand.u32 $0xC00, v22  }
0x13a: {  	s22 =	sor.u32 $0x3A00, s31;
	v21 =	vor.u32 v22, v21;
	[tilespmem:v19+s28+$0x0] =	vst.idx.msk $0xffff, v18  }
0x13b: {  	s15 =	sand.u32 $0x7F, s15;
	v19 =	vor.u32 v1, v21;
	v18 =	vld.idx.msk [tilespmem:v20+s22+$0x0], $0xffff  }
0x13c: {  	s3 =	simm.s32 $0x8;
	v20 =	vor.u32 s15, v0  }
0x13d: {  	v21 =	vmov s3  }
0x13e: {  	v22 =	vshll.u32 v21, $0x3  }
0x13f: {  	v21 =	vand.u32 $0x78, v21;
	v22 =	vand.u32 $0xC00, v22  }
0x140: {  	s4 =	sor.u32 $0x4200, s31;
	v21 =	vor.u32 v22, v21;
	[tilespmem:v19+s28+$0x0] =	vst.idx.msk $0xffff, v18  }
0x141: {  	s14 =	sand.u32 $0x7F, s14;
	v19 =	vor.u32 v1, v21;
	v18 =	vld.idx.msk [tilespmem:v20+s4+$0x0], $0xffff  }
0x142: {  	s5 =	simm.s32 $0x9;
	v20 =	vor.u32 s14, v0  }
0x143: {  	v21 =	vmov s5  }
0x144: {  	v22 =	vshll.u32 v21, $0x3  }
0x145: {  	v21 =	vand.u32 $0x79, v21;
	v22 =	vand.u32 $0xC00, v22  }
0x146: {  	s6 =	sor.u32 $0x4A00, s31;
	v21 =	vor.u32 v22, v21;
	[tilespmem:v19+s28+$0x0] =	vst.idx.msk $0xffff, v18  }
0x147: {  	s13 =	sand.u32 $0x7F, s13;
	v19 =	vor.u32 v1, v21;
	v18 =	vld.idx.msk [tilespmem:v20+s6+$0x0], $0xffff  }
0x148: {  	s14 =	simm.s32 $0xA;
	v20 =	vor.u32 s13, v0  }
0x149: {  	v21 =	vmov s14  }
0x14a: {  	v22 =	vshll.u32 v21, $0x3  }
0x14b: {  	v21 =	vand.u32 $0x7A, v21;
	v22 =	vand.u32 $0xC00, v22  }
0x14c: {  	s15 =	sor.u32 $0x5200, s31;
	v21 =	vor.u32 v22, v21;
	[tilespmem:v19+s28+$0x0] =	vst.idx.msk $0xffff, v18  }
0x14d: {  	s12 =	sand.u32 $0x7F, s12;
	v19 =	vor.u32 v1, v21;
	v18 =	vld.idx.msk [tilespmem:v20+s15+$0x0], $0xffff  }
0x14e: {  	s16 =	simm.s32 $0xB;
	v20 =	vor.u32 s12, v0  }
0x14f: {  	v21 =	vmov s16  }
0x150: {  	v22 =	vshll.u32 v21, $0x3  }
0x151: {  	v21 =	vand.u32 $0x7B, v21;
	v22 =	vand.u32 $0xC00, v22  }
0x152: {  	s17 =	sor.u32 $0x5A00, s31;
	v21 =	vor.u32 v22, v21;
	[tilespmem:v19+s28+$0x0] =	vst.idx.msk $0xffff, v18  }
0x153: {  	s11 =	sand.u32 $0x7F, s11;
	v19 =	vor.u32 v1, v21;
	v18 =	vld.idx.msk [tilespmem:v20+s17+$0x0], $0xffff  }
0x154: {  	s18 =	simm.s32 $0xC;
	v20 =	vor.u32 s11, v0  }
0x155: {  	v21 =	vmov s18  }
0x156: {  	v22 =	vshll.u32 v21, $0x3  }
0x157: {  	v21 =	vand.u32 $0x7C, v21;
	v22 =	vand.u32 $0xC00, v22  }
0x158: {  	s19 =	sor.u32 $0x6200, s31;
	v21 =	vor.u32 v22, v21;
	[tilespmem:v19+s28+$0x0] =	vst.idx.msk $0xffff, v18  }
0x159: {  	s10 =	sand.u32 $0x7F, s10;
	v18 =	vor.u32 v1, v21;
	v19 =	vld.idx.msk [tilespmem:v20+s19+$0x0], $0xffff  }
0x15a: {  	s20 =	simm.s32 $0xD;
	v22 =	vor.u32 s10, v0  }
0x15b: {  	s21 =	simm.s32 $0xE;
	v20 =	vmov s20  }
0x15c: {  	v21 =	vmov s21;
	v23 =	vshll.u32 v20, $0x3  }
0x15d: {  	v24 =	vshll.u32 v21, $0x3;
	v20 =	vand.u32 $0x7D, v20;
	v23 =	vand.u32 $0xC00, v23  }
0x15e: {  	s22 =	sor.u32 $0x6A00, s31;
	v21 =	vand.u32 $0x7E, v21;
	v24 =	vand.u32 $0xC00, v24;
	[tilespmem:v18+s28+$0x0] =	vst.idx.msk $0xffff, v19;
	v19 =	vor.u32 v23, v20  }
0x15f: {  	s1 =	sand.u32 $0x7F, s1;
	v23 =	vor.u32 v24, v21;
	v21 =	vor.u32 v1, v19;
	v22 =	vld.idx.msk [tilespmem:v22+s22+$0x0], $0xffff  }
0x160: {  	v20 =	vor.u32 s1, v0  }
0x161: {  	s2 =	sand.u32 $0x7F, s2  }
0x162: {  	s30 =	simm.s32 $0x1F;
	s29 =	simm.s32 $0xF;
	v18 =	vor.u32 s2, v0;
	s1 =	sor.u32 $0x7200, s31;
	v19 =	vor.u32 v1, v23  }
.LBB2_2:
0x163: {  	p0 =	sne.s32 s30, $0x1EF;
	s24 =	sadd.s32 $0x10, s24  }
0x164: {  	[tilespmem:v21+s28+$0x0] =	vst.idx.msk $0xffff, v22;
	s10 =	smov.u32 s30;
	s30 =	sadd.s32 $0x10, s30;
	s2 =	smov.u32 s25  }
0x165: {  	v20 =	vld.idx.msk [tilespmem:v20+s1+$0x0], $0xffff  }
0x166: {  	v21 =	vmov s29;
	s29 =	smov.u32 s10  }
0x167: {  	v22 =	vshll.u32 v21, $0x3  }
0x168: {  	s1 =	sor.u32 $0x7A00, s31;
	v21 =	vand.u32 $0x7F, v21;
	v22 =	vand.u32 $0xC00, v22  }
0x169: {  	v21 =	vor.u32 v22, v21  }
0x16a: {  	v21 =	vor.u32 v1, v21  }
0x16b: {  	[tilespmem:v19+s28+$0x0] =	vst.idx.msk $0xffff, v20  }
0x16c: {  	v18 =	vld.idx.msk [tilespmem:v18+s1+$0x0], $0xffff;
	_ =	sdelay $0x5  }
0x16d: {  	[tilespmem:v21+s28+$0x0] =	vst.idx.msk $0xffff, v18  }
0x16e: {  	v18 =	vld [tilespmem:s24+$0x0];
	_ =	sdelay $0x4  }
0x16f: {  	(v2sf) =	vpush v18, $0x0  }
0x170: {  	s25 =	sadd.s32 $0x8000, s25;
	(v2sf) =	vpush v18, $0x1  }
0x171: {  	s1 =	sand.u32 $0x8000, s25;
	(v2sf) =	vpush v18, $0x2  }
0x172: {  	s18 =	sor.u32 $0x1A00, s1;
	s17 =	sor.u32 $0x2200, s1  }
0x173: {  	s19 =	sor.u32 $0x200, s1;
	s20 =	sor.u32 $0x1200, s1;
	(v2sf) =	vpush v18, $0x3  }
0x174: {  	s21 =	sor.u32 $0xA00, s1  }
0x175: {  	(v2sf) =	vpush v18, $0x4;
	_ =	sdelay $0x1  }
0x176: {  	(v2sf) =	vpush v18, $0x5;
	_ =	sdelay $0x1  }
0x177: {  	(v2sf) =	vpush v18, $0x6;
	_ =	sdelay $0x1  }
0x178: {  	s10 =	sor.u32 $0x7A00, s1;
	(v2sf) =	vpush v18, $0x7  }
0x179: {  	s13 =	sor.u32 $0x5A00, s1;
	s12 =	sor.u32 $0x6200, s1;
	s11 =	sor.u32 $0x6A00, s1  }
0x17a: {  	s16 =	sor.u32 $0x4200, s1;
	s15 =	sor.u32 $0x4A00, s1;
	s14 =	sor.u32 $0x5200, s1;
	(v2sf) =	vpush v18, $0x8  }
0x17b: {  	s22 =	sor.u32 $0x3200, s1;
	s31 =	sor.u32 $0x3A00, s1;
	s3 =	spop (v2sf)  }
0x17c: {  	s4 =	sor.u32 $0x2A00, s1;
	s3 =	sand.u32 $0xFFFFF80, s3;
	(v2sf) =	vpush v18, $0x9;
	s5 =	spop (v2sf)  }
0x17d: {  	s3 =	sadd.s32 s0, s3;
	s5 =	sand.u32 $0xFFFFF80, s5;
	s6 =	spop (v2sf)  }
0x17e: {  	[tilespmem:s19], [sflag:$0x1] =	stream.strided.gather [hbm4b:s3+s7], $0x800, s9, s7, $0x38;
	(v2sf) =	vpush v18, $0xA;
	[tilespmem:$0x12200] =	vst v63  }
0x17f: {  	s3 =	sadd.s32 s0, s5;
	s5 =	sand.u32 $0xFFFFF80, s6;
	s6 =	spop (v2sf)  }
0x180: {  	[tilespmem:s21], [sflag:$0x1] =	stream.strided.gather [hbm4b:s3+s7], $0x800, s9, s7, $0x38;
	(v2sf) =	vpush v18, $0xB;
	[tilespmem:$0x12200] =	vst v63  }
0x181: {  	s3 =	sadd.s32 s0, s5;
	s5 =	sand.u32 $0xFFFFF80, s6;
	s6 =	spop (v2sf)  }
0x182: {  	[tilespmem:s20], [sflag:$0x1] =	stream.strided.gather [hbm4b:s3+s7], $0x800, s9, s7, $0x38;
	(v2sf) =	vpush v18, $0xC;
	[tilespmem:$0x12200] =	vst v63  }
0x183: {  	s3 =	sadd.s32 s0, s5;
	s5 =	sand.u32 $0xFFFFF80, s6;
	s6 =	spop (v2sf)  }
0x184: {  	[tilespmem:s18], [sflag:$0x1] =	stream.strided.gather [hbm4b:s3+s7], $0x800, s9, s7, $0x38;
	(v2sf) =	vpush v18, $0xD;
	[tilespmem:$0x12200] =	vst v63  }
0x185: {  	s3 =	sadd.s32 s0, s5;
	s5 =	sand.u32 $0xFFFFF80, s6;
	s6 =	spop (v2sf)  }
0x186: {  	[tilespmem:s17], [sflag:$0x1] =	stream.strided.gather [hbm4b:s3+s7], $0x800, s9, s7, $0x38;
	(v2sf) =	vpush v18, $0xE;
	[tilespmem:$0x12200] =	vst v63  }
0x187: {  	s3 =	sadd.s32 s0, s5;
	s5 =	sand.u32 $0xFFFFF80, s6;
	s6 =	spop (v2sf)  }
0x188: {  	[tilespmem:s4], [sflag:$0x1] =	stream.strided.gather [hbm4b:s3+s7], $0x800, s9, s7, $0x38;
	(v2sf) =	vpush v18, $0xF;
	[tilespmem:$0x12200] =	vst v63  }
0x189: {  	s3 =	sadd.s32 s0, s5;
	s4 =	sand.u32 $0xFFFFF80, s6;
	s5 =	spop (v2sf)  }
0x18a: {  	[tilespmem:s22], [sflag:$0x1] =	stream.strided.gather [hbm4b:s3+s7], $0x800, s9, s7, $0x38;
	[tilespmem:$0x12200] =	vst v63  }
0x18b: {  	s3 =	sadd.s32 s0, s4;
	s4 =	sand.u32 $0xFFFFF80, s5;
	s5 =	spop (v2sf)  }
0x18c: {  	[tilespmem:s31], [sflag:$0x1] =	stream.strided.gather [hbm4b:s3+s7], $0x800, s9, s7, $0x38;
	[tilespmem:$0x12200] =	vst v63  }
0x18d: {  	s3 =	sadd.s32 s0, s4;
	s4 =	sand.u32 $0xFFFFF80, s5;
	s5 =	spop (v2sf)  }
0x18e: {  	[tilespmem:s16], [sflag:$0x1] =	stream.strided.gather [hbm4b:s3+s7], $0x800, s9, s7, $0x38;
	[tilespmem:$0x12200] =	vst v63  }
0x18f: {  	s3 =	sadd.s32 s0, s4;
	s4 =	sand.u32 $0xFFFFF80, s5;
	s5 =	spop (v2sf)  }
0x190: {  	[tilespmem:s15], [sflag:$0x1] =	stream.strided.gather [hbm4b:s3+s7], $0x800, s9, s7, $0x38;
	[tilespmem:$0x12200] =	vst v63  }
0x191: {  	s3 =	sadd.s32 s0, s4;
	s4 =	sand.u32 $0xFFFFF80, s5;
	s5 =	spop (v2sf)  }
0x192: {  	[tilespmem:s14], [sflag:$0x1] =	stream.strided.gather [hbm4b:s3+s7], $0x800, s9, s7, $0x38;
	[tilespmem:$0x12200] =	vst v63  }
0x193: {  	s3 =	sadd.s32 s0, s4;
	s4 =	sand.u32 $0xFFFFF80, s5;
	s5 =	spop (v2sf)  }
0x194: {  	[tilespmem:s13], [sflag:$0x1] =	stream.strided.gather [hbm4b:s3+s7], $0x800, s9, s7, $0x38;
	[tilespmem:$0x12200] =	vst v63  }
0x195: {  	s3 =	sadd.s32 s0, s4;
	s4 =	sand.u32 $0xFFFFF80, s5;
	s5 =	spop (v2sf)  }
0x196: {  	[tilespmem:s12], [sflag:$0x1] =	stream.strided.gather [hbm4b:s3+s7], $0x800, s9, s7, $0x38;
	[tilespmem:$0x12200] =	vst v63  }
0x197: {  	s3 =	sadd.s32 s0, s4;
	s4 =	sand.u32 $0xFFFFF80, s5;
	s5 =	spop (v2sf)  }
0x198: {  	[tilespmem:s11], [sflag:$0x1] =	stream.strided.gather [hbm4b:s3+s7], $0x800, s9, s7, $0x38;
	[tilespmem:$0x12200] =	vst v63  }
0x199: {  	s1 =	sor.u32 $0x7200, s1;
	s3 =	sadd.s32 s0, s4;
	s4 =	sand.u32 $0xFFFFF80, s5  }
0x19a: {  	[tilespmem:s1], [sflag:$0x1] =	stream.strided.gather [hbm4b:s3+s7], $0x800, s9, s7, $0x38;
	[tilespmem:$0x12200] =	vst v63  }
0x19b: {  	s1 =	sadd.s32 s0, s4  }
0x19c: {  	[tilespmem:s10], [sflag:$0x1] =	stream.strided.gather [hbm4b:s1+s7], $0x800, s9, s7, $0x38;
	[tilespmem:$0x12200] =	vst v63  }
0x19d: {  	v18 =	vld [tilespmem:s24+$0xFFFFFFF0]  }
0x19e: {  	_ =	swait.ge [sflag:s26], $0x800  }
0x19f: {  	[sflag:s26] =	ssyncset.done $0x0  }
0x1a0: {  	[sflag:s26] =	ssyncadd.s32 $0xFFFFF800  }
0x1a1: {  	_ =	swait.ge [sflag:s26], $0x800  }
0x1a2: {  	[sflag:s26] =	ssyncset.done $0x0;
	(v2sf) =	vpush v18, $0x0  }
0x1a3: {  	[sflag:s26] =	ssyncadd.s32 $0xFFFFF800;
	(v2sf) =	vpush v18, $0x1  }
0x1a4: {  	_ =	swait.ge [sflag:s26], $0x800  }
0x1a5: {  	(v2sf) =	vpush v18, $0x2  }
0x1a6: {  	[sflag:s26] =	ssyncset.done $0x0;
	(v2sf) =	vpush v18, $0x3  }
0x1a7: {  	[sflag:s26] =	ssyncadd.s32 $0xFFFFF800;
	(v2sf) =	vpush v18, $0x4  }
0x1a8: {  	_ =	swait.ge [sflag:s26], $0x800  }
0x1a9: {  	(v2sf) =	vpush v18, $0x5  }
0x1aa: {  	[sflag:s26] =	ssyncset.done $0x0;
	(v2sf) =	vpush v18, $0x6  }
0x1ab: {  	[sflag:s26] =	ssyncadd.s32 $0xFFFFF800;
	(v2sf) =	vpush v18, $0x7  }
0x1ac: {  	_ =	swait.ge [sflag:s26], $0x800  }
0x1ad: {  	(v2sf) =	vpush v18, $0x8  }
0x1ae: {  	[sflag:s26] =	ssyncset.done $0x0;
	(v2sf) =	vpush v18, $0x9  }
0x1af: {  	[sflag:s26] =	ssyncadd.s32 $0xFFFFF800;
	(v2sf) =	vpush v18, $0xA  }
0x1b0: {  	_ =	swait.ge [sflag:s26], $0x800  }
0x1b1: {  	(v2sf) =	vpush v18, $0xB  }
0x1b2: {  	[sflag:s26] =	ssyncset.done $0x0;
	(v2sf) =	vpush v18, $0xC  }
0x1b3: {  	[sflag:s26] =	ssyncadd.s32 $0xFFFFF800;
	(v2sf) =	vpush v18, $0xD  }
0x1b4: {  	_ =	swait.ge [sflag:s26], $0x800  }
0x1b5: {  	(v2sf) =	vpush v18, $0xE  }
0x1b6: {  	[sflag:s26] =	ssyncset.done $0x0;
	s1 =	spop (v2sf);
	(v2sf) =	vpush v18, $0xF  }
0x1b7: {  	[sflag:s26] =	ssyncadd.s32 $0xFFFFF800;
	s31 =	sand.u32 $0x7F, s1;
	s1 =	spop (v2sf)  }
0x1b8: {  	_ =	swait.ge [sflag:s26], $0x800  }
0x1b9: {  	s22 =	sand.u32 $0x7F, s1;
	s1 =	spop (v2sf)  }
0x1ba: {  	[sflag:s26] =	ssyncset.done $0x0;
	s21 =	sand.u32 $0x7F, s1;
	s1 =	spop (v2sf)  }
0x1bb: {  	[sflag:s26] =	ssyncadd.s32 $0xFFFFF800;
	s20 =	sand.u32 $0x7F, s1;
	s1 =	spop (v2sf)  }
0x1bc: {  	_ =	swait.ge [sflag:s26], $0x800  }
0x1bd: {  	s19 =	sand.u32 $0x7F, s1;
	s1 =	spop (v2sf)  }
0x1be: {  	[sflag:s26] =	ssyncset.done $0x0;
	s18 =	sand.u32 $0x7F, s1;
	s1 =	spop (v2sf)  }
0x1bf: {  	[sflag:s26] =	ssyncadd.s32 $0xFFFFF800;
	s17 =	sand.u32 $0x7F, s1;
	s1 =	spop (v2sf)  }
0x1c0: {  	_ =	swait.ge [sflag:s26], $0x800  }
0x1c1: {  	s16 =	sand.u32 $0x7F, s1;
	s1 =	spop (v2sf)  }
0x1c2: {  	[sflag:s26] =	ssyncset.done $0x0;
	s15 =	sand.u32 $0x7F, s1;
	s1 =	spop (v2sf)  }
0x1c3: {  	[sflag:s26] =	ssyncadd.s32 $0xFFFFF800;
	s14 =	sand.u32 $0x7F, s1;
	s1 =	spop (v2sf)  }
0x1c4: {  	_ =	swait.ge [sflag:s26], $0x800  }
0x1c5: {  	s13 =	sand.u32 $0x7F, s1;
	s1 =	spop (v2sf)  }
0x1c6: {  	[sflag:s26] =	ssyncset.done $0x0;
	s12 =	sand.u32 $0x7F, s1;
	s1 =	spop (v2sf)  }
0x1c7: {  	[sflag:s26] =	ssyncadd.s32 $0xFFFFF800;
	s11 =	sand.u32 $0x7F, s1;
	s1 =	spop (v2sf)  }
0x1c8: {  	_ =	swait.ge [sflag:s26], $0x800  }
0x1c9: {  	s10 =	sand.u32 $0x7F, s1;
	s1 =	spop (v2sf)  }
0x1ca: {  	[sflag:s26] =	ssyncset.done $0x0;
	s1 =	sand.u32 $0x7F, s1;
	s3 =	spop (v2sf)  }
0x1cb: {  	[sflag:s26] =	ssyncadd.s32 $0xFFFFF800;
	s3 =	sand.u32 $0x7F, s3  }
0x1cc: {  	_ =	swait.ge [sflag:s26], $0x800;
	v18 =	vor.u32 s3, v0  }
0x1cd: {  	[sflag:s26] =	ssyncset.done $0x0  }
0x1ce: {  	[sflag:s26] =	ssyncadd.s32 $0xFFFFF800  }
0x1cf: {  	_ =	swait.ge [sflag:s26], $0x800  }
0x1d0: {  	v19 =	vor.u32 s31, v0;
	[sflag:s26] =	ssyncset.done $0x0  }
0x1d1: {  	s3 =	sadd.s32 $0xFFFFFFF1, s29;
	[sflag:s26] =	ssyncadd.s32 $0xFFFFF800  }
0x1d2: {  	v20 =	vmov s3;
	_ =	swait.ge [sflag:s26], $0x800  }
0x1d3: {  	s31 =	sand.u32 $0x8000, s2;
	v21 =	vshll.u32 v20, $0x3;
	[sflag:s26] =	ssyncset.done $0x0  }
0x1d4: {  	s2 =	sor.u32 $0x200, s31;
	v20 =	vand.u32 $0x70, v20;
	v21 =	vand.u32 $0xC00, v21;
	[sflag:s26] =	ssyncadd.s32 $0xFFFFF800  }
0x1d5: {  	v20 =	vor.u32 v21, v20;
	_ =	swait.ge [sflag:s26], $0x800  }
0x1d6: {  	v20 =	vor.u32 v1, v20;
	[sflag:s26] =	ssyncset.done $0x0  }
0x1d7: {  	v21 =	vor.u32 s22, v0;
	[sflag:s26] =	ssyncadd.s32 $0xFFFFF800  }
0x1d8: {  	v19 =	vld.idx.msk [tilespmem:v19+s2+$0x0], $0xffff;
	s2 =	sadd.s32 $0xFFFFFFF2, s29  }
0x1d9: {  	v22 =	vmov s2  }
0x1da: {  	v23 =	vshll.u32 v22, $0x3  }
0x1db: {  	s2 =	sor.u32 $0xA00, s31;
	v22 =	vand.u32 $0x71, v22;
	v23 =	vand.u32 $0xC00, v23  }
0x1dc: {  	v22 =	vor.u32 v23, v22  }
0x1dd: {  	v22 =	vor.u32 v1, v22  }
0x1de: {  	[tilespmem:v20+s28+$0x0] =	vst.idx.msk $0xffff, v19;
	v19 =	vor.u32 s21, v0  }
0x1df: {  	v20 =	vld.idx.msk [tilespmem:v21+s2+$0x0], $0xffff;
	s2 =	sadd.s32 $0xFFFFFFF3, s29  }
0x1e0: {  	v21 =	vmov s2  }
0x1e1: {  	v23 =	vshll.u32 v21, $0x3  }
0x1e2: {  	s2 =	sor.u32 $0x1200, s31;
	v21 =	vand.u32 $0x72, v21;
	v23 =	vand.u32 $0xC00, v23  }
0x1e3: {  	v21 =	vor.u32 v23, v21  }
0x1e4: {  	v21 =	vor.u32 v1, v21  }
0x1e5: {  	[tilespmem:v22+s28+$0x0] =	vst.idx.msk $0xffff, v20;
	v20 =	vor.u32 s20, v0  }
0x1e6: {  	v19 =	vld.idx.msk [tilespmem:v19+s2+$0x0], $0xffff;
	s2 =	sadd.s32 $0xFFFFFFF4, s29  }
0x1e7: {  	v22 =	vmov s2  }
0x1e8: {  	v23 =	vshll.u32 v22, $0x3  }
0x1e9: {  	s2 =	sor.u32 $0x1A00, s31;
	v22 =	vand.u32 $0x73, v22;
	v23 =	vand.u32 $0xC00, v23  }
0x1ea: {  	v22 =	vor.u32 v23, v22  }
0x1eb: {  	v22 =	vor.u32 v1, v22  }
0x1ec: {  	[tilespmem:v21+s28+$0x0] =	vst.idx.msk $0xffff, v19;
	v19 =	vor.u32 s19, v0  }
0x1ed: {  	v20 =	vld.idx.msk [tilespmem:v20+s2+$0x0], $0xffff;
	s2 =	sadd.s32 $0xFFFFFFF5, s29  }
0x1ee: {  	v21 =	vmov s2  }
0x1ef: {  	v23 =	vand.u32 $0x74, v21;
	v21 =	vshll.u32 v21, $0x3  }
0x1f0: {  	s2 =	sor.u32 $0x2200, s31;
	v21 =	vand.u32 $0xC00, v21  }
0x1f1: {  	v21 =	vor.u32 v21, v23  }
0x1f2: {  	v21 =	vor.u32 v1, v21  }
0x1f3: {  	[tilespmem:v22+s28+$0x0] =	vst.idx.msk $0xffff, v20;
	v20 =	vor.u32 s18, v0  }
0x1f4: {  	v19 =	vld.idx.msk [tilespmem:v19+s2+$0x0], $0xffff;
	s2 =	sadd.s32 $0xFFFFFFF6, s29  }
0x1f5: {  	v22 =	vmov s2  }
0x1f6: {  	v23 =	vshll.u32 v22, $0x3  }
0x1f7: {  	s2 =	sor.u32 $0x2A00, s31;
	v22 =	vand.u32 $0x75, v22;
	v23 =	vand.u32 $0xC00, v23  }
0x1f8: {  	v22 =	vor.u32 v23, v22  }
0x1f9: {  	v22 =	vor.u32 v1, v22  }
0x1fa: {  	[tilespmem:v21+s28+$0x0] =	vst.idx.msk $0xffff, v19;
	v19 =	vor.u32 s17, v0  }
0x1fb: {  	v20 =	vld.idx.msk [tilespmem:v20+s2+$0x0], $0xffff;
	s2 =	sadd.s32 $0xFFFFFFF7, s29  }
0x1fc: {  	v21 =	vmov s2  }
0x1fd: {  	v23 =	vshll.u32 v21, $0x3  }
0x1fe: {  	s2 =	sor.u32 $0x3200, s31;
	v21 =	vand.u32 $0x76, v21;
	v23 =	vand.u32 $0xC00, v23  }
0x1ff: {  	v21 =	vor.u32 v23, v21  }
0x200: {  	v21 =	vor.u32 v1, v21  }
0x201: {  	[tilespmem:v22+s28+$0x0] =	vst.idx.msk $0xffff, v20;
	v20 =	vor.u32 s16, v0  }
0x202: {  	v19 =	vld.idx.msk [tilespmem:v19+s2+$0x0], $0xffff;
	s2 =	sadd.s32 $0xFFFFFFF8, s29  }
0x203: {  	v22 =	vmov s2  }
0x204: {  	v23 =	vshll.u32 v22, $0x3  }
0x205: {  	s2 =	sor.u32 $0x3A00, s31;
	v22 =	vand.u32 $0x77, v22;
	v23 =	vand.u32 $0xC00, v23  }
0x206: {  	v22 =	vor.u32 v23, v22  }
0x207: {  	v22 =	vor.u32 v1, v22  }
0x208: {  	[tilespmem:v21+s28+$0x0] =	vst.idx.msk $0xffff, v19;
	v19 =	vor.u32 s15, v0  }
0x209: {  	v20 =	vld.idx.msk [tilespmem:v20+s2+$0x0], $0xffff;
	s2 =	sadd.s32 $0xFFFFFFF9, s29  }
0x20a: {  	v21 =	vmov s2  }
0x20b: {  	v23 =	vshll.u32 v21, $0x3  }
0x20c: {  	s2 =	sor.u32 $0x4200, s31;
	v21 =	vand.u32 $0x78, v21;
	v23 =	vand.u32 $0xC00, v23  }
0x20d: {  	v21 =	vor.u32 v23, v21  }
0x20e: {  	v21 =	vor.u32 v1, v21  }
0x20f: {  	[tilespmem:v22+s28+$0x0] =	vst.idx.msk $0xffff, v20;
	v20 =	vor.u32 s14, v0  }
0x210: {  	v19 =	vld.idx.msk [tilespmem:v19+s2+$0x0], $0xffff;
	s2 =	sadd.s32 $0xFFFFFFFA, s29  }
0x211: {  	v22 =	vmov s2  }
0x212: {  	v23 =	vshll.u32 v22, $0x3  }
0x213: {  	s2 =	sor.u32 $0x4A00, s31;
	v22 =	vand.u32 $0x79, v22;
	v23 =	vand.u32 $0xC00, v23  }
0x214: {  	v22 =	vor.u32 v23, v22  }
0x215: {  	v22 =	vor.u32 v1, v22  }
0x216: {  	[tilespmem:v21+s28+$0x0] =	vst.idx.msk $0xffff, v19;
	v19 =	vor.u32 s13, v0  }
0x217: {  	v20 =	vld.idx.msk [tilespmem:v20+s2+$0x0], $0xffff;
	s2 =	sadd.s32 $0xFFFFFFFB, s29  }
0x218: {  	v21 =	vmov s2  }
0x219: {  	v23 =	vshll.u32 v21, $0x3  }
0x21a: {  	s2 =	sor.u32 $0x5200, s31;
	v21 =	vand.u32 $0x7A, v21;
	v23 =	vand.u32 $0xC00, v23  }
0x21b: {  	v21 =	vor.u32 v23, v21  }
0x21c: {  	v21 =	vor.u32 v1, v21  }
0x21d: {  	[tilespmem:v22+s28+$0x0] =	vst.idx.msk $0xffff, v20;
	v20 =	vor.u32 s12, v0  }
0x21e: {  	v19 =	vld.idx.msk [tilespmem:v19+s2+$0x0], $0xffff;
	s2 =	sadd.s32 $0xFFFFFFFC, s29  }
0x21f: {  	v22 =	vmov s2  }
0x220: {  	v23 =	vand.u32 $0x7B, v22;
	v22 =	vshll.u32 v22, $0x3  }
0x221: {  	s2 =	sor.u32 $0x5A00, s31;
	v22 =	vand.u32 $0xC00, v22  }
0x222: {  	v22 =	vor.u32 v22, v23  }
0x223: {  	v22 =	vor.u32 v1, v22  }
0x224: {  	[tilespmem:v21+s28+$0x0] =	vst.idx.msk $0xffff, v19;
	v19 =	vor.u32 s11, v0  }
0x225: {  	v20 =	vld.idx.msk [tilespmem:v20+s2+$0x0], $0xffff;
	s2 =	sadd.s32 $0xFFFFFFFD, s29  }
0x226: {  	v21 =	vmov s2  }
0x227: {  	v23 =	vshll.u32 v21, $0x3  }
0x228: {  	s2 =	sor.u32 $0x6200, s31;
	v21 =	vand.u32 $0x7C, v21;
	v23 =	vand.u32 $0xC00, v23  }
0x229: {  	v21 =	vor.u32 v23, v21  }
0x22a: {  	v23 =	vor.u32 v1, v21  }
0x22b: {  	[tilespmem:v22+s28+$0x0] =	vst.idx.msk $0xffff, v20;
	v22 =	vor.u32 s10, v0  }
0x22c: {  	v19 =	vld.idx.msk [tilespmem:v19+s2+$0x0], $0xffff;
	s2 =	sadd.s32 $0xFFFFFFFE, s29  }
0x22d: {  	v20 =	vmov s2  }
0x22e: {  	v21 =	vshll.u32 v20, $0x3  }
0x22f: {  	s2 =	sor.u32 $0x6A00, s31;
	v20 =	vand.u32 $0x7D, v20;
	v21 =	vand.u32 $0xC00, v21  }
0x230: {  	v20 =	vor.u32 v21, v20  }
0x231: {  	v21 =	vor.u32 v1, v20  }
0x232: {  	v20 =	vor.u32 s1, v0;
	[tilespmem:v23+s28+$0x0] =	vst.idx.msk $0xffff, v19  }
0x233: {  	s1 =	sadd.s32 $0xFFFFFFFF, s29;
	v22 =	vld.idx.msk [tilespmem:v22+s2+$0x0], $0xffff  }
.Ltmp0:
0x234: {  	v19 =	vmov s1;
	(pc) =	sbr.rel @p0 .LBB2_2-.Ltmp0, $4  }
0x235: {  	v23 =	vshll.u32 v19, $0x3  }
0x236: {  	s1 =	sor.u32 $0x7200, s31;
	v19 =	vand.u32 $0x7E, v19;
	v23 =	vand.u32 $0xC00, v23  }
0x237: {  	v19 =	vor.u32 v23, v19  }
0x238: {  	v19 =	vor.u32 v1, v19  }
0x239: {  	_ =	sdelay $0x3  }
0x23a: {  	[tilespmem:v21+s28+$0x0] =	vst.idx.msk $0xffff, v22  }
0x23b: {  	v20 =	vld.idx.msk [tilespmem:v20+s1+$0x0], $0xffff;
	_ =	sdelay $0x1  }
0x23c: {  	v62 =	vmov s29  }
0x23d: {  	v63 =	vshll.u32 v62, $0x3  }
0x23e: {  	v21 =	vand.u32 $0x7F, v62;
	v22 =	vand.u32 $0xC00, v63  }
0x23f: {  	s24 =	sor.u32 $0x7A00, s31;
	v21 =	vor.u32 v22, v21;
	[tilespmem:v19+s28+$0x0] =	vst.idx.msk $0xffff, v20  }
0x240: {  	v19 =	vor.u32 v1, v21;
	v18 =	vld.idx.msk [tilespmem:v18+s24+$0x0], $0xffff;
	_ =	sdelay $0x4  }
0x241: {  	[tilespmem:v19+s28+$0x0] =	vst.idx.msk $0xffff, v18  }
0x242: {  	v18 =	vld [tilespmem:$0x1F0];
	_ =	sdelay $0x4  }
0x243: {  	(v2sf) =	vpush v18, $0x0  }
0x244: {  	(v2sf) =	vpush v18, $0x1  }
0x245: {  	(v2sf) =	vpush v18, $0x2  }
0x246: {  	(v2sf) =	vpush v18, $0x3  }
0x247: {  	(v2sf) =	vpush v18, $0x4  }
0x248: {  	(v2sf) =	vpush v18, $0x5  }
0x249: {  	(v2sf) =	vpush v18, $0x6  }
0x24a: {  	(v2sf) =	vpush v18, $0x7  }
0x24b: {  	(v2sf) =	vpush v18, $0x8  }
0x24c: {  	(v2sf) =	vpush v18, $0x9  }
0x24d: {  	(v2sf) =	vpush v18, $0xA  }
0x24e: {  	(v2sf) =	vpush v18, $0xB  }
0x24f: {  	(v2sf) =	vpush v18, $0xC  }
0x250: {  	(v2sf) =	vpush v18, $0xD  }
0x251: {  	(v2sf) =	vpush v18, $0xE  }
0x252: {  	s3 =	spop (v2sf);
	(v2sf) =	vpush v18, $0xF  }
0x253: {  	s22 =	spop (v2sf)  }
0x254: {  	s21 =	spop (v2sf)  }
0x255: {  	s20 =	spop (v2sf)  }
0x256: {  	s19 =	spop (v2sf)  }
0x257: {  	s18 =	spop (v2sf)  }
0x258: {  	s17 =	spop (v2sf)  }
0x259: {  	s16 =	spop (v2sf)  }
0x25a: {  	s15 =	spop (v2sf)  }
0x25b: {  	s14 =	spop (v2sf)  }
0x25c: {  	s13 =	spop (v2sf)  }
0x25d: {  	s12 =	spop (v2sf)  }
0x25e: {  	s11 =	spop (v2sf)  }
0x25f: {  	s10 =	spop (v2sf)  }
0x260: {  	s2 =	spop (v2sf)  }
0x261: {  	s1 =	spop (v2sf)  }
0x262: {  	_ =	swait.ge [sflag:s26], $0x800  }
0x263: {  	[sflag:s26] =	ssyncset.done $0x0  }
0x264: {  	[sflag:s26] =	ssyncadd.s32 $0xFFFFF800  }
0x265: {  	_ =	swait.ge [sflag:s26], $0x800  }
0x266: {  	[sflag:s26] =	ssyncset.done $0x0  }
0x267: {  	[sflag:s26] =	ssyncadd.s32 $0xFFFFF800  }
0x268: {  	_ =	swait.ge [sflag:s26], $0x800  }
0x269: {  	[sflag:s26] =	ssyncset.done $0x0  }
0x26a: {  	[sflag:s26] =	ssyncadd.s32 $0xFFFFF800  }
0x26b: {  	_ =	swait.ge [sflag:s26], $0x800  }
0x26c: {  	[sflag:s26] =	ssyncset.done $0x0  }
0x26d: {  	[sflag:s26] =	ssyncadd.s32 $0xFFFFF800  }
0x26e: {  	_ =	swait.ge [sflag:s26], $0x800  }
0x26f: {  	[sflag:s26] =	ssyncset.done $0x0  }
0x270: {  	[sflag:s26] =	ssyncadd.s32 $0xFFFFF800  }
0x271: {  	_ =	swait.ge [sflag:s26], $0x800  }
0x272: {  	[sflag:s26] =	ssyncset.done $0x0  }
0x273: {  	[sflag:s26] =	ssyncadd.s32 $0xFFFFF800  }
0x274: {  	_ =	swait.ge [sflag:s26], $0x800  }
0x275: {  	[sflag:s26] =	ssyncset.done $0x0  }
0x276: {  	[sflag:s26] =	ssyncadd.s32 $0xFFFFF800  }
0x277: {  	_ =	swait.ge [sflag:s26], $0x800  }
0x278: {  	[sflag:s26] =	ssyncset.done $0x0  }
0x279: {  	[sflag:s26] =	ssyncadd.s32 $0xFFFFF800  }
0x27a: {  	_ =	swait.ge [sflag:s26], $0x800  }
0x27b: {  	[sflag:s26] =	ssyncset.done $0x0  }
0x27c: {  	[sflag:s26] =	ssyncadd.s32 $0xFFFFF800  }
0x27d: {  	_ =	swait.ge [sflag:s26], $0x800  }
0x27e: {  	[sflag:s26] =	ssyncset.done $0x0  }
0x27f: {  	[sflag:s26] =	ssyncadd.s32 $0xFFFFF800  }
0x280: {  	_ =	swait.ge [sflag:s26], $0x800  }
0x281: {  	[sflag:s26] =	ssyncset.done $0x0  }
0x282: {  	[sflag:s26] =	ssyncadd.s32 $0xFFFFF800  }
0x283: {  	_ =	swait.ge [sflag:s26], $0x800  }
0x284: {  	[sflag:s26] =	ssyncset.done $0x0  }
0x285: {  	[sflag:s26] =	ssyncadd.s32 $0xFFFFF800  }
0x286: {  	_ =	swait.ge [sflag:s26], $0x800  }
0x287: {  	[sflag:s26] =	ssyncset.done $0x0  }
0x288: {  	[sflag:s26] =	ssyncadd.s32 $0xFFFFF800  }
0x289: {  	_ =	swait.ge [sflag:s26], $0x800  }
0x28a: {  	[sflag:s26] =	ssyncset.done $0x0  }
0x28b: {  	[sflag:s26] =	ssyncadd.s32 $0xFFFFF800  }
0x28c: {  	s3 =	sand.u32 $0x7F, s3;
	_ =	swait.ge [sflag:s26], $0x800  }
0x28d: {  	v18 =	vor.u32 s3, v0;
	[sflag:s26] =	ssyncset.done $0x0  }
0x28e: {  	[sflag:s26] =	ssyncadd.s32 $0xFFFFF800  }
0x28f: {  	_ =	swait.ge [sflag:s26], $0x800  }
0x290: {  	[sflag:s26] =	ssyncset.done $0x0  }
0x291: {  	s25 =	simm.s32 $0x8200;
	[sflag:s26] =	ssyncadd.s32 $0xFFFFF800  }
0x292: {  	s29 =	sand.u32 $0x7F, s22;
	v18 =	vld.idx.msk [tilespmem:v18+s25+$0x0], $0xffff  }
0x293: {  	v19 =	vor.u32 s29, v0;
	_ =	sdelay $0x3  }
0x294: {  	s30 =	simm.s32 $0x8A00;
	[tilespmem:v2+s28+$0x0] =	vst.idx.msk $0xffff, v18  }
0x295: {  	s31 =	sand.u32 $0x7F, s21;
	v18 =	vld.idx.msk [tilespmem:v19+s30+$0x0], $0xffff  }
0x296: {  	v19 =	vor.u32 s31, v0;
	_ =	sdelay $0x3  }
0x297: {  	s4 =	simm.s32 $0x9200;
	[tilespmem:v3+s28+$0x0] =	vst.idx.msk $0xffff, v18  }
0x298: {  	s5 =	sand.u32 $0x7F, s20;
	v18 =	vld.idx.msk [tilespmem:v19+s4+$0x0], $0xffff  }
0x299: {  	v19 =	vor.u32 s5, v0;
	_ =	sdelay $0x3  }
0x29a: {  	s6 =	simm.s32 $0x9A00;
	[tilespmem:v4+s28+$0x0] =	vst.idx.msk $0xffff, v18  }
0x29b: {  	s19 =	sand.u32 $0x7F, s19;
	v18 =	vld.idx.msk [tilespmem:v19+s6+$0x0], $0xffff  }
0x29c: {  	v19 =	vor.u32 s19, v0;
	_ =	sdelay $0x3  }
0x29d: {  	s20 =	simm.s32 $0xA200;
	[tilespmem:v5+s28+$0x0] =	vst.idx.msk $0xffff, v18  }
0x29e: {  	s21 =	sand.u32 $0x7F, s18;
	v18 =	vld.idx.msk [tilespmem:v19+s20+$0x0], $0xffff  }
0x29f: {  	v19 =	vor.u32 s21, v0;
	_ =	sdelay $0x3  }
0x2a0: {  	s22 =	simm.s32 $0xAA00;
	[tilespmem:v6+s28+$0x0] =	vst.idx.msk $0xffff, v18  }
0x2a1: {  	s24 =	sand.u32 $0x7F, s17;
	v18 =	vld.idx.msk [tilespmem:v19+s22+$0x0], $0xffff  }
0x2a2: {  	v19 =	vor.u32 s24, v0;
	_ =	sdelay $0x3  }
0x2a3: {  	s25 =	simm.s32 $0xB200;
	[tilespmem:v7+s28+$0x0] =	vst.idx.msk $0xffff, v18  }
0x2a4: {  	s29 =	sand.u32 $0x7F, s16;
	v18 =	vld.idx.msk [tilespmem:v19+s25+$0x0], $0xffff  }
0x2a5: {  	v19 =	vor.u32 s29, v0;
	_ =	sdelay $0x3  }
0x2a6: {  	s30 =	simm.s32 $0xBA00;
	[tilespmem:v8+s28+$0x0] =	vst.idx.msk $0xffff, v18  }
0x2a7: {  	s31 =	sand.u32 $0x7F, s15;
	v18 =	vld.idx.msk [tilespmem:v19+s30+$0x0], $0xffff  }
0x2a8: {  	v19 =	vor.u32 s31, v0;
	_ =	sdelay $0x3  }
0x2a9: {  	s4 =	simm.s32 $0xC200;
	[tilespmem:v9+s28+$0x0] =	vst.idx.msk $0xffff, v18  }
0x2aa: {  	s5 =	sand.u32 $0x7F, s14;
	v18 =	vld.idx.msk [tilespmem:v19+s4+$0x0], $0xffff  }
0x2ab: {  	v19 =	vor.u32 s5, v0;
	_ =	sdelay $0x3  }
0x2ac: {  	s6 =	simm.s32 $0xCA00;
	[tilespmem:v10+s28+$0x0] =	vst.idx.msk $0xffff, v18  }
0x2ad: {  	s14 =	sand.u32 $0x7F, s13;
	v18 =	vld.idx.msk [tilespmem:v19+s6+$0x0], $0xffff  }
0x2ae: {  	v19 =	vor.u32 s14, v0;
	_ =	sdelay $0x3  }
0x2af: {  	s15 =	simm.s32 $0xD200;
	[tilespmem:v11+s28+$0x0] =	vst.idx.msk $0xffff, v18  }
0x2b0: {  	s16 =	sand.u32 $0x7F, s12;
	v18 =	vld.idx.msk [tilespmem:v19+s15+$0x0], $0xffff  }
0x2b1: {  	v19 =	vor.u32 s16, v0;
	_ =	sdelay $0x3  }
0x2b2: {  	s17 =	simm.s32 $0xDA00;
	[tilespmem:v12+s28+$0x0] =	vst.idx.msk $0xffff, v18  }
0x2b3: {  	s18 =	sand.u32 $0x7F, s11;
	v18 =	vld.idx.msk [tilespmem:v19+s17+$0x0], $0xffff  }
0x2b4: {  	v19 =	vor.u32 s18, v0;
	_ =	sdelay $0x3  }
0x2b5: {  	s19 =	simm.s32 $0xE200;
	[tilespmem:v13+s28+$0x0] =	vst.idx.msk $0xffff, v18  }
0x2b6: {  	s20 =	sand.u32 $0x7F, s10;
	v18 =	vld.idx.msk [tilespmem:v19+s19+$0x0], $0xffff  }
0x2b7: {  	v19 =	vor.u32 s20, v0;
	_ =	sdelay $0x3  }
0x2b8: {  	s21 =	simm.s32 $0xEA00;
	[tilespmem:v14+s28+$0x0] =	vst.idx.msk $0xffff, v18  }
0x2b9: {  	s2 =	sand.u32 $0x7F, s2;
	v18 =	vld.idx.msk [tilespmem:v19+s21+$0x0], $0xffff  }
0x2ba: {  	v19 =	vor.u32 s2, v0;
	_ =	sdelay $0x3  }
0x2bb: {  	s22 =	simm.s32 $0xF200;
	[tilespmem:v15+s28+$0x0] =	vst.idx.msk $0xffff, v18  }
0x2bc: {  	s1 =	sand.u32 $0x7F, s1;
	v18 =	vld.idx.msk [tilespmem:v19+s22+$0x0], $0xffff  }
0x2bd: {  	v19 =	vor.u32 s1, v0;
	_ =	sdelay $0x3  }
0x2be: {  	s24 =	simm.s32 $0xFA00;
	[tilespmem:v16+s28+$0x0] =	vst.idx.msk $0xffff, v18  }
0x2bf: {  	v18 =	vld.idx.msk [tilespmem:v19+s24+$0x0], $0xffff;
	_ =	sdelay $0x4  }
0x2c0: {  	s25 =	rddreg [dreg:$0x5];
	s29 =	simm.s32 $0x1000;
	s30 =	simm.s32 $0x20000;
	[tilespmem:v17+s28+$0x0] =	vst.idx.msk $0xffff, v18  }
0x2c1: {  	[hbm4b:s25+s29] =	stream.strided.scatter [tilespmem:s28], [sflag:$0x2], $0x2000, s30, s29, $0x38;
	[tilespmem:$0x12200] =	vst v63  }
0x2c2: {  	_ =	swait.ge [sflag:s8], $0x2000  }
0x2c3: {  	s23 =	sadd.s32 $0x1, s23;
	s31 =	rddreg [dreg:$0x6]  }
0x2c4: {  	p0 =	sne.s32 s23, s31  }
.Ltmp1:
0x2c5: {  	_ = 	snop;
	(pc) =	sbr.rel @p0 .LBB2_1-.Ltmp1, $3  }
0x2c6: {  	_ =	sdelay $0x1  }
0x2c7: {  	[sflag:s8] =	ssyncset.done $0x0  }
0x2c8: {  	[sflag:s8] =	ssyncadd.s32 $0xFFFFE000  }
0x2c9: {  	_ =	sfence.sel $0x180000  }
0x2ca: {  	[bflag:$0x0] =	sbarrier.arrive $0xFFFF  }
0x2cb: {  	_ =	strace $0x90000047  }
0x2cc: {  	s0 =	stileid.u32;
	[bflag:$0x2] =	sbarrier.arrive $0xFFFF  }
0x2cd: {  	p0 =	sne.s32 s0, $0x0;
	s0 =	rddreg [dreg:$0x3]  }
0x2ce: {  	s0 =	sadd.s32 @!p0 $0x100000, s0  }
0x2cf: {  	[sflag:s0] =	ssyncadd.tile.s32 @!p0 $0x1;
	_ =	shalt  }
.Lfunc_end2:
_tile_overlayer_lowered:
.L_overlay_start_2:
0x2d0: {  	(tag) =	ssettag $0x2  }
0x2d1: {  	s0 =	rddreg [dreg:$0x0];
	s2 =	stileid.u32  }
0x2d2: {  	s1 =	rddreg [dreg:$0x1];
	p0 =	sne.s32 s2, $0x0  }
0x2d3: {  	s3 =	rddreg [dreg:$0x2];
	[bflag:$0x3] =	sbarrier.arrive $0xFFFF;
	s2 =	simm.s32 @!p0 $0x1C02  }
0x2d4: {  	[timem:s3], [sflag:s2] =	dma.local @!p0 [hbm:s0], s1  }
0x2d5: {  	s0 =	simm.s32 @!p0 $0x2  }
0x2d6: {  	_ =	swait.ge @!p0 [sflag:s0], s1  }
0x2d7: {  	s1 =	ssub.s32 @!p0 $0x0, s1;
	[sflag:s0] =	ssyncset.done @!p0 $0x0  }
0x2d8: {  	[sflag:s0] =	ssyncadd.s32 @!p0 s1  }
0x2d9: {  	[bflag:$0x3] =	sbarrier.arrive $0xFFFF  }
0x2da: {  	_ =	shalt  }

</sc_bundles>
